<compile_context>
chip_gen: v7x
topology: tpu7x:2x2x1
jax: 0.10.2.dev20260603
libtpu: 0.0.44.dev20260713+nightly
codegen_flags: <defaults>
</compile_context>

<pallas_src>
import functools

import jax
import jax.numpy as jnp
from jax import lax
from jax.experimental import pallas as pl
from jax.experimental.pallas import tpu as pltpu
from jax.experimental.pallas import tpu_sc as plsc

N = 10000
E = 160000
C = 7
CP = 16
NROWS = 79
NP = NROWS * 128
TPT = 2 * E // 32
TROWS = 80
TPTP = TROWS * 128
ROWBUF = 10240
STRIPE = ROWBUF // 16
ROWBUF2 = ROWBUF + TPTP
NSPLIT = 4
SPLITW = TPTP // NSPLIT
NAX = NP
AXSTRIPE = NAX // 16
T_SIZE = N * N + N + 16
DUMROW = ROWBUF - 8
NCHUNK = 5

_mesh = plsc.VectorSubcoreMesh(core_axis_name="c", subcore_axis_name="s")


def _scatter_body(ei0, ei1, itr, t16, T_out, rowp, maskp, *scr):
    a_v, b_v = scr[0], scr[1]
    keys_l = scr[2:2 + NSPLIT]
    ids_l = scr[2 + NSPLIT:2 + 2 * NSPLIT]
    rowi_l = scr[2 + 2 * NSPLIT:2 + 3 * NSPLIT]
    ones_l = scr[2 + 3 * NSPLIT:2 + 4 * NSPLIT]
    zb, tv, it1, sem, shrow, shmask = scr[2 + 4 * NSPLIT:]
    cid = lax.axis_index("c")
    sid = lax.axis_index("s")
    zero16 = jnp.zeros((16,), jnp.float32)
    one16 = jnp.ones((16,), jnp.float32)
    nfill = jnp.full((16,), N, jnp.int32)
    iota16 = lax.broadcasted_iota(jnp.int32, (16,), 0)

    def zb_body(i, _):
        zb[pl.ds(i * 16, 16)] = zero16
        return 0
    lax.fori_loop(0, STRIPE // 16, zb_body, 0)
    pltpu.sync_copy(zb, shrow.at[pl.ds(sid * STRIPE, STRIPE)])
    pltpu.sync_copy(zb, shmask.at[pl.ds(sid * STRIPE, STRIPE)])

    base = sid * TPT
    pltpu.sync_copy(ei0.at[pl.ds(base, TPT)], a_v.at[pl.ds(0, TPT)])
    pltpu.sync_copy(ei1.at[pl.ds(base, TPT)], b_v.at[pl.ds(0, TPT)])
    pltpu.sync_copy(t16, tv)

    def tail_body(i, _):
        a_v[pl.ds(TPT + i * 16, 16)] = nfill
        b_v[pl.ds(TPT + i * 16, 16)] = nfill
        return 0
    lax.fori_loop(0, (TPTP - TPT) // 16, tail_body, 0)

    c16 = jnp.full((16,), cid, jnp.int32)
    tvec = tv[...]
    tilebase = (cid * 16 + sid) * TPTP

    for r in range(NSPLIT):
        def cmp_body(j, _, r=r):
            off = r * SPLITW + j * 16
            a16 = a_v[pl.ds(off, 16)]
            b16 = b_v[pl.ds(off, 16)]
            u16 = a16 + (b16 - a16) * c16
            v16 = b16 + (a16 - b16) * c16
            keys_l[r][pl.ds(j * 16, 16)] = u16 * N + v16
            ids_l[r][pl.ds(j * 16, 16)] = tilebase + off + iota16
            rowi_l[r][pl.ds(j * 16, 16)] = jnp.where(
                u16 == tvec, v16, ROWBUF + off + iota16)
            ones_l[r][pl.ds(j * 16, 16)] = one16
            return 0
        lax.fori_loop(0, SPLITW // 16, cmp_body, 0)

    plsc.subcore_barrier()
    cps = []
    for r in range(NSPLIT):
        cps.append(pltpu.async_copy(ids_l[r], T_out.at[keys_l[r]], sem))

    for r in range(NSPLIT):
        pltpu.sync_copy(ones_l[r], shrow.at[rowi_l[r]])

    @pl.when(sid == 0)
    def _():
        pltpu.sync_copy(itr, it1)
        pltpu.sync_copy(ones_l[0].at[pl.ds(0, 1024)], shmask.at[it1])

    for cp in cps:
        cp.wait()
    plsc.subcore_barrier()
    pltpu.sync_copy(shrow.at[pl.ds(sid * STRIPE, STRIPE)],
                    rowp.at[pl.ds(cid * ROWBUF + sid * STRIPE, STRIPE)])
    pltpu.sync_copy(shmask.at[pl.ds(sid * STRIPE, STRIPE)],
                    maskp.at[pl.ds(cid * ROWBUF + sid * STRIPE, STRIPE)])


_scatter_call = pl.kernel(
    _scatter_body,
    out_type=(
        jax.ShapeDtypeStruct((T_SIZE,), jnp.int32),
        jax.ShapeDtypeStruct((2 * ROWBUF,), jnp.float32),
        jax.ShapeDtypeStruct((2 * ROWBUF,), jnp.float32),
    ),
    mesh=_mesh,
    scratch_types=(
        [pltpu.VMEM((TPTP,), jnp.int32)] * 2
        + [pltpu.VMEM((SPLITW,), jnp.int32)] * NSPLIT
        + [pltpu.VMEM((SPLITW,), jnp.int32)] * NSPLIT
        + [pltpu.VMEM((SPLITW,), jnp.int32)] * NSPLIT
        + [pltpu.VMEM((SPLITW,), jnp.float32)] * NSPLIT
        + [
            pltpu.VMEM((STRIPE,), jnp.float32),
            pltpu.VMEM((16,), jnp.int32),
            pltpu.VMEM((1024,), jnp.int32),
            pltpu.SemaphoreType.DMA,
            pltpu.VMEM_SHARED((ROWBUF2,), jnp.float32),
            pltpu.VMEM_SHARED((ROWBUF,), jnp.float32),
        ]
    ),
)


def _gather_body(ei0, ei1, zrows, T_in, xw, axwp,
                 a_v, b_v, keys_v, w_v, gv_v, au_v, rows_v, shaxw):
    cid = lax.axis_index("c")
    sid = lax.axis_index("s")
    nfill = jnp.full((16,), N, jnp.int32)
    iota16 = lax.broadcasted_iota(jnp.int32, (16,), 0)

    pltpu.sync_copy(zrows.at[pl.ds(sid * AXSTRIPE, AXSTRIPE)],
                    shaxw.at[pl.ds(sid * AXSTRIPE, AXSTRIPE)])

    base = sid * TPT
    pltpu.sync_copy(ei0.at[pl.ds(base, TPT)], a_v.at[pl.ds(0, TPT)])
    pltpu.sync_copy(ei1.at[pl.ds(base, TPT)], b_v.at[pl.ds(0, TPT)])

    def tail_body(i, _):
        a_v[pl.ds(TPT + i * 16, 16)] = nfill
        b_v[pl.ds(TPT + i * 16, 16)] = nfill
        return 0
    lax.fori_loop(0, (TPTP - TPT) // 16, tail_body, 0)

    c16 = jnp.full((16,), cid, jnp.int32)

    def key_body(j, _):
        off = j * 16
        a16 = a_v[pl.ds(off, 16)]
        b16 = b_v[pl.ds(off, 16)]
        u16 = a16 + (b16 - a16) * c16
        v16 = b16 + (a16 - b16) * c16
        keys_v[pl.ds(off, 16)] = u16 * N + v16
        return 0
    lax.fori_loop(0, TPTP // 16, key_body, 0)

    pltpu.sync_copy(T_in.at[keys_v], w_v)
    plsc.subcore_barrier()

    tilebase = (cid * 16 + sid) * TPTP
    for cc in range(NCHUNK):
        def chunk_body(j, _):
            off = cc * 2048 + j * 16
            a16 = a_v[pl.ds(off, 16)]
            b16 = b_v[pl.ds(off, 16)]
            u16 = a16 + (b16 - a16) * c16
            v16 = b16 + (a16 - b16) * c16
            id16 = tilebase + off + iota16
            w16 = w_v[pl.ds(off, 16)]
            win = w16 == id16
            gv_v[pl.ds(j * 16, 16)] = jnp.where(win, v16, nfill)
            au_v[pl.ds(j * 16, 16)] = jnp.where(win, u16, nfill)
            return 0
        lax.fori_loop(0, 128, chunk_body, 0)
        pltpu.sync_copy(xw.at[gv_v], rows_v)
        pltpu.sync_copy(rows_v, shaxw.at[au_v], add=True)

    plsc.subcore_barrier()
    pltpu.sync_copy(shaxw.at[pl.ds(sid * AXSTRIPE, AXSTRIPE)],
                    axwp.at[cid, pl.ds(sid * AXSTRIPE, AXSTRIPE)])


_gather_call = pl.kernel(
    _gather_body,
    out_type=jax.ShapeDtypeStruct((2, NAX, CP), jnp.float32),
    mesh=_mesh,
    scratch_types=[
        pltpu.VMEM((TPTP,), jnp.int32),
        pltpu.VMEM((TPTP,), jnp.int32),
        pltpu.VMEM((TPTP,), jnp.int32),
        pltpu.VMEM((TPTP,), jnp.int32),
        pltpu.VMEM((2048,), jnp.int32),
        pltpu.VMEM((2048,), jnp.int32),
        pltpu.VMEM((2048, CP), jnp.float32),
        pltpu.VMEM_SHARED((NAX, CP), jnp.float32),
    ],
    compiler_params=pltpu.CompilerParams(use_tc_tiling_on_sc=False),
)


def _mm_body(x_ref, w1_ref, w2_ref, o_ref):
    w = jnp.dot(w1_ref[...], w2_ref[...], preferred_element_type=jnp.float32)
    o_ref[...] = jnp.dot(x_ref[...], w, preferred_element_type=jnp.float32)


_mm_call = pl.pallas_call(
    _mm_body,
    out_shape=jax.ShapeDtypeStruct((NP, CP), jnp.float32),
)


def _search_body(xw_ref, axw_ref, rowp_ref, maskp_ref, lab_ref, ist_ref,
                 row_o, logit_o, picked_o):
    ist = ist_ref[...]
    lab = lab_ref[...]
    row = jnp.maximum(rowp_ref[0], rowp_ref[1])
    tmask = jnp.maximum(maskp_ref[0], maskp_ref[1]) > 0.0

    xw = [xw_ref[c] for c in range(C)]
    axw = [axw_ref[0, c] + axw_ref[1, c] for c in range(C)]

    logit = [jnp.sum(row * axw[c]) for c in range(C)]
    cc = jnp.sum(jnp.where(ist > 0.0, lab, 0)).astype(jnp.int32)
    m0 = logit[0]
    for c in range(1, C):
        m0 = jnp.maximum(m0, logit[c])
    o0 = jnp.int32(C - 1)
    for c in reversed(range(C)):
        o0 = jnp.where(logit[c] == m0, jnp.int32(c), o0)
    neg = jnp.float32(-1e30)
    m1 = neg
    for c in range(C):
        m1 = jnp.maximum(m1, jnp.where(o0 == c, neg, logit[c]))
    o1 = jnp.int32(C - 1)
    for c in reversed(range(C)):
        o1 = jnp.where((logit[c] == m1) & (o0 != c), jnp.int32(c), o1)
    wrong = jnp.where(o0 != cc, o0, o1)

    sxw = jnp.zeros((NROWS, 128), jnp.float32)
    saxw = jnp.zeros((NROWS, 128), jnp.float32)
    for c in range(C):
        swc = (jnp.where(wrong == c, 1.0, 0.0)
               - 2.0 * jnp.where(cc == c, 1.0, 0.0))
        sxw = sxw + swc * xw[c]
        saxw = saxw + swc * axw[c]
    sxwt = jnp.sum(ist * sxw)
    att = jnp.sum(ist * row)
    xwt = [jnp.sum(ist * xw[c]) for c in range(C)]

    ri = lax.broadcasted_iota(jnp.int32, (NROWS, 128), 0)
    ci = lax.broadcasted_iota(jnp.int32, (NROWS, 128), 1)
    iota2 = ri * 128 + ci
    valid = iota2 < N
    cand = ((tmask & (lab == wrong) & (row == 0.0)) | (row != 0.0))
    cand = cand & (ist == 0.0) & valid

    picked = []
    for _ in range(5):
        f = 1.0 - 2.0 * row
        score = f * (saxw + att * sxw + (row + f) * sxwt)
        score = jnp.where(cand, score, jnp.float32(-1e10))
        m = jnp.max(score)
        best = jnp.min(jnp.where(score == m, iota2, jnp.int32(2**30)))
        isb = (iota2 == best).astype(jnp.float32)
        rb = jnp.sum(isb * row)
        fb = 1.0 - 2.0 * rb
        xwb = [jnp.sum(isb * xw[c]) for c in range(C)]
        sxwb = jnp.sum(isb * sxw)
        for c in range(C):
            axw[c] = axw[c] + (fb * xwb[c]) * ist + (fb * xwt[c]) * isb
        saxw = saxw + (fb * sxwb) * ist + (fb * sxwt) * isb
        row = row + fb * isb
        cand = cand & (iota2 != best)
        picked.append(best)

    row_o[...] = row
    li = lax.broadcasted_iota(jnp.int32, (8, 128), 1)
    lo = jnp.zeros((8, 128), jnp.float32)
    for c in range(C):
        flc = jnp.sum(row * axw[c])
        lo = lo + jnp.where(li == c, flc, 0.0)
    logit_o[...] = lo
    po = jnp.zeros((8, 128), jnp.int32)
    for k in range(5):
        po = po + jnp.where(li == k, picked[k], 0)
    picked_o[...] = po


_search_call = pl.pallas_call(
    _search_body,
    out_shape=(
        jax.ShapeDtypeStruct((NROWS, 128), jnp.float32),
        jax.ShapeDtypeStruct((8, 128), jnp.float32),
        jax.ShapeDtypeStruct((8, 128), jnp.int32),
    ),
)


def kernel(ori_features, edge_index, labels, idx_train, target_node,
           n_perturbations, W1, W2):
    del n_perturbations
    ei = edge_index.astype(jnp.int32)
    t = jnp.asarray(target_node, jnp.int32)

    xp = jnp.zeros((NP, 128), jnp.float32).at[:N].set(ori_features)
    w2p = jnp.pad(W2, ((0, 0), (0, CP - C)))
    xwp = _mm_call(xp, W1, w2p)

    t16 = jnp.full((16,), t, jnp.int32)
    itr2 = jnp.concatenate(
        [idx_train.astype(jnp.int32),
         jnp.full((1024 - idx_train.shape[0],), DUMROW, jnp.int32)])
    T, rowp, maskp = _scatter_call(ei[0], ei[1], itr2, t16)
    zrows = jnp.zeros((NAX, CP), jnp.float32)
    axwp = _gather_call(ei[0], ei[1], zrows, T, xwp)

    xw_t = xwp.T.reshape(CP, NROWS, 128)
    axw_t = axwp.transpose(0, 2, 1).reshape(2, CP, NROWS, 128)
    rowp2 = rowp.reshape(2, ROWBUF)[:, :NP].reshape(2, NROWS, 128)
    maskp2 = maskp.reshape(2, ROWBUF)[:, :NP].reshape(2, NROWS, 128)
    labp = jnp.concatenate(
        [labels.astype(jnp.int32), jnp.full((NP - N,), -1, jnp.int32)]
    ).reshape(NROWS, 128)
    ist = (jnp.arange(NP, dtype=jnp.int32) == t).astype(jnp.float32
                                                        ).reshape(NROWS, 128)

    row2, logit2, picked2 = _search_call(xw_t, axw_t, rowp2, maskp2,
                                         labp, ist)
    row = row2.reshape(-1)[:N]
    final_logit = logit2[0, :C]
    picked = picked2[0, :5]
    return row, final_logit, picked

# --- scband reference (transcript-rebuilt; emitter-appended) ---
"""Pipeline reference for scband-my-attacker-68101001445477 (READ-ONLY COPY).

The authoritative reference and input builder live on the scoring server;
editing this copy changes nothing except your own understanding.
"""

import jax, jax.numpy as jnp
import numpy as np

N = 10000
D = 128
H = 64
C = 7
E = 160000
N_TRAIN = 1000
TARGET = 42
N_PERT = 5


def setup_inputs(seed: int = 0) -> dict:
    key = jax.random.key(seed)
    k1, k2, k3, k4, k5, k6 = jax.random.split(key, 6)
    ori_features = jax.random.uniform(k1, (N, D), dtype=jnp.float32)
    # symmetric-ish adjacency built from a random edge list (dense for the reference)
    ei = jax.random.randint(k2, (2, E), 0, N)
    labels = jax.random.randint(k3, (N,), 0, C)
    idx_train = jax.random.randint(k4, (N_TRAIN,), 0, N)
    W1 = jax.random.normal(k5, (D, H), dtype=jnp.float32) * 0.1
    W2 = jax.random.normal(k6, (H, C), dtype=jnp.float32) * 0.1
    return {
        'ori_features': ori_features,
        'edge_index': ei,
        'labels': labels,
        'idx_train': idx_train,
        'target_node': TARGET,
        'n_perturbations': N_PERT,
        'W1': W1,
        'W2': W2,
    }


def _build_adj(edge_index):
    A = jnp.zeros((N, N), dtype=jnp.float32)
    A = A.at[edge_index[0], edge_index[1]].set(1.0)
    A = A.at[edge_index[1], edge_index[0]].set(1.0)
    # no self loops on diagonal required; keep as-is (faithful to raw csr adj)
    return A


def _target_logit(A, XW, t):
    # row t of A @ A @ XW computed cheaply: (A[t] @ A) @ XW
    v = A[t] @ A          # [N]
    return v @ XW         # [C]


def reference(ori_features, edge_index, labels, idx_train, target_node, n_perturbations, W1, W2):
    w = W1 @ W2                      # [D, C]
    XW = ori_features @ w            # [N, C]
    A = _build_adj(edge_index)
    row = A[target_node]             # [N]

    # full logits for target selection (A @ A @ XW)[target]
    logit_t = _target_logit(A, XW, target_node)
    order = jnp.argsort(-logit_t)
    correct_class = labels[target_node]
    # first class in descending logit order that differs from the true label
    wrong_class = jnp.where(order[0] != correct_class, order[0], order[1])

    # candidate mask: train nodes with label == wrong_class and not connected,
    # plus currently connected nodes
    train_mask = jnp.zeros((N,), dtype=bool).at[idx_train].set(True)
    diff_label_mask = train_mask & (labels == wrong_class) & (row == 0)
    connected_mask = row != 0
    cand_mask = diff_label_mask | connected_mask
    cand_mask = cand_mask.at[target_node].set(False)

    def pick_one(carry, _):
        A_mod, cand = carry
        t = target_node
        ori_logit = _target_logit(A_mod, XW, t)  # [C]

        # vectorized candidate evaluation of toggling edge (t, i):
        # new row_t = row_t with entry i flipped -> v = (row_t' @ A_mod) and also
        # A_mod[:, t] column flip affects A_mod; compute exactly via rank-1 updates.
        row_t = A_mod[t]                        # [N]
        flip = 1.0 - 2.0 * row_t                # +1 if adding edge, -1 if removing
        # After toggling symmetric edge (t,i):
        # (A' A')[t] = (A[t] + f_i e_i) @ (A + f_i (e_t e_i^T + e_i e_t^T))
        #            = A[t]@A + f_i*(A[i] ) + f_i*(A[t,t]) e_i ... expand carefully:
        # A'[t] = A[t] + f e_i
        # A'    = A + f (e_t e_i^T + e_i e_t^T)
        # A'[t] @ A' = A[t]@A + f*A[i] + A[t,t]*f*e_i + A[t,i]*f*e_t + f*f*(e_i^T e_t) terms
        # term1: A[t] @ A = base_v
        base_v = row_t @ A_mod                  # [N]
        Att = A_mod[t, t]
        # For candidate i:
        # v_i = base_v + f_i * A_mod[i] + f_i * row_t[:] contribution:
        #   A[t] @ (f (e_t e_i^T + e_i e_t^T)) = f*(A[t,t] e_i^T + A[t,i] e_t^T)
        #   (f e_i) @ A = f * A[i]
        #   (f e_i) @ f (e_t e_i^T + e_i e_t^T) = f^2 (delta_{i,t} e_i^T + e_t^T)  ; i != t so = f^2 e_t^T
        # logit_i = v_i @ XW
        base_logit = base_v @ XW                # [C]
        AXW = A_mod @ XW                        # [N, C]
        f = flip                                # [N]
        Ati = row_t                             # A_mod[t, i]
        logits_cand = (base_logit[None, :]
                       + f[:, None] * AXW
                       + (f * Att)[:, None] * XW
                       + (f * Ati)[:, None] * XW[t][None, :]
                       + (f * f)[:, None] * XW[t][None, :])  # [N, C]
        diff = logits_cand - ori_logit[None, :]
        score = diff[:, wrong_class] - 2.0 * diff[:, correct_class]  # [N]
        score = jnp.where(cand, score, -1e10)
        best = jnp.argmax(score)

        fb = 1.0 - 2.0 * A_mod[t, best]
        A_new = A_mod.at[t, best].add(fb).at[best, t].add(fb)
        cand_new = cand.at[best].set(False)
        return (A_new, cand_new), best

    (A_final, _), picked = jax.lax.scan(pick_one, (A, cand_mask), None, length=N_PERT)
    final_logit = _target_logit(A_final, XW, target_node)
    return A_final[target_node], final_logit, picked

if __name__ == "__main__":
    import jax
    _d = setup_inputs()
    print(jax.jit(kernel)(*tuple(_d.values())))

</pallas_src>

<mosaic_0001>
#map = affine_map<(d0, d1) -> (0)>
module attributes {stable_mosaic.version = 14 : i64} {
  func.func @_scatter_body(%arg0: i32, %arg1: i32, %arg2: memref<160000xi32, #tpu.memory_space<hbm>>, %arg3: memref<160000xi32, #tpu.memory_space<hbm>>, %arg4: memref<1024xi32, #tpu.memory_space<hbm>>, %arg5: memref<16xi32, #tpu.memory_space<hbm>>, %arg6: memref<100010016xi32, #tpu.memory_space<hbm>>, %arg7: memref<20480xf32, #tpu.memory_space<hbm>>, %arg8: memref<20480xf32, #tpu.memory_space<hbm>>, %arg9: memref<10240xi32, #tpu.memory_space<vmem>>, %arg10: memref<10240xi32, #tpu.memory_space<vmem>>, %arg11: memref<2560xi32, #tpu.memory_space<vmem>>, %arg12: memref<2560xi32, #tpu.memory_space<vmem>>, %arg13: memref<2560xi32, #tpu.memory_space<vmem>>, %arg14: memref<2560xi32, #tpu.memory_space<vmem>>, %arg15: memref<2560xi32, #tpu.memory_space<vmem>>, %arg16: memref<2560xi32, #tpu.memory_space<vmem>>, %arg17: memref<2560xi32, #tpu.memory_space<vmem>>, %arg18: memref<2560xi32, #tpu.memory_space<vmem>>, %arg19: memref<2560xi32, #tpu.memory_space<vmem>>, %arg20: memref<2560xi32, #tpu.memory_space<vmem>>, %arg21: memref<2560xi32, #tpu.memory_space<vmem>>, %arg22: memref<2560xi32, #tpu.memory_space<vmem>>, %arg23: memref<2560xf32, #tpu.memory_space<vmem>>, %arg24: memref<2560xf32, #tpu.memory_space<vmem>>, %arg25: memref<2560xf32, #tpu.memory_space<vmem>>, %arg26: memref<2560xf32, #tpu.memory_space<vmem>>, %arg27: memref<640xf32, #tpu.memory_space<vmem>>, %arg28: memref<16xi32, #tpu.memory_space<vmem>>, %arg29: memref<1024xi32, #tpu.memory_space<vmem>>, %arg30: memref<!tpu.dma_semaphore, #tpu.memory_space<semaphore_mem>>, %arg31: memref<20480xf32, #tpu.memory_space<vmem_shared>>, %arg32: memref<10240xf32, #tpu.memory_space<vmem_shared>>) attributes {dimension_semantics = [#tpu.dimension_semantics<core_parallel>, #tpu.dimension_semantics<subcore_parallel>], iteration_bounds = array<i64: 2, 16>, scalar_prefetch = 0 : i64, scratch_operands = 24 : i64, tpu.core_type = #tpu.core_type<sc_vector_subcore>, window_params = [{transform_indices = #map}, {transform_indices = #map}, {transform_indices = #map}, {transform_indices = #map}, {transform_indices = #map}, {transform_indices = #map}, {transform_indices = #map}]} {
    %broadcast_in_dim3A = arith.constant 0.000000e+00 : f32
    %broadcast_in_dim3A_0 = vector.broadcast %broadcast_in_dim3A : f32 to vector<16xf32>
    %broadcast_in_dim3A_1 = arith.constant 1.000000e+00 : f32
    %broadcast_in_dim3A_2 = vector.broadcast %broadcast_in_dim3A_1 : f32 to vector<16xf32>
    %broadcast_in_dim3A_3 = arith.constant 10000 : i32
    %broadcast_in_dim3A_4 = vector.broadcast %broadcast_in_dim3A_3 : i32 to vector<16xi32>
    %iota3A = tpu.iota {dimensions = array<i32: 0>} : vector<16xi32>
    %scan3A = arith.constant 0 : i32
    %scan3A_5 = arith.constant 0 : i32
    %scan3A_6 = arith.constant 40 : i32
    %scan3A_7 = arith.addi %scan3A_5, %scan3A_6 : i32
    %scan3A_8 = arith.constant 1 : i32
    %scan3A_9 = scf.for %scan3A_89 = %scan3A_5 to %scan3A_7 step %scan3A_8 iter_args(%scan3A_90 = %scan3A) -> (i32)  : i32 {
      %mul3A_91 = arith.constant 16 : i32
      %mul3A_92 = arith.muli %scan3A_89, %mul3A_91 : i32
      %swap3A = arith.index_cast %mul3A_92 : i32 to index
      %swap3A_93 = tpu.vector_load %arg27[%swap3A] {strides = array<i32>} : memref<640xf32, #tpu.memory_space<vmem>>, vector<16xf32>,
      %swap3A_94 = vector.shape_cast %swap3A_93 : vector<16xf32> to vector<16xf32>
      %swap3A_95 = vector.shape_cast %broadcast_in_dim3A_0 : vector<16xf32> to vector<16xf32>
      tpu.vector_store %arg27[%swap3A], %swap3A_95 {strides = array<i32>} : memref<640xf32, #tpu.memory_space<vmem>>, vector<16xf32>,
      %scan3A_96 = arith.constant 0 : i32
      scf.yield %scan3A_96 : i32
    }
    %scan3A_10 = arith.constant 40 : i32
    %mul3A = arith.constant 640 : i32
    %mul3A_11 = arith.muli %arg1, %mul3A : i32
    "tpu.region"() ({
      %run_scoped3A = tpu.sem_alloc : memref<!tpu.dma_semaphore, #tpu.memory_space<semaphore_mem>>
      %dma_start3A_89 = tpu.memref_slice %arg31[%mul3A_11] : memref<20480xf32, #tpu.memory_space<vmem_shared>> -> memref<640xf32, #tpu.memory_space<vmem_shared>>
      %dma_start3A_90 = tpu.memref_slice %arg31[%mul3A_11] : memref<20480xf32, #tpu.memory_space<vmem_shared>> -> memref<640xf32, #tpu.memory_space<vmem_shared>>
      tpu.enqueue_dma source(%arg27 : memref<640xf32, #tpu.memory_space<vmem>>) target(%dma_start3A_90 : memref<640xf32, #tpu.memory_space<vmem_shared>>) target_semaphore(%run_scoped3A : memref<!tpu.dma_semaphore, #tpu.memory_space<semaphore_mem>>)
      %dma_wait3A_91 = tpu.memref_slice %arg31[%mul3A_11] : memref<20480xf32, #tpu.memory_space<vmem_shared>> -> memref<640xf32, #tpu.memory_space<vmem_shared>>
      %dma_wait3A_92 = tpu.memref_slice %arg31[%mul3A_11] : memref<20480xf32, #tpu.memory_space<vmem_shared>> -> memref<640xf32, #tpu.memory_space<vmem_shared>>
      tpu.wait_dma2 semaphore(%run_scoped3A : memref<!tpu.dma_semaphore, #tpu.memory_space<semaphore_mem>>) src(%arg27 : memref<640xf32, #tpu.memory_space<vmem>>) dst(%dma_wait3A_92 : memref<640xf32, #tpu.memory_space<vmem_shared>>)
      tpu.yield
    }) : () -> ()
    %mul3A_12 = arith.constant 640 : i32
    %mul3A_13 = arith.muli %arg1, %mul3A_12 : i32
    "tpu.region"() ({
      %run_scoped3A = tpu.sem_alloc : memref<!tpu.dma_semaphore, #tpu.memory_space<semaphore_mem>>
      %dma_start3A_89 = tpu.memref_slice %arg32[%mul3A_13] : memref<10240xf32, #tpu.memory_space<vmem_shared>> -> memref<640xf32, #tpu.memory_space<vmem_shared>>
      %dma_start3A_90 = tpu.memref_slice %arg32[%mul3A_13] : memref<10240xf32, #tpu.memory_space<vmem_shared>> -> memref<640xf32, #tpu.memory_space<vmem_shared>>
      tpu.enqueue_dma source(%arg27 : memref<640xf32, #tpu.memory_space<vmem>>) target(%dma_start3A_90 : memref<640xf32, #tpu.memory_space<vmem_shared>>) target_semaphore(%run_scoped3A : memref<!tpu.dma_semaphore, #tpu.memory_space<semaphore_mem>>)
      %dma_wait3A_91 = tpu.memref_slice %arg32[%mul3A_13] : memref<10240xf32, #tpu.memory_space<vmem_shared>> -> memref<640xf32, #tpu.memory_space<vmem_shared>>
      %dma_wait3A_92 = tpu.memref_slice %arg32[%mul3A_13] : memref<10240xf32, #tpu.memory_space<vmem_shared>> -> memref<640xf32, #tpu.memory_space<vmem_shared>>
      tpu.wait_dma2 semaphore(%run_scoped3A : memref<!tpu.dma_semaphore, #tpu.memory_space<semaphore_mem>>) src(%arg27 : memref<640xf32, #tpu.memory_space<vmem>>) dst(%dma_wait3A_92 : memref<640xf32, #tpu.memory_space<vmem_shared>>)
      tpu.yield
    }) : () -> ()
    %mul3A_14 = arith.constant 10000 : i32
    %mul3A_15 = arith.muli %arg1, %mul3A_14 : i32
    "tpu.region"() ({
      %run_scoped3A = tpu.sem_alloc : memref<!tpu.dma_semaphore, #tpu.memory_space<semaphore_mem>>
      %dma_start3A_89 = arith.constant 0 : i32
      %dma_start3A_90 = tpu.memref_slice %arg9[%dma_start3A_89] : memref<10240xi32, #tpu.memory_space<vmem>> -> memref<10000xi32, #tpu.memory_space<vmem>>
      %dma_start3A_91 = tpu.memref_slice %arg2[%mul3A_15] : memref<160000xi32, #tpu.memory_space<hbm>> -> memref<10000xi32, #tpu.memory_space<hbm>>
      %dma_start3A_92 = arith.constant 0 : i32
      %dma_start3A_93 = tpu.memref_slice %arg9[%dma_start3A_92] : memref<10240xi32, #tpu.memory_space<vmem>> -> memref<10000xi32, #tpu.memory_space<vmem>>
      %dma_start3A_94 = tpu.memref_slice %arg2[%mul3A_15] : memref<160000xi32, #tpu.memory_space<hbm>> -> memref<10000xi32, #tpu.memory_space<hbm>>
      tpu.enqueue_dma source(%dma_start3A_94 : memref<10000xi32, #tpu.memory_space<hbm>>) target(%dma_start3A_93 : memref<10000xi32, #tpu.memory_space<vmem>>) target_semaphore(%run_scoped3A : memref<!tpu.dma_semaphore, #tpu.memory_space<semaphore_mem>>)
      %dma_wait3A_95 = arith.constant 0 : i32
      %dma_wait3A_96 = tpu.memref_slice %arg9[%dma_wait3A_95] : memref<10240xi32, #tpu.memory_space<vmem>> -> memref<10000xi32, #tpu.memory_space<vmem>>
      %dma_wait3A_97 = tpu.memref_slice %arg2[%mul3A_15] : memref<160000xi32, #tpu.memory_space<hbm>> -> memref<10000xi32, #tpu.memory_space<hbm>>
      %dma_wait3A_98 = arith.constant 0 : i32
      %dma_wait3A_99 = tpu.memref_slice %arg9[%dma_wait3A_98] : memref<10240xi32, #tpu.memory_space<vmem>> -> memref<10000xi32, #tpu.memory_space<vmem>>
      %dma_wait3A_100 = tpu.memref_slice %arg2[%mul3A_15] : memref<160000xi32, #tpu.memory_space<hbm>> -> memref<10000xi32, #tpu.memory_space<hbm>>
      tpu.wait_dma2 semaphore(%run_scoped3A : memref<!tpu.dma_semaphore, #tpu.memory_space<semaphore_mem>>) src(%dma_wait3A_100 : memref<10000xi32, #tpu.memory_space<hbm>>) dst(%dma_wait3A_99 : memref<10000xi32, #tpu.memory_space<vmem>>)
      tpu.yield
    }) : () -> ()
    "tpu.region"() ({
      %run_scoped3A = tpu.sem_alloc : memref<!tpu.dma_semaphore, #tpu.memory_space<semaphore_mem>>
      %dma_start3A_89 = arith.constant 0 : i32
      %dma_start3A_90 = tpu.memref_slice %arg10[%dma_start3A_89] : memref<10240xi32, #tpu.memory_space<vmem>> -> memref<10000xi32, #tpu.memory_space<vmem>>
      %dma_start3A_91 = tpu.memref_slice %arg3[%mul3A_15] : memref<160000xi32, #tpu.memory_space<hbm>> -> memref<10000xi32, #tpu.memory_space<hbm>>
      %dma_start3A_92 = arith.constant 0 : i32
      %dma_start3A_93 = tpu.memref_slice %arg10[%dma_start3A_92] : memref<10240xi32, #tpu.memory_space<vmem>> -> memref<10000xi32, #tpu.memory_space<vmem>>
      %dma_start3A_94 = tpu.memref_slice %arg3[%mul3A_15] : memref<160000xi32, #tpu.memory_space<hbm>> -> memref<10000xi32, #tpu.memory_space<hbm>>
      tpu.enqueue_dma source(%dma_start3A_94 : memref<10000xi32, #tpu.memory_space<hbm>>) target(%dma_start3A_93 : memref<10000xi32, #tpu.memory_space<vmem>>) target_semaphore(%run_scoped3A : memref<!tpu.dma_semaphore, #tpu.memory_space<semaphore_mem>>)
      %dma_wait3A_95 = arith.constant 0 : i32
      %dma_wait3A_96 = tpu.memref_slice %arg10[%dma_wait3A_95] : memref<10240xi32, #tpu.memory_space<vmem>> -> memref<10000xi32, #tpu.memory_space<vmem>>
      %dma_wait3A_97 = tpu.memref_slice %arg3[%mul3A_15] : memref<160000xi32, #tpu.memory_space<hbm>> -> memref<10000xi32, #tpu.memory_space<hbm>>
      %dma_wait3A_98 = arith.constant 0 : i32
      %dma_wait3A_99 = tpu.memref_slice %arg10[%dma_wait3A_98] : memref<10240xi32, #tpu.memory_space<vmem>> -> memref<10000xi32, #tpu.memory_space<vmem>>
      %dma_wait3A_100 = tpu.memref_slice %arg3[%mul3A_15] : memref<160000xi32, #tpu.memory_space<hbm>> -> memref<10000xi32, #tpu.memory_space<hbm>>
      tpu.wait_dma2 semaphore(%run_scoped3A : memref<!tpu.dma_semaphore, #tpu.memory_space<semaphore_mem>>) src(%dma_wait3A_100 : memref<10000xi32, #tpu.memory_space<hbm>>) dst(%dma_wait3A_99 : memref<10000xi32, #tpu.memory_space<vmem>>)
      tpu.yield
    }) : () -> ()
    "tpu.region"() ({
      %run_scoped3A = tpu.sem_alloc : memref<!tpu.dma_semaphore, #tpu.memory_space<semaphore_mem>>
      tpu.enqueue_dma source(%arg5 : memref<16xi32, #tpu.memory_space<hbm>>) target(%arg28 : memref<16xi32, #tpu.memory_space<vmem>>) target_semaphore(%run_scoped3A : memref<!tpu.dma_semaphore, #tpu.memory_space<semaphore_mem>>)
      tpu.wait_dma2 semaphore(%run_scoped3A : memref<!tpu.dma_semaphore, #tpu.memory_space<semaphore_mem>>) src(%arg5 : memref<16xi32, #tpu.memory_space<hbm>>) dst(%arg28 : memref<16xi32, #tpu.memory_space<vmem>>)
      tpu.yield
    }) : () -> ()
    %scan3A_16 = arith.constant 0 : i32
    %scan3A_17 = arith.constant 0 : i32
    %scan3A_18 = arith.constant 15 : i32
    %scan3A_19 = arith.addi %scan3A_17, %scan3A_18 : i32
    %scan3A_20 = arith.constant 1 : i32
    %scan3A_21 = scf.for %scan3A_89 = %scan3A_17 to %scan3A_19 step %scan3A_20 iter_args(%scan3A_90 = %scan3A_16) -> (i32)  : i32 {
      %mul3A_91 = arith.constant 16 : i32
      %mul3A_92 = arith.muli %scan3A_89, %mul3A_91 : i32
      %add3A_93 = arith.constant 10000 : i32
      %add3A_94 = arith.addi %add3A_93, %mul3A_92 : i32
      %swap3A = arith.index_cast %add3A_94 : i32 to index
      %swap3A_95 = tpu.vector_load %arg9[%swap3A] {strides = array<i32>} : memref<10240xi32, #tpu.memory_space<vmem>>, vector<16xi32>,
      %swap3A_96 = vector.shape_cast %swap3A_95 : vector<16xi32> to vector<16xi32>
      %swap3A_97 = vector.shape_cast %broadcast_in_dim3A_4 : vector<16xi32> to vector<16xi32>
      tpu.vector_store %arg9[%swap3A], %swap3A_97 {strides = array<i32>} : memref<10240xi32, #tpu.memory_space<vmem>>, vector<16xi32>,
      %mul3A_98 = arith.constant 16 : i32
      %mul3A_99 = arith.muli %scan3A_89, %mul3A_98 : i32
      %add3A_100 = arith.constant 10000 : i32
      %add3A_101 = arith.addi %add3A_100, %mul3A_99 : i32
      %swap3A_102 = arith.index_cast %add3A_101 : i32 to index
      %swap3A_103 = tpu.vector_load %arg10[%swap3A_102] {strides = array<i32>} : memref<10240xi32, #tpu.memory_space<vmem>>, vector<16xi32>,
      %swap3A_104 = vector.shape_cast %swap3A_103 : vector<16xi32> to vector<16xi32>
      %swap3A_105 = vector.shape_cast %broadcast_in_dim3A_4 : vector<16xi32> to vector<16xi32>
      tpu.vector_store %arg10[%swap3A_102], %swap3A_105 {strides = array<i32>} : memref<10240xi32, #tpu.memory_space<vmem>>, vector<16xi32>,
      %scan3A_106 = arith.constant 0 : i32
      scf.yield %scan3A_106 : i32
    }
    %scan3A_22 = arith.constant 15 : i32
    %broadcast_in_dim3A_23 = vector.broadcast %arg0 : i32 to vector<16xi32>
    %get3A = arith.constant 0 : index
    %get3A_24 = tpu.vector_load %arg28[%get3A] {strides = array<i32>} : memref<16xi32, #tpu.memory_space<vmem>>, vector<16xi32>,
    %get3A_25 = vector.shape_cast %get3A_24 : vector<16xi32> to vector<16xi32>
    %mul3A_26 = arith.constant 16 : i32
    %mul3A_27 = arith.muli %arg0, %mul3A_26 : i32
    %add3A = arith.addi %mul3A_27, %arg1 : i32
    %mul3A_28 = arith.constant 10240 : i32
    %mul3A_29 = arith.muli %add3A, %mul3A_28 : i32
    %scan3A_30 = arith.constant 0 : i32
    %scan3A_31 = arith.constant 0 : i32
    %scan3A_32 = arith.constant 160 : i32
    %scan3A_33 = arith.addi %scan3A_31, %scan3A_32 : i32
    %scan3A_34 = arith.constant 1 : i32
    %scan3A_35 = scf.for %scan3A_89 = %scan3A_31 to %scan3A_33 step %scan3A_34 iter_args(%scan3A_90 = %scan3A_30) -> (i32)  : i32 {
      %mul3A_91 = arith.constant 16 : i32
      %mul3A_92 = arith.muli %scan3A_89, %mul3A_91 : i32
      %add3A_93 = arith.constant 0 : i32
      %add3A_94 = arith.addi %add3A_93, %mul3A_92 : i32
      %get3A_95 = arith.index_cast %add3A_94 : i32 to index
      %get3A_96 = tpu.vector_load %arg9[%get3A_95] {strides = array<i32>} : memref<10240xi32, #tpu.memory_space<vmem>>, vector<16xi32>,
      %get3A_97 = vector.shape_cast %get3A_96 : vector<16xi32> to vector<16xi32>
      %get3A_98 = arith.index_cast %add3A_94 : i32 to index
      %get3A_99 = tpu.vector_load %arg10[%get3A_98] {strides = array<i32>} : memref<10240xi32, #tpu.memory_space<vmem>>, vector<16xi32>,
      %get3A_100 = vector.shape_cast %get3A_99 : vector<16xi32> to vector<16xi32>
      %sub3A = arith.subi %get3A_100, %get3A_97 : vector<16xi32>
      %mul3A_101 = arith.muli %sub3A, %broadcast_in_dim3A_23 : vector<16xi32>
      %add3A_102 = arith.addi %get3A_97, %mul3A_101 : vector<16xi32>
      %sub3A_103 = arith.subi %get3A_97, %get3A_100 : vector<16xi32>
      %mul3A_104 = arith.muli %sub3A_103, %broadcast_in_dim3A_23 : vector<16xi32>
      %add3A_105 = arith.addi %get3A_100, %mul3A_104 : vector<16xi32>
      %mul3A_106 = arith.constant 10000 : i32
      %mul3A_107 = vector.broadcast %mul3A_106 : i32 to vector<16xi32>
      %mul3A_108 = arith.muli %add3A_102, %mul3A_107 : vector<16xi32>
      %add3A_109 = arith.addi %mul3A_108, %add3A_105 : vector<16xi32>
      %mul3A_110 = arith.constant 16 : i32
      %mul3A_111 = arith.muli %scan3A_89, %mul3A_110 : i32
      %swap3A = arith.index_cast %mul3A_111 : i32 to index
      %swap3A_112 = tpu.vector_load %arg11[%swap3A] {strides = array<i32>} : memref<2560xi32, #tpu.memory_space<vmem>>, vector<16xi32>,
      %swap3A_113 = vector.shape_cast %swap3A_112 : vector<16xi32> to vector<16xi32>
      %swap3A_114 = vector.shape_cast %add3A_109 : vector<16xi32> to vector<16xi32>
      tpu.vector_store %arg11[%swap3A], %swap3A_114 {strides = array<i32>} : memref<2560xi32, #tpu.memory_space<vmem>>, vector<16xi32>,
      %add3A_115 = arith.addi %mul3A_29, %add3A_94 : i32
      %add3A_116 = vector.broadcast %add3A_115 : i32 to vector<16xi32>
      %add3A_117 = arith.addi %add3A_116, %iota3A : vector<16xi32>
      %mul3A_118 = arith.constant 16 : i32
      %mul3A_119 = arith.muli %scan3A_89, %mul3A_118 : i32
      %swap3A_120 = arith.index_cast %mul3A_119 : i32 to index
      %swap3A_121 = tpu.vector_load %arg15[%swap3A_120] {strides = array<i32>} : memref<2560xi32, #tpu.memory_space<vmem>>, vector<16xi32>,
      %swap3A_122 = vector.shape_cast %swap3A_121 : vector<16xi32> to vector<16xi32>
      %swap3A_123 = vector.shape_cast %add3A_117 : vector<16xi32> to vector<16xi32>
      tpu.vector_store %arg15[%swap3A_120], %swap3A_123 {strides = array<i32>} : memref<2560xi32, #tpu.memory_space<vmem>>, vector<16xi32>,
      %eq3A_124 = arith.cmpi eq, %add3A_102, %get3A_25 : vector<16xi32>
      %add3A_125 = arith.constant 10240 : i32
      %add3A_126 = arith.addi %add3A_125, %add3A_94 : i32
      %add3A_127 = vector.broadcast %add3A_126 : i32 to vector<16xi32>
      %add3A_128 = arith.addi %add3A_127, %iota3A : vector<16xi32>
      %select_n3A = arith.select %eq3A_124, %add3A_105, %add3A_128 : vector<16xi1>, vector<16xi32>
      %mul3A_129 = arith.constant 16 : i32
      %mul3A_130 = arith.muli %scan3A_89, %mul3A_129 : i32
      %swap3A_131 = arith.index_cast %mul3A_130 : i32 to index
      %swap3A_132 = tpu.vector_load %arg19[%swap3A_131] {strides = array<i32>} : memref<2560xi32, #tpu.memory_space<vmem>>, vector<16xi32>,
      %swap3A_133 = vector.shape_cast %swap3A_132 : vector<16xi32> to vector<16xi32>
      %swap3A_134 = vector.shape_cast %select_n3A : vector<16xi32> to vector<16xi32>
      tpu.vector_store %arg19[%swap3A_131], %swap3A_134 {strides = array<i32>} : memref<2560xi32, #tpu.memory_space<vmem>>, vector<16xi32>,
      %mul3A_135 = arith.constant 16 : i32
      %mul3A_136 = arith.muli %scan3A_89, %mul3A_135 : i32
      %swap3A_137 = arith.index_cast %mul3A_136 : i32 to index
      %swap3A_138 = tpu.vector_load %arg23[%swap3A_137] {strides = array<i32>} : memref<2560xf32, #tpu.memory_space<vmem>>, vector<16xf32>,
      %swap3A_139 = vector.shape_cast %swap3A_138 : vector<16xf32> to vector<16xf32>
      %swap3A_140 = vector.shape_cast %broadcast_in_dim3A_2 : vector<16xf32> to vector<16xf32>
      tpu.vector_store %arg23[%swap3A_137], %swap3A_140 {strides = array<i32>} : memref<2560xf32, #tpu.memory_space<vmem>>, vector<16xf32>,
      %scan3A_141 = arith.constant 0 : i32
      scf.yield %scan3A_141 : i32
    }
    %scan3A_36 = arith.constant 160 : i32
    %scan3A_37 = arith.constant 0 : i32
    %scan3A_38 = arith.constant 0 : i32
    %scan3A_39 = arith.constant 160 : i32
    %scan3A_40 = arith.addi %scan3A_38, %scan3A_39 : i32
    %scan3A_41 = arith.constant 1 : i32
    %scan3A_42 = scf.for %scan3A_89 = %scan3A_38 to %scan3A_40 step %scan3A_41 iter_args(%scan3A_90 = %scan3A_37) -> (i32)  : i32 {
      %mul3A_91 = arith.constant 16 : i32
      %mul3A_92 = arith.muli %scan3A_89, %mul3A_91 : i32
      %add3A_93 = arith.constant 2560 : i32
      %add3A_94 = arith.addi %add3A_93, %mul3A_92 : i32
      %get3A_95 = arith.index_cast %add3A_94 : i32 to index
      %get3A_96 = tpu.vector_load %arg9[%get3A_95] {strides = array<i32>} : memref<10240xi32, #tpu.memory_space<vmem>>, vector<16xi32>,
      %get3A_97 = vector.shape_cast %get3A_96 : vector<16xi32> to vector<16xi32>
      %get3A_98 = arith.index_cast %add3A_94 : i32 to index
      %get3A_99 = tpu.vector_load %arg10[%get3A_98] {strides = array<i32>} : memref<10240xi32, #tpu.memory_space<vmem>>, vector<16xi32>,
      %get3A_100 = vector.shape_cast %get3A_99 : vector<16xi32> to vector<16xi32>
      %sub3A = arith.subi %get3A_100, %get3A_97 : vector<16xi32>
      %mul3A_101 = arith.muli %sub3A, %broadcast_in_dim3A_23 : vector<16xi32>
      %add3A_102 = arith.addi %get3A_97, %mul3A_101 : vector<16xi32>
      %sub3A_103 = arith.subi %get3A_97, %get3A_100 : vector<16xi32>
      %mul3A_104 = arith.muli %sub3A_103, %broadcast_in_dim3A_23 : vector<16xi32>
      %add3A_105 = arith.addi %get3A_100, %mul3A_104 : vector<16xi32>
      %mul3A_106 = arith.constant 10000 : i32
      %mul3A_107 = vector.broadcast %mul3A_106 : i32 to vector<16xi32>
      %mul3A_108 = arith.muli %add3A_102, %mul3A_107 : vector<16xi32>
      %add3A_109 = arith.addi %mul3A_108, %add3A_105 : vector<16xi32>
      %mul3A_110 = arith.constant 16 : i32
      %mul3A_111 = arith.muli %scan3A_89, %mul3A_110 : i32
      %swap3A = arith.index_cast %mul3A_111 : i32 to index
      %swap3A_112 = tpu.vector_load %arg12[%swap3A] {strides = array<i32>} : memref<2560xi32, #tpu.memory_space<vmem>>, vector<16xi32>,
      %swap3A_113 = vector.shape_cast %swap3A_112 : vector<16xi32> to vector<16xi32>
      %swap3A_114 = vector.shape_cast %add3A_109 : vector<16xi32> to vector<16xi32>
      tpu.vector_store %arg12[%swap3A], %swap3A_114 {strides = array<i32>} : memref<2560xi32, #tpu.memory_space<vmem>>, vector<16xi32>,
      %add3A_115 = arith.addi %mul3A_29, %add3A_94 : i32
      %add3A_116 = vector.broadcast %add3A_115 : i32 to vector<16xi32>
      %add3A_117 = arith.addi %add3A_116, %iota3A : vector<16xi32>
      %mul3A_118 = arith.constant 16 : i32
      %mul3A_119 = arith.muli %scan3A_89, %mul3A_118 : i32
      %swap3A_120 = arith.index_cast %mul3A_119 : i32 to index
      %swap3A_121 = tpu.vector_load %arg16[%swap3A_120] {strides = array<i32>} : memref<2560xi32, #tpu.memory_space<vmem>>, vector<16xi32>,
      %swap3A_122 = vector.shape_cast %swap3A_121 : vector<16xi32> to vector<16xi32>
      %swap3A_123 = vector.shape_cast %add3A_117 : vector<16xi32> to vector<16xi32>
      tpu.vector_store %arg16[%swap3A_120], %swap3A_123 {strides = array<i32>} : memref<2560xi32, #tpu.memory_space<vmem>>, vector<16xi32>,
      %eq3A_124 = arith.cmpi eq, %add3A_102, %get3A_25 : vector<16xi32>
      %add3A_125 = arith.constant 10240 : i32
      %add3A_126 = arith.addi %add3A_125, %add3A_94 : i32
      %add3A_127 = vector.broadcast %add3A_126 : i32 to vector<16xi32>
      %add3A_128 = arith.addi %add3A_127, %iota3A : vector<16xi32>
      %select_n3A = arith.select %eq3A_124, %add3A_105, %add3A_128 : vector<16xi1>, vector<16xi32>
      %mul3A_129 = arith.constant 16 : i32
      %mul3A_130 = arith.muli %scan3A_89, %mul3A_129 : i32
      %swap3A_131 = arith.index_cast %mul3A_130 : i32 to index
      %swap3A_132 = tpu.vector_load %arg20[%swap3A_131] {strides = array<i32>} : memref<2560xi32, #tpu.memory_space<vmem>>, vector<16xi32>,
      %swap3A_133 = vector.shape_cast %swap3A_132 : vector<16xi32> to vector<16xi32>
      %swap3A_134 = vector.shape_cast %select_n3A : vector<16xi32> to vector<16xi32>
      tpu.vector_store %arg20[%swap3A_131], %swap3A_134 {strides = array<i32>} : memref<2560xi32, #tpu.memory_space<vmem>>, vector<16xi32>,
      %mul3A_135 = arith.constant 16 : i32
      %mul3A_136 = arith.muli %scan3A_89, %mul3A_135 : i32
      %swap3A_137 = arith.index_cast %mul3A_136 : i32 to index
      %swap3A_138 = tpu.vector_load %arg24[%swap3A_137] {strides = array<i32>} : memref<2560xf32, #tpu.memory_space<vmem>>, vector<16xf32>,
      %swap3A_139 = vector.shape_cast %swap3A_138 : vector<16xf32> to vector<16xf32>
      %swap3A_140 = vector.shape_cast %broadcast_in_dim3A_2 : vector<16xf32> to vector<16xf32>
      tpu.vector_store %arg24[%swap3A_137], %swap3A_140 {strides = array<i32>} : memref<2560xf32, #tpu.memory_space<vmem>>, vector<16xf32>,
      %scan3A_141 = arith.constant 0 : i32
      scf.yield %scan3A_141 : i32
    }
    %scan3A_43 = arith.constant 160 : i32
    %scan3A_44 = arith.constant 0 : i32
    %scan3A_45 = arith.constant 0 : i32
    %scan3A_46 = arith.constant 160 : i32
    %scan3A_47 = arith.addi %scan3A_45, %scan3A_46 : i32
    %scan3A_48 = arith.constant 1 : i32
    %scan3A_49 = scf.for %scan3A_89 = %scan3A_45 to %scan3A_47 step %scan3A_48 iter_args(%scan3A_90 = %scan3A_44) -> (i32)  : i32 {
      %mul3A_91 = arith.constant 16 : i32
      %mul3A_92 = arith.muli %scan3A_89, %mul3A_91 : i32
      %add3A_93 = arith.constant 5120 : i32
      %add3A_94 = arith.addi %add3A_93, %mul3A_92 : i32
      %get3A_95 = arith.index_cast %add3A_94 : i32 to index
      %get3A_96 = tpu.vector_load %arg9[%get3A_95] {strides = array<i32>} : memref<10240xi32, #tpu.memory_space<vmem>>, vector<16xi32>,
      %get3A_97 = vector.shape_cast %get3A_96 : vector<16xi32> to vector<16xi32>
      %get3A_98 = arith.index_cast %add3A_94 : i32 to index
      %get3A_99 = tpu.vector_load %arg10[%get3A_98] {strides = array<i32>} : memref<10240xi32, #tpu.memory_space<vmem>>, vector<16xi32>,
      %get3A_100 = vector.shape_cast %get3A_99 : vector<16xi32> to vector<16xi32>
      %sub3A = arith.subi %get3A_100, %get3A_97 : vector<16xi32>
      %mul3A_101 = arith.muli %sub3A, %broadcast_in_dim3A_23 : vector<16xi32>
      %add3A_102 = arith.addi %get3A_97, %mul3A_101 : vector<16xi32>
      %sub3A_103 = arith.subi %get3A_97, %get3A_100 : vector<16xi32>
      %mul3A_104 = arith.muli %sub3A_103, %broadcast_in_dim3A_23 : vector<16xi32>
      %add3A_105 = arith.addi %get3A_100, %mul3A_104 : vector<16xi32>
      %mul3A_106 = arith.constant 10000 : i32
      %mul3A_107 = vector.broadcast %mul3A_106 : i32 to vector<16xi32>
      %mul3A_108 = arith.muli %add3A_102, %mul3A_107 : vector<16xi32>
      %add3A_109 = arith.addi %mul3A_108, %add3A_105 : vector<16xi32>
      %mul3A_110 = arith.constant 16 : i32
      %mul3A_111 = arith.muli %scan3A_89, %mul3A_110 : i32
      %swap3A = arith.index_cast %mul3A_111 : i32 to index
      %swap3A_112 = tpu.vector_load %arg13[%swap3A] {strides = array<i32>} : memref<2560xi32, #tpu.memory_space<vmem>>, vector<16xi32>,
      %swap3A_113 = vector.shape_cast %swap3A_112 : vector<16xi32> to vector<16xi32>
      %swap3A_114 = vector.shape_cast %add3A_109 : vector<16xi32> to vector<16xi32>
      tpu.vector_store %arg13[%swap3A], %swap3A_114 {strides = array<i32>} : memref<2560xi32, #tpu.memory_space<vmem>>, vector<16xi32>,
      %add3A_115 = arith.addi %mul3A_29, %add3A_94 : i32
      %add3A_116 = vector.broadcast %add3A_115 : i32 to vector<16xi32>
      %add3A_117 = arith.addi %add3A_116, %iota3A : vector<16xi32>
      %mul3A_118 = arith.constant 16 : i32
      %mul3A_119 = arith.muli %scan3A_89, %mul3A_118 : i32
      %swap3A_120 = arith.index_cast %mul3A_119 : i32 to index
      %swap3A_121 = tpu.vector_load %arg17[%swap3A_120] {strides = array<i32>} : memref<2560xi32, #tpu.memory_space<vmem>>, vector<16xi32>,
      %swap3A_122 = vector.shape_cast %swap3A_121 : vector<16xi32> to vector<16xi32>
      %swap3A_123 = vector.shape_cast %add3A_117 : vector<16xi32> to vector<16xi32>
      tpu.vector_store %arg17[%swap3A_120], %swap3A_123 {strides = array<i32>} : memref<2560xi32, #tpu.memory_space<vmem>>, vector<16xi32>,
      %eq3A_124 = arith.cmpi eq, %add3A_102, %get3A_25 : vector<16xi32>
      %add3A_125 = arith.constant 10240 : i32
      %add3A_126 = arith.addi %add3A_125, %add3A_94 : i32
      %add3A_127 = vector.broadcast %add3A_126 : i32 to vector<16xi32>
      %add3A_128 = arith.addi %add3A_127, %iota3A : vector<16xi32>
      %select_n3A = arith.select %eq3A_124, %add3A_105, %add3A_128 : vector<16xi1>, vector<16xi32>
      %mul3A_129 = arith.constant 16 : i32
      %mul3A_130 = arith.muli %scan3A_89, %mul3A_129 : i32
      %swap3A_131 = arith.index_cast %mul3A_130 : i32 to index
      %swap3A_132 = tpu.vector_load %arg21[%swap3A_131] {strides = array<i32>} : memref<2560xi32, #tpu.memory_space<vmem>>, vector<16xi32>,
      %swap3A_133 = vector.shape_cast %swap3A_132 : vector<16xi32> to vector<16xi32>
      %swap3A_134 = vector.shape_cast %select_n3A : vector<16xi32> to vector<16xi32>
      tpu.vector_store %arg21[%swap3A_131], %swap3A_134 {strides = array<i32>} : memref<2560xi32, #tpu.memory_space<vmem>>, vector<16xi32>,
      %mul3A_135 = arith.constant 16 : i32
      %mul3A_136 = arith.muli %scan3A_89, %mul3A_135 : i32
      %swap3A_137 = arith.index_cast %mul3A_136 : i32 to index
      %swap3A_138 = tpu.vector_load %arg25[%swap3A_137] {strides = array<i32>} : memref<2560xf32, #tpu.memory_space<vmem>>, vector<16xf32>,
      %swap3A_139 = vector.shape_cast %swap3A_138 : vector<16xf32> to vector<16xf32>
      %swap3A_140 = vector.shape_cast %broadcast_in_dim3A_2 : vector<16xf32> to vector<16xf32>
      tpu.vector_store %arg25[%swap3A_137], %swap3A_140 {strides = array<i32>} : memref<2560xf32, #tpu.memory_space<vmem>>, vector<16xf32>,
      %scan3A_141 = arith.constant 0 : i32
      scf.yield %scan3A_141 : i32
    }
    %scan3A_50 = arith.constant 160 : i32
    %scan3A_51 = arith.constant 0 : i32
    %scan3A_52 = arith.constant 0 : i32
    %scan3A_53 = arith.constant 160 : i32
    %scan3A_54 = arith.addi %scan3A_52, %scan3A_53 : i32
    %scan3A_55 = arith.constant 1 : i32
    %scan3A_56 = scf.for %scan3A_89 = %scan3A_52 to %scan3A_54 step %scan3A_55 iter_args(%scan3A_90 = %scan3A_51) -> (i32)  : i32 {
      %mul3A_91 = arith.constant 16 : i32
      %mul3A_92 = arith.muli %scan3A_89, %mul3A_91 : i32
      %add3A_93 = arith.constant 7680 : i32
      %add3A_94 = arith.addi %add3A_93, %mul3A_92 : i32
      %get3A_95 = arith.index_cast %add3A_94 : i32 to index
      %get3A_96 = tpu.vector_load %arg9[%get3A_95] {strides = array<i32>} : memref<10240xi32, #tpu.memory_space<vmem>>, vector<16xi32>,
      %get3A_97 = vector.shape_cast %get3A_96 : vector<16xi32> to vector<16xi32>
      %get3A_98 = arith.index_cast %add3A_94 : i32 to index
      %get3A_99 = tpu.vector_load %arg10[%get3A_98] {strides = array<i32>} : memref<10240xi32, #tpu.memory_space<vmem>>, vector<16xi32>,
      %get3A_100 = vector.shape_cast %get3A_99 : vector<16xi32> to vector<16xi32>
      %sub3A = arith.subi %get3A_100, %get3A_97 : vector<16xi32>
      %mul3A_101 = arith.muli %sub3A, %broadcast_in_dim3A_23 : vector<16xi32>
      %add3A_102 = arith.addi %get3A_97, %mul3A_101 : vector<16xi32>
      %sub3A_103 = arith.subi %get3A_97, %get3A_100 : vector<16xi32>
      %mul3A_104 = arith.muli %sub3A_103, %broadcast_in_dim3A_23 : vector<16xi32>
      %add3A_105 = arith.addi %get3A_100, %mul3A_104 : vector<16xi32>
      %mul3A_106 = arith.constant 10000 : i32
      %mul3A_107 = vector.broadcast %mul3A_106 : i32 to vector<16xi32>
      %mul3A_108 = arith.muli %add3A_102, %mul3A_107 : vector<16xi32>
      %add3A_109 = arith.addi %mul3A_108, %add3A_105 : vector<16xi32>
      %mul3A_110 = arith.constant 16 : i32
      %mul3A_111 = arith.muli %scan3A_89, %mul3A_110 : i32
      %swap3A = arith.index_cast %mul3A_111 : i32 to index
      %swap3A_112 = tpu.vector_load %arg14[%swap3A] {strides = array<i32>} : memref<2560xi32, #tpu.memory_space<vmem>>, vector<16xi32>,
      %swap3A_113 = vector.shape_cast %swap3A_112 : vector<16xi32> to vector<16xi32>
      %swap3A_114 = vector.shape_cast %add3A_109 : vector<16xi32> to vector<16xi32>
      tpu.vector_store %arg14[%swap3A], %swap3A_114 {strides = array<i32>} : memref<2560xi32, #tpu.memory_space<vmem>>, vector<16xi32>,
      %add3A_115 = arith.addi %mul3A_29, %add3A_94 : i32
      %add3A_116 = vector.broadcast %add3A_115 : i32 to vector<16xi32>
      %add3A_117 = arith.addi %add3A_116, %iota3A : vector<16xi32>
      %mul3A_118 = arith.constant 16 : i32
      %mul3A_119 = arith.muli %scan3A_89, %mul3A_118 : i32
      %swap3A_120 = arith.index_cast %mul3A_119 : i32 to index
      %swap3A_121 = tpu.vector_load %arg18[%swap3A_120] {strides = array<i32>} : memref<2560xi32, #tpu.memory_space<vmem>>, vector<16xi32>,
      %swap3A_122 = vector.shape_cast %swap3A_121 : vector<16xi32> to vector<16xi32>
      %swap3A_123 = vector.shape_cast %add3A_117 : vector<16xi32> to vector<16xi32>
      tpu.vector_store %arg18[%swap3A_120], %swap3A_123 {strides = array<i32>} : memref<2560xi32, #tpu.memory_space<vmem>>, vector<16xi32>,
      %eq3A_124 = arith.cmpi eq, %add3A_102, %get3A_25 : vector<16xi32>
      %add3A_125 = arith.constant 10240 : i32
      %add3A_126 = arith.addi %add3A_125, %add3A_94 : i32
      %add3A_127 = vector.broadcast %add3A_126 : i32 to vector<16xi32>
      %add3A_128 = arith.addi %add3A_127, %iota3A : vector<16xi32>
      %select_n3A = arith.select %eq3A_124, %add3A_105, %add3A_128 : vector<16xi1>, vector<16xi32>
      %mul3A_129 = arith.constant 16 : i32
      %mul3A_130 = arith.muli %scan3A_89, %mul3A_129 : i32
      %swap3A_131 = arith.index_cast %mul3A_130 : i32 to index
      %swap3A_132 = tpu.vector_load %arg22[%swap3A_131] {strides = array<i32>} : memref<2560xi32, #tpu.memory_space<vmem>>, vector<16xi32>,
      %swap3A_133 = vector.shape_cast %swap3A_132 : vector<16xi32> to vector<16xi32>
      %swap3A_134 = vector.shape_cast %select_n3A : vector<16xi32> to vector<16xi32>
      tpu.vector_store %arg22[%swap3A_131], %swap3A_134 {strides = array<i32>} : memref<2560xi32, #tpu.memory_space<vmem>>, vector<16xi32>,
      %mul3A_135 = arith.constant 16 : i32
      %mul3A_136 = arith.muli %scan3A_89, %mul3A_135 : i32
      %swap3A_137 = arith.index_cast %mul3A_136 : i32 to index
      %swap3A_138 = tpu.vector_load %arg26[%swap3A_137] {strides = array<i32>} : memref<2560xf32, #tpu.memory_space<vmem>>, vector<16xf32>,
      %swap3A_139 = vector.shape_cast %swap3A_138 : vector<16xf32> to vector<16xf32>
      %swap3A_140 = vector.shape_cast %broadcast_in_dim3A_2 : vector<16xf32> to vector<16xf32>
      tpu.vector_store %arg26[%swap3A_137], %swap3A_140 {strides = array<i32>} : memref<2560xf32, #tpu.memory_space<vmem>>, vector<16xf32>,
      %scan3A_141 = arith.constant 0 : i32
      scf.yield %scan3A_141 : i32
    }
    %scan3A_57 = arith.constant 160 : i32
    %barrier3A = arith.constant 0 : index
    tpu.barrier barrier_id(%barrier3A)
    %dma_start3A = arith.constant 0 : i32
    %dma_start3A_58 = tpu.memref_slice %arg6[%dma_start3A] : memref<100010016xi32, #tpu.memory_space<hbm>> -> memref<100010016xi32, #tpu.memory_space<hbm>>
    tpu.enqueue_indirect_dma source(%arg15 : memref<2560xi32, #tpu.memory_space<vmem>>) target(%dma_start3A_58 : memref<100010016xi32, #tpu.memory_space<hbm>>) offsets(%arg11 : memref<2560xi32, #tpu.memory_space<vmem>>) semaphore(%arg30 : memref<!tpu.dma_semaphore, #tpu.memory_space<semaphore_mem>>)
    %dma_start3A_59 = arith.constant 0 : i32
    %dma_start3A_60 = tpu.memref_slice %arg6[%dma_start3A_59] : memref<100010016xi32, #tpu.memory_space<hbm>> -> memref<100010016xi32, #tpu.memory_space<hbm>>
    tpu.enqueue_indirect_dma source(%arg16 : memref<2560xi32, #tpu.memory_space<vmem>>) target(%dma_start3A_60 : memref<100010016xi32, #tpu.memory_space<hbm>>) offsets(%arg12 : memref<2560xi32, #tpu.memory_space<vmem>>) semaphore(%arg30 : memref<!tpu.dma_semaphore, #tpu.memory_space<semaphore_mem>>)
    %dma_start3A_61 = arith.constant 0 : i32
    %dma_start3A_62 = tpu.memref_slice %arg6[%dma_start3A_61] : memref<100010016xi32, #tpu.memory_space<hbm>> -> memref<100010016xi32, #tpu.memory_space<hbm>>
    tpu.enqueue_indirect_dma source(%arg17 : memref<2560xi32, #tpu.memory_space<vmem>>) target(%dma_start3A_62 : memref<100010016xi32, #tpu.memory_space<hbm>>) offsets(%arg13 : memref<2560xi32, #tpu.memory_space<vmem>>) semaphore(%arg30 : memref<!tpu.dma_semaphore, #tpu.memory_space<semaphore_mem>>)
    %dma_start3A_63 = arith.constant 0 : i32
    %dma_start3A_64 = tpu.memref_slice %arg6[%dma_start3A_63] : memref<100010016xi32, #tpu.memory_space<hbm>> -> memref<100010016xi32, #tpu.memory_space<hbm>>
    tpu.enqueue_indirect_dma source(%arg18 : memref<2560xi32, #tpu.memory_space<vmem>>) target(%dma_start3A_64 : memref<100010016xi32, #tpu.memory_space<hbm>>) offsets(%arg14 : memref<2560xi32, #tpu.memory_space<vmem>>) semaphore(%arg30 : memref<!tpu.dma_semaphore, #tpu.memory_space<semaphore_mem>>)
    "tpu.region"() ({
      %run_scoped3A = tpu.sem_alloc : memref<!tpu.dma_semaphore, #tpu.memory_space<semaphore_mem>>
      %dma_start3A_89 = arith.constant 0 : i32
      %dma_start3A_90 = tpu.memref_slice %arg31[%dma_start3A_89] : memref<20480xf32, #tpu.memory_space<vmem_shared>> -> memref<20480xf32, #tpu.memory_space<vmem_shared>>
      tpu.enqueue_indirect_dma source(%arg23 : memref<2560xf32, #tpu.memory_space<vmem>>) target(%dma_start3A_90 : memref<20480xf32, #tpu.memory_space<vmem_shared>>) offsets(%arg19 : memref<2560xi32, #tpu.memory_space<vmem>>) semaphore(%run_scoped3A : memref<!tpu.dma_semaphore, #tpu.memory_space<semaphore_mem>>)
      %dma_wait3A_91 = arith.constant 0 : i32
      %dma_wait3A_92 = tpu.memref_slice %arg31[%dma_wait3A_91] : memref<20480xf32, #tpu.memory_space<vmem_shared>> -> memref<20480xf32, #tpu.memory_space<vmem_shared>>
      tpu.wait_indirect_dma semaphore(%run_scoped3A : memref<!tpu.dma_semaphore, #tpu.memory_space<semaphore_mem>>) src(%arg23 : memref<2560xf32, #tpu.memory_space<vmem>>) dst(%dma_wait3A_92 : memref<20480xf32, #tpu.memory_space<vmem_shared>>)
      tpu.yield
    }) : () -> ()
    "tpu.region"() ({
      %run_scoped3A = tpu.sem_alloc : memref<!tpu.dma_semaphore, #tpu.memory_space<semaphore_mem>>
      %dma_start3A_89 = arith.constant 0 : i32
      %dma_start3A_90 = tpu.memref_slice %arg31[%dma_start3A_89] : memref<20480xf32, #tpu.memory_space<vmem_shared>> -> memref<20480xf32, #tpu.memory_space<vmem_shared>>
      tpu.enqueue_indirect_dma source(%arg24 : memref<2560xf32, #tpu.memory_space<vmem>>) target(%dma_start3A_90 : memref<20480xf32, #tpu.memory_space<vmem_shared>>) offsets(%arg20 : memref<2560xi32, #tpu.memory_space<vmem>>) semaphore(%run_scoped3A : memref<!tpu.dma_semaphore, #tpu.memory_space<semaphore_mem>>)
      %dma_wait3A_91 = arith.constant 0 : i32
      %dma_wait3A_92 = tpu.memref_slice %arg31[%dma_wait3A_91] : memref<20480xf32, #tpu.memory_space<vmem_shared>> -> memref<20480xf32, #tpu.memory_space<vmem_shared>>
      tpu.wait_indirect_dma semaphore(%run_scoped3A : memref<!tpu.dma_semaphore, #tpu.memory_space<semaphore_mem>>) src(%arg24 : memref<2560xf32, #tpu.memory_space<vmem>>) dst(%dma_wait3A_92 : memref<20480xf32, #tpu.memory_space<vmem_shared>>)
      tpu.yield
    }) : () -> ()
    "tpu.region"() ({
      %run_scoped3A = tpu.sem_alloc : memref<!tpu.dma_semaphore, #tpu.memory_space<semaphore_mem>>
      %dma_start3A_89 = arith.constant 0 : i32
      %dma_start3A_90 = tpu.memref_slice %arg31[%dma_start3A_89] : memref<20480xf32, #tpu.memory_space<vmem_shared>> -> memref<20480xf32, #tpu.memory_space<vmem_shared>>
      tpu.enqueue_indirect_dma source(%arg25 : memref<2560xf32, #tpu.memory_space<vmem>>) target(%dma_start3A_90 : memref<20480xf32, #tpu.memory_space<vmem_shared>>) offsets(%arg21 : memref<2560xi32, #tpu.memory_space<vmem>>) semaphore(%run_scoped3A : memref<!tpu.dma_semaphore, #tpu.memory_space<semaphore_mem>>)
      %dma_wait3A_91 = arith.constant 0 : i32
      %dma_wait3A_92 = tpu.memref_slice %arg31[%dma_wait3A_91] : memref<20480xf32, #tpu.memory_space<vmem_shared>> -> memref<20480xf32, #tpu.memory_space<vmem_shared>>
      tpu.wait_indirect_dma semaphore(%run_scoped3A : memref<!tpu.dma_semaphore, #tpu.memory_space<semaphore_mem>>) src(%arg25 : memref<2560xf32, #tpu.memory_space<vmem>>) dst(%dma_wait3A_92 : memref<20480xf32, #tpu.memory_space<vmem_shared>>)
      tpu.yield
    }) : () -> ()
    "tpu.region"() ({
      %run_scoped3A = tpu.sem_alloc : memref<!tpu.dma_semaphore, #tpu.memory_space<semaphore_mem>>
      %dma_start3A_89 = arith.constant 0 : i32
      %dma_start3A_90 = tpu.memref_slice %arg31[%dma_start3A_89] : memref<20480xf32, #tpu.memory_space<vmem_shared>> -> memref<20480xf32, #tpu.memory_space<vmem_shared>>
      tpu.enqueue_indirect_dma source(%arg26 : memref<2560xf32, #tpu.memory_space<vmem>>) target(%dma_start3A_90 : memref<20480xf32, #tpu.memory_space<vmem_shared>>) offsets(%arg22 : memref<2560xi32, #tpu.memory_space<vmem>>) semaphore(%run_scoped3A : memref<!tpu.dma_semaphore, #tpu.memory_space<semaphore_mem>>)
      %dma_wait3A_91 = arith.constant 0 : i32
      %dma_wait3A_92 = tpu.memref_slice %arg31[%dma_wait3A_91] : memref<20480xf32, #tpu.memory_space<vmem_shared>> -> memref<20480xf32, #tpu.memory_space<vmem_shared>>
      tpu.wait_indirect_dma semaphore(%run_scoped3A : memref<!tpu.dma_semaphore, #tpu.memory_space<semaphore_mem>>) src(%arg26 : memref<2560xf32, #tpu.memory_space<vmem>>) dst(%dma_wait3A_92 : memref<20480xf32, #tpu.memory_space<vmem_shared>>)
      tpu.yield
    }) : () -> ()
    %eq3A = arith.constant 0 : i32
    %eq3A_65 = arith.cmpi eq, %arg1, %eq3A : i32
    %convert_element_type3A = arith.extui %eq3A_65 : i1 to i32
    %cond3A = arith.constant 0 : i32
    %cond3A_66 = arith.cmpi ne, %convert_element_type3A, %cond3A : i32
    scf.if %cond3A_66 {
      "tpu.region"() ({
        %run_scoped3A = tpu.sem_alloc : memref<!tpu.dma_semaphore, #tpu.memory_space<semaphore_mem>>
        tpu.enqueue_dma source(%arg4 : memref<1024xi32, #tpu.memory_space<hbm>>) target(%arg29 : memref<1024xi32, #tpu.memory_space<vmem>>) target_semaphore(%run_scoped3A : memref<!tpu.dma_semaphore, #tpu.memory_space<semaphore_mem>>)
        tpu.wait_dma2 semaphore(%run_scoped3A : memref<!tpu.dma_semaphore, #tpu.memory_space<semaphore_mem>>) src(%arg4 : memref<1024xi32, #tpu.memory_space<hbm>>) dst(%arg29 : memref<1024xi32, #tpu.memory_space<vmem>>)
        tpu.yield
      }) : () -> ()
      "tpu.region"() ({
        %run_scoped3A = tpu.sem_alloc : memref<!tpu.dma_semaphore, #tpu.memory_space<semaphore_mem>>
        %dma_start3A_89 = arith.constant 0 : i32
        %dma_start3A_90 = tpu.memref_slice %arg23[%dma_start3A_89] : memref<2560xf32, #tpu.memory_space<vmem>> -> memref<1024xf32, #tpu.memory_space<vmem>>
        %dma_start3A_91 = arith.constant 0 : i32
        %dma_start3A_92 = tpu.memref_slice %arg32[%dma_start3A_91] : memref<10240xf32, #tpu.memory_space<vmem_shared>> -> memref<10240xf32, #tpu.memory_space<vmem_shared>>
        tpu.enqueue_indirect_dma source(%dma_start3A_90 : memref<1024xf32, #tpu.memory_space<vmem>>) target(%dma_start3A_92 : memref<10240xf32, #tpu.memory_space<vmem_shared>>) offsets(%arg29 : memref<1024xi32, #tpu.memory_space<vmem>>) semaphore(%run_scoped3A : memref<!tpu.dma_semaphore, #tpu.memory_space<semaphore_mem>>)
        %dma_wait3A_93 = arith.constant 0 : i32
        %dma_wait3A_94 = tpu.memref_slice %arg23[%dma_wait3A_93] : memref<2560xf32, #tpu.memory_space<vmem>> -> memref<1024xf32, #tpu.memory_space<vmem>>
        %dma_wait3A_95 = arith.constant 0 : i32
        %dma_wait3A_96 = tpu.memref_slice %arg32[%dma_wait3A_95] : memref<10240xf32, #tpu.memory_space<vmem_shared>> -> memref<10240xf32, #tpu.memory_space<vmem_shared>>
        tpu.wait_indirect_dma semaphore(%run_scoped3A : memref<!tpu.dma_semaphore, #tpu.memory_space<semaphore_mem>>) src(%dma_wait3A_94 : memref<1024xf32, #tpu.memory_space<vmem>>) dst(%dma_wait3A_96 : memref<10240xf32, #tpu.memory_space<vmem_shared>>)
        tpu.yield
      }) : () -> ()
    } else {
    }
    %dma_wait3A = arith.constant 0 : i32
    %dma_wait3A_67 = tpu.memref_slice %arg6[%dma_wait3A] : memref<100010016xi32, #tpu.memory_space<hbm>> -> memref<100010016xi32, #tpu.memory_space<hbm>>
    tpu.wait_indirect_dma semaphore(%arg30 : memref<!tpu.dma_semaphore, #tpu.memory_space<semaphore_mem>>) src(%arg15 : memref<2560xi32, #tpu.memory_space<vmem>>) dst(%dma_wait3A_67 : memref<100010016xi32, #tpu.memory_space<hbm>>)
    %dma_wait3A_68 = arith.constant 0 : i32
    %dma_wait3A_69 = tpu.memref_slice %arg6[%dma_wait3A_68] : memref<100010016xi32, #tpu.memory_space<hbm>> -> memref<100010016xi32, #tpu.memory_space<hbm>>
    tpu.wait_indirect_dma semaphore(%arg30 : memref<!tpu.dma_semaphore, #tpu.memory_space<semaphore_mem>>) src(%arg16 : memref<2560xi32, #tpu.memory_space<vmem>>) dst(%dma_wait3A_69 : memref<100010016xi32, #tpu.memory_space<hbm>>)
    %dma_wait3A_70 = arith.constant 0 : i32
    %dma_wait3A_71 = tpu.memref_slice %arg6[%dma_wait3A_70] : memref<100010016xi32, #tpu.memory_space<hbm>> -> memref<100010016xi32, #tpu.memory_space<hbm>>
    tpu.wait_indirect_dma semaphore(%arg30 : memref<!tpu.dma_semaphore, #tpu.memory_space<semaphore_mem>>) src(%arg17 : memref<2560xi32, #tpu.memory_space<vmem>>) dst(%dma_wait3A_71 : memref<100010016xi32, #tpu.memory_space<hbm>>)
    %dma_wait3A_72 = arith.constant 0 : i32
    %dma_wait3A_73 = tpu.memref_slice %arg6[%dma_wait3A_72] : memref<100010016xi32, #tpu.memory_space<hbm>> -> memref<100010016xi32, #tpu.memory_space<hbm>>
    tpu.wait_indirect_dma semaphore(%arg30 : memref<!tpu.dma_semaphore, #tpu.memory_space<semaphore_mem>>) src(%arg18 : memref<2560xi32, #tpu.memory_space<vmem>>) dst(%dma_wait3A_73 : memref<100010016xi32, #tpu.memory_space<hbm>>)
    %barrier3A_74 = arith.constant 0 : index
    tpu.barrier barrier_id(%barrier3A_74)
    %mul3A_75 = arith.constant 640 : i32
    %mul3A_76 = arith.muli %arg1, %mul3A_75 : i32
    %mul3A_77 = arith.constant 10240 : i32
    %mul3A_78 = arith.muli %arg0, %mul3A_77 : i32
    %mul3A_79 = arith.constant 640 : i32
    %mul3A_80 = arith.muli %arg1, %mul3A_79 : i32
    %add3A_81 = arith.addi %mul3A_78, %mul3A_80 : i32
    "tpu.region"() ({
      %run_scoped3A = tpu.sem_alloc : memref<!tpu.dma_semaphore, #tpu.memory_space<semaphore_mem>>
      %dma_start3A_89 = tpu.memref_slice %arg7[%add3A_81] : memref<20480xf32, #tpu.memory_space<hbm>> -> memref<640xf32, #tpu.memory_space<hbm>>
      %dma_start3A_90 = tpu.memref_slice %arg31[%mul3A_76] : memref<20480xf32, #tpu.memory_space<vmem_shared>> -> memref<640xf32, #tpu.memory_space<vmem_shared>>
      tpu.enqueue_dma source(%dma_start3A_90 : memref<640xf32, #tpu.memory_space<vmem_shared>>) target(%dma_start3A_89 : memref<640xf32, #tpu.memory_space<hbm>>) target_semaphore(%run_scoped3A : memref<!tpu.dma_semaphore, #tpu.memory_space<semaphore_mem>>)
      %dma_wait3A_91 = tpu.memref_slice %arg7[%add3A_81] : memref<20480xf32, #tpu.memory_space<hbm>> -> memref<640xf32, #tpu.memory_space<hbm>>
      %dma_wait3A_92 = tpu.memref_slice %arg31[%mul3A_76] : memref<20480xf32, #tpu.memory_space<vmem_shared>> -> memref<640xf32, #tpu.memory_space<vmem_shared>>
      tpu.wait_dma2 semaphore(%run_scoped3A : memref<!tpu.dma_semaphore, #tpu.memory_space<semaphore_mem>>) src(%dma_wait3A_92 : memref<640xf32, #tpu.memory_space<vmem_shared>>) dst(%dma_wait3A_91 : memref<640xf32, #tpu.memory_space<hbm>>)
      tpu.yield
    }) : () -> ()
    %mul3A_82 = arith.constant 640 : i32
    %mul3A_83 = arith.muli %arg1, %mul3A_82 : i32
    %mul3A_84 = arith.constant 10240 : i32
    %mul3A_85 = arith.muli %arg0, %mul3A_84 : i32
    %mul3A_86 = arith.constant 640 : i32
    %mul3A_87 = arith.muli %arg1, %mul3A_86 : i32
    %add3A_88 = arith.addi %mul3A_85, %mul3A_87 : i32
    "tpu.region"() ({
      %run_scoped3A = tpu.sem_alloc : memref<!tpu.dma_semaphore, #tpu.memory_space<semaphore_mem>>
      %dma_start3A_89 = tpu.memref_slice %arg8[%add3A_88] : memref<20480xf32, #tpu.memory_space<hbm>> -> memref<640xf32, #tpu.memory_space<hbm>>
      %dma_start3A_90 = tpu.memref_slice %arg32[%mul3A_83] : memref<10240xf32, #tpu.memory_space<vmem_shared>> -> memref<640xf32, #tpu.memory_space<vmem_shared>>
      tpu.enqueue_dma source(%dma_start3A_90 : memref<640xf32, #tpu.memory_space<vmem_shared>>) target(%dma_start3A_89 : memref<640xf32, #tpu.memory_space<hbm>>) target_semaphore(%run_scoped3A : memref<!tpu.dma_semaphore, #tpu.memory_space<semaphore_mem>>)
      %dma_wait3A_91 = tpu.memref_slice %arg8[%add3A_88] : memref<20480xf32, #tpu.memory_space<hbm>> -> memref<640xf32, #tpu.memory_space<hbm>>
      %dma_wait3A_92 = tpu.memref_slice %arg32[%mul3A_83] : memref<10240xf32, #tpu.memory_space<vmem_shared>> -> memref<640xf32, #tpu.memory_space<vmem_shared>>
      tpu.wait_dma2 semaphore(%run_scoped3A : memref<!tpu.dma_semaphore, #tpu.memory_space<semaphore_mem>>) src(%dma_wait3A_92 : memref<640xf32, #tpu.memory_space<vmem_shared>>) dst(%dma_wait3A_91 : memref<640xf32, #tpu.memory_space<hbm>>)
      tpu.yield
    }) : () -> ()
    return
  }
}

#map = affine_map<(d0, d1) -> (0)>
#map1 = affine_map<(d0, d1) -> (0, 0)>
#map2 = affine_map<(d0, d1) -> (0, 0, 0)>
module attributes {stable_mosaic.version = 14 : i64} {
  func.func @_gather_body(%arg0: i32, %arg1: i32, %arg2: memref<160000xi32, #tpu.memory_space<hbm>>, %arg3: memref<160000xi32, #tpu.memory_space<hbm>>, %arg4: memref<10112x16xf32, #tpu.memory_space<hbm>>, %arg5: memref<100010016xi32, #tpu.memory_space<hbm>>, %arg6: memref<10112x16xf32, #tpu.memory_space<hbm>>, %arg7: memref<2x10112x16xf32, #tpu.memory_space<hbm>>, %arg8: memref<10240xi32, #tpu.memory_space<vmem>>, %arg9: memref<10240xi32, #tpu.memory_space<vmem>>, %arg10: memref<10240xi32, #tpu.memory_space<vmem>>, %arg11: memref<10240xi32, #tpu.memory_space<vmem>>, %arg12: memref<2048xi32, #tpu.memory_space<vmem>>, %arg13: memref<2048xi32, #tpu.memory_space<vmem>>, %arg14: memref<2048x16xf32, #tpu.memory_space<vmem>>, %arg15: memref<10112x16xf32, #tpu.memory_space<vmem_shared>>) attributes {dimension_semantics = [#tpu.dimension_semantics<core_parallel>, #tpu.dimension_semantics<subcore_parallel>], iteration_bounds = array<i64: 2, 16>, scalar_prefetch = 0 : i64, scratch_operands = 8 : i64, tpu.core_type = #tpu.core_type<sc_vector_subcore>, window_params = [{transform_indices = #map}, {transform_indices = #map}, {transform_indices = #map1}, {transform_indices = #map}, {transform_indices = #map1}, {transform_indices = #map2}]} {
    %broadcast_in_dim3A = arith.constant 10000 : i32
    %broadcast_in_dim3A_0 = vector.broadcast %broadcast_in_dim3A : i32 to vector<16xi32>
    %iota3A = tpu.iota {dimensions = array<i32: 0>} : vector<16xi32>
    %mul3A = arith.constant 632 : i32
    %mul3A_1 = arith.muli %arg1, %mul3A : i32
    %mul3A_2 = arith.constant 632 : i32
    %mul3A_3 = arith.muli %arg1, %mul3A_2 : i32
    "tpu.region"() ({
      %run_scoped3A = tpu.sem_alloc : memref<!tpu.dma_semaphore, #tpu.memory_space<semaphore_mem>>
      %dma_start3A = arith.constant 0 : i32
      %dma_start3A_64 = tpu.memref_slice %arg15[%mul3A_3, %dma_start3A] : memref<10112x16xf32, #tpu.memory_space<vmem_shared>> -> memref<632x16xf32, #tpu.memory_space<vmem_shared>>
      %dma_start3A_65 = arith.constant 0 : i32
      %dma_start3A_66 = tpu.memref_slice %arg4[%mul3A_1, %dma_start3A_65] : memref<10112x16xf32, #tpu.memory_space<hbm>> -> memref<632x16xf32, #tpu.memory_space<hbm>>
      tpu.enqueue_dma source(%dma_start3A_66 : memref<632x16xf32, #tpu.memory_space<hbm>>) target(%dma_start3A_64 : memref<632x16xf32, #tpu.memory_space<vmem_shared>>) target_semaphore(%run_scoped3A : memref<!tpu.dma_semaphore, #tpu.memory_space<semaphore_mem>>)
      %dma_wait3A = arith.constant 0 : i32
      %dma_wait3A_67 = tpu.memref_slice %arg15[%mul3A_3, %dma_wait3A] : memref<10112x16xf32, #tpu.memory_space<vmem_shared>> -> memref<632x16xf32, #tpu.memory_space<vmem_shared>>
      %dma_wait3A_68 = arith.constant 0 : i32
      %dma_wait3A_69 = tpu.memref_slice %arg4[%mul3A_1, %dma_wait3A_68] : memref<10112x16xf32, #tpu.memory_space<hbm>> -> memref<632x16xf32, #tpu.memory_space<hbm>>
      tpu.wait_dma2 semaphore(%run_scoped3A : memref<!tpu.dma_semaphore, #tpu.memory_space<semaphore_mem>>) src(%dma_wait3A_69 : memref<632x16xf32, #tpu.memory_space<hbm>>) dst(%dma_wait3A_67 : memref<632x16xf32, #tpu.memory_space<vmem_shared>>)
      tpu.yield
    }) : () -> ()
    %mul3A_4 = arith.constant 10000 : i32
    %mul3A_5 = arith.muli %arg1, %mul3A_4 : i32
    "tpu.region"() ({
      %run_scoped3A = tpu.sem_alloc : memref<!tpu.dma_semaphore, #tpu.memory_space<semaphore_mem>>
      %dma_start3A = arith.constant 0 : i32
      %dma_start3A_64 = tpu.memref_slice %arg8[%dma_start3A] : memref<10240xi32, #tpu.memory_space<vmem>> -> memref<10000xi32, #tpu.memory_space<vmem>>
      %dma_start3A_65 = tpu.memref_slice %arg2[%mul3A_5] : memref<160000xi32, #tpu.memory_space<hbm>> -> memref<10000xi32, #tpu.memory_space<hbm>>
      %dma_start3A_66 = arith.constant 0 : i32
      %dma_start3A_67 = tpu.memref_slice %arg8[%dma_start3A_66] : memref<10240xi32, #tpu.memory_space<vmem>> -> memref<10000xi32, #tpu.memory_space<vmem>>
      %dma_start3A_68 = tpu.memref_slice %arg2[%mul3A_5] : memref<160000xi32, #tpu.memory_space<hbm>> -> memref<10000xi32, #tpu.memory_space<hbm>>
      tpu.enqueue_dma source(%dma_start3A_68 : memref<10000xi32, #tpu.memory_space<hbm>>) target(%dma_start3A_67 : memref<10000xi32, #tpu.memory_space<vmem>>) target_semaphore(%run_scoped3A : memref<!tpu.dma_semaphore, #tpu.memory_space<semaphore_mem>>)
      %dma_wait3A = arith.constant 0 : i32
      %dma_wait3A_69 = tpu.memref_slice %arg8[%dma_wait3A] : memref<10240xi32, #tpu.memory_space<vmem>> -> memref<10000xi32, #tpu.memory_space<vmem>>
      %dma_wait3A_70 = tpu.memref_slice %arg2[%mul3A_5] : memref<160000xi32, #tpu.memory_space<hbm>> -> memref<10000xi32, #tpu.memory_space<hbm>>
      %dma_wait3A_71 = arith.constant 0 : i32
      %dma_wait3A_72 = tpu.memref_slice %arg8[%dma_wait3A_71] : memref<10240xi32, #tpu.memory_space<vmem>> -> memref<10000xi32, #tpu.memory_space<vmem>>
      %dma_wait3A_73 = tpu.memref_slice %arg2[%mul3A_5] : memref<160000xi32, #tpu.memory_space<hbm>> -> memref<10000xi32, #tpu.memory_space<hbm>>
      tpu.wait_dma2 semaphore(%run_scoped3A : memref<!tpu.dma_semaphore, #tpu.memory_space<semaphore_mem>>) src(%dma_wait3A_73 : memref<10000xi32, #tpu.memory_space<hbm>>) dst(%dma_wait3A_72 : memref<10000xi32, #tpu.memory_space<vmem>>)
      tpu.yield
    }) : () -> ()
    "tpu.region"() ({
      %run_scoped3A = tpu.sem_alloc : memref<!tpu.dma_semaphore, #tpu.memory_space<semaphore_mem>>
      %dma_start3A = arith.constant 0 : i32
      %dma_start3A_64 = tpu.memref_slice %arg9[%dma_start3A] : memref<10240xi32, #tpu.memory_space<vmem>> -> memref<10000xi32, #tpu.memory_space<vmem>>
      %dma_start3A_65 = tpu.memref_slice %arg3[%mul3A_5] : memref<160000xi32, #tpu.memory_space<hbm>> -> memref<10000xi32, #tpu.memory_space<hbm>>
      %dma_start3A_66 = arith.constant 0 : i32
      %dma_start3A_67 = tpu.memref_slice %arg9[%dma_start3A_66] : memref<10240xi32, #tpu.memory_space<vmem>> -> memref<10000xi32, #tpu.memory_space<vmem>>
      %dma_start3A_68 = tpu.memref_slice %arg3[%mul3A_5] : memref<160000xi32, #tpu.memory_space<hbm>> -> memref<10000xi32, #tpu.memory_space<hbm>>
      tpu.enqueue_dma source(%dma_start3A_68 : memref<10000xi32, #tpu.memory_space<hbm>>) target(%dma_start3A_67 : memref<10000xi32, #tpu.memory_space<vmem>>) target_semaphore(%run_scoped3A : memref<!tpu.dma_semaphore, #tpu.memory_space<semaphore_mem>>)
      %dma_wait3A = arith.constant 0 : i32
      %dma_wait3A_69 = tpu.memref_slice %arg9[%dma_wait3A] : memref<10240xi32, #tpu.memory_space<vmem>> -> memref<10000xi32, #tpu.memory_space<vmem>>
      %dma_wait3A_70 = tpu.memref_slice %arg3[%mul3A_5] : memref<160000xi32, #tpu.memory_space<hbm>> -> memref<10000xi32, #tpu.memory_space<hbm>>
      %dma_wait3A_71 = arith.constant 0 : i32
      %dma_wait3A_72 = tpu.memref_slice %arg9[%dma_wait3A_71] : memref<10240xi32, #tpu.memory_space<vmem>> -> memref<10000xi32, #tpu.memory_space<vmem>>
      %dma_wait3A_73 = tpu.memref_slice %arg3[%mul3A_5] : memref<160000xi32, #tpu.memory_space<hbm>> -> memref<10000xi32, #tpu.memory_space<hbm>>
      tpu.wait_dma2 semaphore(%run_scoped3A : memref<!tpu.dma_semaphore, #tpu.memory_space<semaphore_mem>>) src(%dma_wait3A_73 : memref<10000xi32, #tpu.memory_space<hbm>>) dst(%dma_wait3A_72 : memref<10000xi32, #tpu.memory_space<vmem>>)
      tpu.yield
    }) : () -> ()
    %scan3A = arith.constant 0 : i32
    %scan3A_6 = arith.constant 0 : i32
    %scan3A_7 = arith.constant 15 : i32
    %scan3A_8 = arith.addi %scan3A_6, %scan3A_7 : i32
    %scan3A_9 = arith.constant 1 : i32
    %scan3A_10 = scf.for %scan3A_64 = %scan3A_6 to %scan3A_8 step %scan3A_9 iter_args(%scan3A_65 = %scan3A) -> (i32)  : i32 {
      %mul3A_66 = arith.constant 16 : i32
      %mul3A_67 = arith.muli %scan3A_64, %mul3A_66 : i32
      %add3A_68 = arith.constant 10000 : i32
      %add3A_69 = arith.addi %add3A_68, %mul3A_67 : i32
      %swap3A = arith.index_cast %add3A_69 : i32 to index
      %swap3A_70 = tpu.vector_load %arg8[%swap3A] {strides = array<i32>} : memref<10240xi32, #tpu.memory_space<vmem>>, vector<16xi32>,
      %swap3A_71 = vector.shape_cast %swap3A_70 : vector<16xi32> to vector<16xi32>
      %swap3A_72 = vector.shape_cast %broadcast_in_dim3A_0 : vector<16xi32> to vector<16xi32>
      tpu.vector_store %arg8[%swap3A], %swap3A_72 {strides = array<i32>} : memref<10240xi32, #tpu.memory_space<vmem>>, vector<16xi32>,
      %mul3A_73 = arith.constant 16 : i32
      %mul3A_74 = arith.muli %scan3A_64, %mul3A_73 : i32
      %add3A_75 = arith.constant 10000 : i32
      %add3A_76 = arith.addi %add3A_75, %mul3A_74 : i32
      %swap3A_77 = arith.index_cast %add3A_76 : i32 to index
      %swap3A_78 = tpu.vector_load %arg9[%swap3A_77] {strides = array<i32>} : memref<10240xi32, #tpu.memory_space<vmem>>, vector<16xi32>,
      %swap3A_79 = vector.shape_cast %swap3A_78 : vector<16xi32> to vector<16xi32>
      %swap3A_80 = vector.shape_cast %broadcast_in_dim3A_0 : vector<16xi32> to vector<16xi32>
      tpu.vector_store %arg9[%swap3A_77], %swap3A_80 {strides = array<i32>} : memref<10240xi32, #tpu.memory_space<vmem>>, vector<16xi32>,
      %scan3A_81 = arith.constant 0 : i32
      scf.yield %scan3A_81 : i32
    }
    %scan3A_11 = arith.constant 15 : i32
    %broadcast_in_dim3A_12 = vector.broadcast %arg0 : i32 to vector<16xi32>
    %scan3A_13 = arith.constant 0 : i32
    %scan3A_14 = arith.constant 0 : i32
    %scan3A_15 = arith.constant 640 : i32
    %scan3A_16 = arith.addi %scan3A_14, %scan3A_15 : i32
    %scan3A_17 = arith.constant 1 : i32
    %scan3A_18 = scf.for %scan3A_64 = %scan3A_14 to %scan3A_16 step %scan3A_17 iter_args(%scan3A_65 = %scan3A_13) -> (i32)  : i32 {
      %mul3A_66 = arith.constant 16 : i32
      %mul3A_67 = arith.muli %scan3A_64, %mul3A_66 : i32
      %get3A = arith.index_cast %mul3A_67 : i32 to index
      %get3A_68 = tpu.vector_load %arg8[%get3A] {strides = array<i32>} : memref<10240xi32, #tpu.memory_space<vmem>>, vector<16xi32>,
      %get3A_69 = vector.shape_cast %get3A_68 : vector<16xi32> to vector<16xi32>
      %get3A_70 = arith.index_cast %mul3A_67 : i32 to index
      %get3A_71 = tpu.vector_load %arg9[%get3A_70] {strides = array<i32>} : memref<10240xi32, #tpu.memory_space<vmem>>, vector<16xi32>,
      %get3A_72 = vector.shape_cast %get3A_71 : vector<16xi32> to vector<16xi32>
      %sub3A = arith.subi %get3A_72, %get3A_69 : vector<16xi32>
      %mul3A_73 = arith.muli %sub3A, %broadcast_in_dim3A_12 : vector<16xi32>
      %add3A_74 = arith.addi %get3A_69, %mul3A_73 : vector<16xi32>
      %sub3A_75 = arith.subi %get3A_69, %get3A_72 : vector<16xi32>
      %mul3A_76 = arith.muli %sub3A_75, %broadcast_in_dim3A_12 : vector<16xi32>
      %add3A_77 = arith.addi %get3A_72, %mul3A_76 : vector<16xi32>
      %mul3A_78 = arith.constant 10000 : i32
      %mul3A_79 = vector.broadcast %mul3A_78 : i32 to vector<16xi32>
      %mul3A_80 = arith.muli %add3A_74, %mul3A_79 : vector<16xi32>
      %add3A_81 = arith.addi %mul3A_80, %add3A_77 : vector<16xi32>
      %swap3A = arith.index_cast %mul3A_67 : i32 to index
      %swap3A_82 = tpu.vector_load %arg10[%swap3A] {strides = array<i32>} : memref<10240xi32, #tpu.memory_space<vmem>>, vector<16xi32>,
      %swap3A_83 = vector.shape_cast %swap3A_82 : vector<16xi32> to vector<16xi32>
      %swap3A_84 = vector.shape_cast %add3A_81 : vector<16xi32> to vector<16xi32>
      tpu.vector_store %arg10[%swap3A], %swap3A_84 {strides = array<i32>} : memref<10240xi32, #tpu.memory_space<vmem>>, vector<16xi32>,
      %scan3A_85 = arith.constant 0 : i32
      scf.yield %scan3A_85 : i32
    }
    %scan3A_19 = arith.constant 640 : i32
    "tpu.region"() ({
      %run_scoped3A = tpu.sem_alloc : memref<!tpu.dma_semaphore, #tpu.memory_space<semaphore_mem>>
      %dma_start3A = arith.constant 0 : i32
      %dma_start3A_64 = tpu.memref_slice %arg5[%dma_start3A] : memref<100010016xi32, #tpu.memory_space<hbm>> -> memref<100010016xi32, #tpu.memory_space<hbm>>
      tpu.enqueue_indirect_dma source(%dma_start3A_64 : memref<100010016xi32, #tpu.memory_space<hbm>>) target(%arg11 : memref<10240xi32, #tpu.memory_space<vmem>>) offsets(%arg10 : memref<10240xi32, #tpu.memory_space<vmem>>) semaphore(%run_scoped3A : memref<!tpu.dma_semaphore, #tpu.memory_space<semaphore_mem>>)
      %dma_wait3A = arith.constant 0 : i32
      %dma_wait3A_65 = tpu.memref_slice %arg5[%dma_wait3A] : memref<100010016xi32, #tpu.memory_space<hbm>> -> memref<100010016xi32, #tpu.memory_space<hbm>>
      tpu.wait_indirect_dma semaphore(%run_scoped3A : memref<!tpu.dma_semaphore, #tpu.memory_space<semaphore_mem>>) src(%dma_wait3A_65 : memref<100010016xi32, #tpu.memory_space<hbm>>) dst(%arg11 : memref<10240xi32, #tpu.memory_space<vmem>>)
      tpu.yield
    }) : () -> ()
    %barrier3A = arith.constant 0 : index
    tpu.barrier barrier_id(%barrier3A)
    %mul3A_20 = arith.constant 16 : i32
    %mul3A_21 = arith.muli %arg0, %mul3A_20 : i32
    %add3A = arith.addi %mul3A_21, %arg1 : i32
    %mul3A_22 = arith.constant 10240 : i32
    %mul3A_23 = arith.muli %add3A, %mul3A_22 : i32
    %scan3A_24 = arith.constant 0 : i32
    %scan3A_25 = arith.constant 0 : i32
    %scan3A_26 = arith.constant 128 : i32
    %scan3A_27 = arith.addi %scan3A_25, %scan3A_26 : i32
    %scan3A_28 = arith.constant 1 : i32
    %scan3A_29 = scf.for %scan3A_64 = %scan3A_25 to %scan3A_27 step %scan3A_28 iter_args(%scan3A_65 = %scan3A_24) -> (i32)  : i32 {
      %mul3A_66 = arith.constant 16 : i32
      %mul3A_67 = arith.muli %scan3A_64, %mul3A_66 : i32
      %add3A_68 = arith.constant 0 : i32
      %add3A_69 = arith.addi %add3A_68, %mul3A_67 : i32
      %get3A = arith.index_cast %add3A_69 : i32 to index
      %get3A_70 = tpu.vector_load %arg8[%get3A] {strides = array<i32>} : memref<10240xi32, #tpu.memory_space<vmem>>, vector<16xi32>,
      %get3A_71 = vector.shape_cast %get3A_70 : vector<16xi32> to vector<16xi32>
      %get3A_72 = arith.index_cast %add3A_69 : i32 to index
      %get3A_73 = tpu.vector_load %arg9[%get3A_72] {strides = array<i32>} : memref<10240xi32, #tpu.memory_space<vmem>>, vector<16xi32>,
      %get3A_74 = vector.shape_cast %get3A_73 : vector<16xi32> to vector<16xi32>
      %sub3A = arith.subi %get3A_74, %get3A_71 : vector<16xi32>
      %mul3A_75 = arith.muli %sub3A, %broadcast_in_dim3A_12 : vector<16xi32>
      %add3A_76 = arith.addi %get3A_71, %mul3A_75 : vector<16xi32>
      %sub3A_77 = arith.subi %get3A_71, %get3A_74 : vector<16xi32>
      %mul3A_78 = arith.muli %sub3A_77, %broadcast_in_dim3A_12 : vector<16xi32>
      %add3A_79 = arith.addi %get3A_74, %mul3A_78 : vector<16xi32>
      %add3A_80 = arith.addi %mul3A_23, %add3A_69 : i32
      %add3A_81 = vector.broadcast %add3A_80 : i32 to vector<16xi32>
      %add3A_82 = arith.addi %add3A_81, %iota3A : vector<16xi32>
      %get3A_83 = arith.index_cast %add3A_69 : i32 to index
      %get3A_84 = tpu.vector_load %arg11[%get3A_83] {strides = array<i32>} : memref<10240xi32, #tpu.memory_space<vmem>>, vector<16xi32>,
      %get3A_85 = vector.shape_cast %get3A_84 : vector<16xi32> to vector<16xi32>
      %eq3A = arith.cmpi eq, %get3A_85, %add3A_82 : vector<16xi32>
      %select_n3A = arith.select %eq3A, %add3A_79, %broadcast_in_dim3A_0 : vector<16xi1>, vector<16xi32>
      %mul3A_86 = arith.constant 16 : i32
      %mul3A_87 = arith.muli %scan3A_64, %mul3A_86 : i32
      %swap3A = arith.index_cast %mul3A_87 : i32 to index
      %swap3A_88 = tpu.vector_load %arg12[%swap3A] {strides = array<i32>} : memref<2048xi32, #tpu.memory_space<vmem>>, vector<16xi32>,
      %swap3A_89 = vector.shape_cast %swap3A_88 : vector<16xi32> to vector<16xi32>
      %swap3A_90 = vector.shape_cast %select_n3A : vector<16xi32> to vector<16xi32>
      tpu.vector_store %arg12[%swap3A], %swap3A_90 {strides = array<i32>} : memref<2048xi32, #tpu.memory_space<vmem>>, vector<16xi32>,
      %select_n3A_91 = arith.select %eq3A, %add3A_76, %broadcast_in_dim3A_0 : vector<16xi1>, vector<16xi32>
      %mul3A_92 = arith.constant 16 : i32
      %mul3A_93 = arith.muli %scan3A_64, %mul3A_92 : i32
      %swap3A_94 = arith.index_cast %mul3A_93 : i32 to index
      %swap3A_95 = tpu.vector_load %arg13[%swap3A_94] {strides = array<i32>} : memref<2048xi32, #tpu.memory_space<vmem>>, vector<16xi32>,
      %swap3A_96 = vector.shape_cast %swap3A_95 : vector<16xi32> to vector<16xi32>
      %swap3A_97 = vector.shape_cast %select_n3A_91 : vector<16xi32> to vector<16xi32>
      tpu.vector_store %arg13[%swap3A_94], %swap3A_97 {strides = array<i32>} : memref<2048xi32, #tpu.memory_space<vmem>>, vector<16xi32>,
      %scan3A_98 = arith.constant 0 : i32
      scf.yield %scan3A_98 : i32
    }
    %scan3A_30 = arith.constant 128 : i32
    "tpu.region"() ({
      %run_scoped3A = tpu.sem_alloc : memref<!tpu.dma_semaphore, #tpu.memory_space<semaphore_mem>>
      %dma_start3A = arith.constant 0 : i32
      %dma_start3A_64 = arith.constant 0 : i32
      %dma_start3A_65 = tpu.memref_slice %arg6[%dma_start3A, %dma_start3A_64] : memref<10112x16xf32, #tpu.memory_space<hbm>> -> memref<10112x16xf32, #tpu.memory_space<hbm>>
      tpu.enqueue_indirect_dma source(%dma_start3A_65 : memref<10112x16xf32, #tpu.memory_space<hbm>>) target(%arg14 : memref<2048x16xf32, #tpu.memory_space<vmem>>) offsets(%arg12 : memref<2048xi32, #tpu.memory_space<vmem>>) semaphore(%run_scoped3A : memref<!tpu.dma_semaphore, #tpu.memory_space<semaphore_mem>>)
      %dma_wait3A = arith.constant 0 : i32
      %dma_wait3A_66 = arith.constant 0 : i32
      %dma_wait3A_67 = tpu.memref_slice %arg6[%dma_wait3A, %dma_wait3A_66] : memref<10112x16xf32, #tpu.memory_space<hbm>> -> memref<10112x16xf32, #tpu.memory_space<hbm>>
      tpu.wait_indirect_dma semaphore(%run_scoped3A : memref<!tpu.dma_semaphore, #tpu.memory_space<semaphore_mem>>) src(%dma_wait3A_67 : memref<10112x16xf32, #tpu.memory_space<hbm>>) dst(%arg14 : memref<2048x16xf32, #tpu.memory_space<vmem>>)
      tpu.yield
    }) : () -> ()
    "tpu.region"() ({
      %run_scoped3A = tpu.sem_alloc : memref<!tpu.dma_semaphore, #tpu.memory_space<semaphore_mem>>
      %dma_start3A = arith.constant 0 : i32
      %dma_start3A_64 = arith.constant 0 : i32
      %dma_start3A_65 = tpu.memref_slice %arg15[%dma_start3A, %dma_start3A_64] : memref<10112x16xf32, #tpu.memory_space<vmem_shared>> -> memref<10112x16xf32, #tpu.memory_space<vmem_shared>>
      tpu.enqueue_indirect_dma source(%arg14 : memref<2048x16xf32, #tpu.memory_space<vmem>>) target(%dma_start3A_65 : memref<10112x16xf32, #tpu.memory_space<vmem_shared>>) offsets(%arg13 : memref<2048xi32, #tpu.memory_space<vmem>>) semaphore(%run_scoped3A : memref<!tpu.dma_semaphore, #tpu.memory_space<semaphore_mem>>) {add = true}
      %dma_wait3A = arith.constant 0 : i32
      %dma_wait3A_66 = arith.constant 0 : i32
      %dma_wait3A_67 = tpu.memref_slice %arg15[%dma_wait3A, %dma_wait3A_66] : memref<10112x16xf32, #tpu.memory_space<vmem_shared>> -> memref<10112x16xf32, #tpu.memory_space<vmem_shared>>
      tpu.wait_indirect_dma semaphore(%run_scoped3A : memref<!tpu.dma_semaphore, #tpu.memory_space<semaphore_mem>>) src(%arg14 : memref<2048x16xf32, #tpu.memory_space<vmem>>) dst(%dma_wait3A_67 : memref<10112x16xf32, #tpu.memory_space<vmem_shared>>)
      tpu.yield
    }) : () -> ()
    %scan3A_31 = arith.constant 0 : i32
    %scan3A_32 = arith.constant 0 : i32
    %scan3A_33 = arith.constant 128 : i32
    %scan3A_34 = arith.addi %scan3A_32, %scan3A_33 : i32
    %scan3A_35 = arith.constant 1 : i32
    %scan3A_36 = scf.for %scan3A_64 = %scan3A_32 to %scan3A_34 step %scan3A_35 iter_args(%scan3A_65 = %scan3A_31) -> (i32)  : i32 {
      %mul3A_66 = arith.constant 16 : i32
      %mul3A_67 = arith.muli %scan3A_64, %mul3A_66 : i32
      %add3A_68 = arith.constant 2048 : i32
      %add3A_69 = arith.addi %add3A_68, %mul3A_67 : i32
      %get3A = arith.index_cast %add3A_69 : i32 to index
      %get3A_70 = tpu.vector_load %arg8[%get3A] {strides = array<i32>} : memref<10240xi32, #tpu.memory_space<vmem>>, vector<16xi32>,
      %get3A_71 = vector.shape_cast %get3A_70 : vector<16xi32> to vector<16xi32>
      %get3A_72 = arith.index_cast %add3A_69 : i32 to index
      %get3A_73 = tpu.vector_load %arg9[%get3A_72] {strides = array<i32>} : memref<10240xi32, #tpu.memory_space<vmem>>, vector<16xi32>,
      %get3A_74 = vector.shape_cast %get3A_73 : vector<16xi32> to vector<16xi32>
      %sub3A = arith.subi %get3A_74, %get3A_71 : vector<16xi32>
      %mul3A_75 = arith.muli %sub3A, %broadcast_in_dim3A_12 : vector<16xi32>
      %add3A_76 = arith.addi %get3A_71, %mul3A_75 : vector<16xi32>
      %sub3A_77 = arith.subi %get3A_71, %get3A_74 : vector<16xi32>
      %mul3A_78 = arith.muli %sub3A_77, %broadcast_in_dim3A_12 : vector<16xi32>
      %add3A_79 = arith.addi %get3A_74, %mul3A_78 : vector<16xi32>
      %add3A_80 = arith.addi %mul3A_23, %add3A_69 : i32
      %add3A_81 = vector.broadcast %add3A_80 : i32 to vector<16xi32>
      %add3A_82 = arith.addi %add3A_81, %iota3A : vector<16xi32>
      %get3A_83 = arith.index_cast %add3A_69 : i32 to index
      %get3A_84 = tpu.vector_load %arg11[%get3A_83] {strides = array<i32>} : memref<10240xi32, #tpu.memory_space<vmem>>, vector<16xi32>,
      %get3A_85 = vector.shape_cast %get3A_84 : vector<16xi32> to vector<16xi32>
      %eq3A = arith.cmpi eq, %get3A_85, %add3A_82 : vector<16xi32>
      %select_n3A = arith.select %eq3A, %add3A_79, %broadcast_in_dim3A_0 : vector<16xi1>, vector<16xi32>
      %mul3A_86 = arith.constant 16 : i32
      %mul3A_87 = arith.muli %scan3A_64, %mul3A_86 : i32
      %swap3A = arith.index_cast %mul3A_87 : i32 to index
      %swap3A_88 = tpu.vector_load %arg12[%swap3A] {strides = array<i32>} : memref<2048xi32, #tpu.memory_space<vmem>>, vector<16xi32>,
      %swap3A_89 = vector.shape_cast %swap3A_88 : vector<16xi32> to vector<16xi32>
      %swap3A_90 = vector.shape_cast %select_n3A : vector<16xi32> to vector<16xi32>
      tpu.vector_store %arg12[%swap3A], %swap3A_90 {strides = array<i32>} : memref<2048xi32, #tpu.memory_space<vmem>>, vector<16xi32>,
      %select_n3A_91 = arith.select %eq3A, %add3A_76, %broadcast_in_dim3A_0 : vector<16xi1>, vector<16xi32>
      %mul3A_92 = arith.constant 16 : i32
      %mul3A_93 = arith.muli %scan3A_64, %mul3A_92 : i32
      %swap3A_94 = arith.index_cast %mul3A_93 : i32 to index
      %swap3A_95 = tpu.vector_load %arg13[%swap3A_94] {strides = array<i32>} : memref<2048xi32, #tpu.memory_space<vmem>>, vector<16xi32>,
      %swap3A_96 = vector.shape_cast %swap3A_95 : vector<16xi32> to vector<16xi32>
      %swap3A_97 = vector.shape_cast %select_n3A_91 : vector<16xi32> to vector<16xi32>
      tpu.vector_store %arg13[%swap3A_94], %swap3A_97 {strides = array<i32>} : memref<2048xi32, #tpu.memory_space<vmem>>, vector<16xi32>,
      %scan3A_98 = arith.constant 0 : i32
      scf.yield %scan3A_98 : i32
    }
    %scan3A_37 = arith.constant 128 : i32
    "tpu.region"() ({
      %run_scoped3A = tpu.sem_alloc : memref<!tpu.dma_semaphore, #tpu.memory_space<semaphore_mem>>
      %dma_start3A = arith.constant 0 : i32
      %dma_start3A_64 = arith.constant 0 : i32
      %dma_start3A_65 = tpu.memref_slice %arg6[%dma_start3A, %dma_start3A_64] : memref<10112x16xf32, #tpu.memory_space<hbm>> -> memref<10112x16xf32, #tpu.memory_space<hbm>>
      tpu.enqueue_indirect_dma source(%dma_start3A_65 : memref<10112x16xf32, #tpu.memory_space<hbm>>) target(%arg14 : memref<2048x16xf32, #tpu.memory_space<vmem>>) offsets(%arg12 : memref<2048xi32, #tpu.memory_space<vmem>>) semaphore(%run_scoped3A : memref<!tpu.dma_semaphore, #tpu.memory_space<semaphore_mem>>)
      %dma_wait3A = arith.constant 0 : i32
      %dma_wait3A_66 = arith.constant 0 : i32
      %dma_wait3A_67 = tpu.memref_slice %arg6[%dma_wait3A, %dma_wait3A_66] : memref<10112x16xf32, #tpu.memory_space<hbm>> -> memref<10112x16xf32, #tpu.memory_space<hbm>>
      tpu.wait_indirect_dma semaphore(%run_scoped3A : memref<!tpu.dma_semaphore, #tpu.memory_space<semaphore_mem>>) src(%dma_wait3A_67 : memref<10112x16xf32, #tpu.memory_space<hbm>>) dst(%arg14 : memref<2048x16xf32, #tpu.memory_space<vmem>>)
      tpu.yield
    }) : () -> ()
    "tpu.region"() ({
      %run_scoped3A = tpu.sem_alloc : memref<!tpu.dma_semaphore, #tpu.memory_space<semaphore_mem>>
      %dma_start3A = arith.constant 0 : i32
      %dma_start3A_64 = arith.constant 0 : i32
      %dma_start3A_65 = tpu.memref_slice %arg15[%dma_start3A, %dma_start3A_64] : memref<10112x16xf32, #tpu.memory_space<vmem_shared>> -> memref<10112x16xf32, #tpu.memory_space<vmem_shared>>
      tpu.enqueue_indirect_dma source(%arg14 : memref<2048x16xf32, #tpu.memory_space<vmem>>) target(%dma_start3A_65 : memref<10112x16xf32, #tpu.memory_space<vmem_shared>>) offsets(%arg13 : memref<2048xi32, #tpu.memory_space<vmem>>) semaphore(%run_scoped3A : memref<!tpu.dma_semaphore, #tpu.memory_space<semaphore_mem>>) {add = true}
      %dma_wait3A = arith.constant 0 : i32
      %dma_wait3A_66 = arith.constant 0 : i32
      %dma_wait3A_67 = tpu.memref_slice %arg15[%dma_wait3A, %dma_wait3A_66] : memref<10112x16xf32, #tpu.memory_space<vmem_shared>> -> memref<10112x16xf32, #tpu.memory_space<vmem_shared>>
      tpu.wait_indirect_dma semaphore(%run_scoped3A : memref<!tpu.dma_semaphore, #tpu.memory_space<semaphore_mem>>) src(%arg14 : memref<2048x16xf32, #tpu.memory_space<vmem>>) dst(%dma_wait3A_67 : memref<10112x16xf32, #tpu.memory_space<vmem_shared>>)
      tpu.yield
    }) : () -> ()
    %scan3A_38 = arith.constant 0 : i32
    %scan3A_39 = arith.constant 0 : i32
    %scan3A_40 = arith.constant 128 : i32
    %scan3A_41 = arith.addi %scan3A_39, %scan3A_40 : i32
    %scan3A_42 = arith.constant 1 : i32
    %scan3A_43 = scf.for %scan3A_64 = %scan3A_39 to %scan3A_41 step %scan3A_42 iter_args(%scan3A_65 = %scan3A_38) -> (i32)  : i32 {
      %mul3A_66 = arith.constant 16 : i32
      %mul3A_67 = arith.muli %scan3A_64, %mul3A_66 : i32
      %add3A_68 = arith.constant 4096 : i32
      %add3A_69 = arith.addi %add3A_68, %mul3A_67 : i32
      %get3A = arith.index_cast %add3A_69 : i32 to index
      %get3A_70 = tpu.vector_load %arg8[%get3A] {strides = array<i32>} : memref<10240xi32, #tpu.memory_space<vmem>>, vector<16xi32>,
      %get3A_71 = vector.shape_cast %get3A_70 : vector<16xi32> to vector<16xi32>
      %get3A_72 = arith.index_cast %add3A_69 : i32 to index
      %get3A_73 = tpu.vector_load %arg9[%get3A_72] {strides = array<i32>} : memref<10240xi32, #tpu.memory_space<vmem>>, vector<16xi32>,
      %get3A_74 = vector.shape_cast %get3A_73 : vector<16xi32> to vector<16xi32>
      %sub3A = arith.subi %get3A_74, %get3A_71 : vector<16xi32>
      %mul3A_75 = arith.muli %sub3A, %broadcast_in_dim3A_12 : vector<16xi32>
      %add3A_76 = arith.addi %get3A_71, %mul3A_75 : vector<16xi32>
      %sub3A_77 = arith.subi %get3A_71, %get3A_74 : vector<16xi32>
      %mul3A_78 = arith.muli %sub3A_77, %broadcast_in_dim3A_12 : vector<16xi32>
      %add3A_79 = arith.addi %get3A_74, %mul3A_78 : vector<16xi32>
      %add3A_80 = arith.addi %mul3A_23, %add3A_69 : i32
      %add3A_81 = vector.broadcast %add3A_80 : i32 to vector<16xi32>
      %add3A_82 = arith.addi %add3A_81, %iota3A : vector<16xi32>
      %get3A_83 = arith.index_cast %add3A_69 : i32 to index
      %get3A_84 = tpu.vector_load %arg11[%get3A_83] {strides = array<i32>} : memref<10240xi32, #tpu.memory_space<vmem>>, vector<16xi32>,
      %get3A_85 = vector.shape_cast %get3A_84 : vector<16xi32> to vector<16xi32>
      %eq3A = arith.cmpi eq, %get3A_85, %add3A_82 : vector<16xi32>
      %select_n3A = arith.select %eq3A, %add3A_79, %broadcast_in_dim3A_0 : vector<16xi1>, vector<16xi32>
      %mul3A_86 = arith.constant 16 : i32
      %mul3A_87 = arith.muli %scan3A_64, %mul3A_86 : i32
      %swap3A = arith.index_cast %mul3A_87 : i32 to index
      %swap3A_88 = tpu.vector_load %arg12[%swap3A] {strides = array<i32>} : memref<2048xi32, #tpu.memory_space<vmem>>, vector<16xi32>,
      %swap3A_89 = vector.shape_cast %swap3A_88 : vector<16xi32> to vector<16xi32>
      %swap3A_90 = vector.shape_cast %select_n3A : vector<16xi32> to vector<16xi32>
      tpu.vector_store %arg12[%swap3A], %swap3A_90 {strides = array<i32>} : memref<2048xi32, #tpu.memory_space<vmem>>, vector<16xi32>,
      %select_n3A_91 = arith.select %eq3A, %add3A_76, %broadcast_in_dim3A_0 : vector<16xi1>, vector<16xi32>
      %mul3A_92 = arith.constant 16 : i32
      %mul3A_93 = arith.muli %scan3A_64, %mul3A_92 : i32
      %swap3A_94 = arith.index_cast %mul3A_93 : i32 to index
      %swap3A_95 = tpu.vector_load %arg13[%swap3A_94] {strides = array<i32>} : memref<2048xi32, #tpu.memory_space<vmem>>, vector<16xi32>,
      %swap3A_96 = vector.shape_cast %swap3A_95 : vector<16xi32> to vector<16xi32>
      %swap3A_97 = vector.shape_cast %select_n3A_91 : vector<16xi32> to vector<16xi32>
      tpu.vector_store %arg13[%swap3A_94], %swap3A_97 {strides = array<i32>} : memref<2048xi32, #tpu.memory_space<vmem>>, vector<16xi32>,
      %scan3A_98 = arith.constant 0 : i32
      scf.yield %scan3A_98 : i32
    }
    %scan3A_44 = arith.constant 128 : i32
    "tpu.region"() ({
      %run_scoped3A = tpu.sem_alloc : memref<!tpu.dma_semaphore, #tpu.memory_space<semaphore_mem>>
      %dma_start3A = arith.constant 0 : i32
      %dma_start3A_64 = arith.constant 0 : i32
      %dma_start3A_65 = tpu.memref_slice %arg6[%dma_start3A, %dma_start3A_64] : memref<10112x16xf32, #tpu.memory_space<hbm>> -> memref<10112x16xf32, #tpu.memory_space<hbm>>
      tpu.enqueue_indirect_dma source(%dma_start3A_65 : memref<10112x16xf32, #tpu.memory_space<hbm>>) target(%arg14 : memref<2048x16xf32, #tpu.memory_space<vmem>>) offsets(%arg12 : memref<2048xi32, #tpu.memory_space<vmem>>) semaphore(%run_scoped3A : memref<!tpu.dma_semaphore, #tpu.memory_space<semaphore_mem>>)
      %dma_wait3A = arith.constant 0 : i32
      %dma_wait3A_66 = arith.constant 0 : i32
      %dma_wait3A_67 = tpu.memref_slice %arg6[%dma_wait3A, %dma_wait3A_66] : memref<10112x16xf32, #tpu.memory_space<hbm>> -> memref<10112x16xf32, #tpu.memory_space<hbm>>
      tpu.wait_indirect_dma semaphore(%run_scoped3A : memref<!tpu.dma_semaphore, #tpu.memory_space<semaphore_mem>>) src(%dma_wait3A_67 : memref<10112x16xf32, #tpu.memory_space<hbm>>) dst(%arg14 : memref<2048x16xf32, #tpu.memory_space<vmem>>)
      tpu.yield
    }) : () -> ()
    "tpu.region"() ({
      %run_scoped3A = tpu.sem_alloc : memref<!tpu.dma_semaphore, #tpu.memory_space<semaphore_mem>>
      %dma_start3A = arith.constant 0 : i32
      %dma_start3A_64 = arith.constant 0 : i32
      %dma_start3A_65 = tpu.memref_slice %arg15[%dma_start3A, %dma_start3A_64] : memref<10112x16xf32, #tpu.memory_space<vmem_shared>> -> memref<10112x16xf32, #tpu.memory_space<vmem_shared>>
      tpu.enqueue_indirect_dma source(%arg14 : memref<2048x16xf32, #tpu.memory_space<vmem>>) target(%dma_start3A_65 : memref<10112x16xf32, #tpu.memory_space<vmem_shared>>) offsets(%arg13 : memref<2048xi32, #tpu.memory_space<vmem>>) semaphore(%run_scoped3A : memref<!tpu.dma_semaphore, #tpu.memory_space<semaphore_mem>>) {add = true}
      %dma_wait3A = arith.constant 0 : i32
      %dma_wait3A_66 = arith.constant 0 : i32
      %dma_wait3A_67 = tpu.memref_slice %arg15[%dma_wait3A, %dma_wait3A_66] : memref<10112x16xf32, #tpu.memory_space<vmem_shared>> -> memref<10112x16xf32, #tpu.memory_space<vmem_shared>>
      tpu.wait_indirect_dma semaphore(%run_scoped3A : memref<!tpu.dma_semaphore, #tpu.memory_space<semaphore_mem>>) src(%arg14 : memref<2048x16xf32, #tpu.memory_space<vmem>>) dst(%dma_wait3A_67 : memref<10112x16xf32, #tpu.memory_space<vmem_shared>>)
      tpu.yield
    }) : () -> ()
    %scan3A_45 = arith.constant 0 : i32
    %scan3A_46 = arith.constant 0 : i32
    %scan3A_47 = arith.constant 128 : i32
    %scan3A_48 = arith.addi %scan3A_46, %scan3A_47 : i32
    %scan3A_49 = arith.constant 1 : i32
    %scan3A_50 = scf.for %scan3A_64 = %scan3A_46 to %scan3A_48 step %scan3A_49 iter_args(%scan3A_65 = %scan3A_45) -> (i32)  : i32 {
      %mul3A_66 = arith.constant 16 : i32
      %mul3A_67 = arith.muli %scan3A_64, %mul3A_66 : i32
      %add3A_68 = arith.constant 6144 : i32
      %add3A_69 = arith.addi %add3A_68, %mul3A_67 : i32
      %get3A = arith.index_cast %add3A_69 : i32 to index
      %get3A_70 = tpu.vector_load %arg8[%get3A] {strides = array<i32>} : memref<10240xi32, #tpu.memory_space<vmem>>, vector<16xi32>,
      %get3A_71 = vector.shape_cast %get3A_70 : vector<16xi32> to vector<16xi32>
      %get3A_72 = arith.index_cast %add3A_69 : i32 to index
      %get3A_73 = tpu.vector_load %arg9[%get3A_72] {strides = array<i32>} : memref<10240xi32, #tpu.memory_space<vmem>>, vector<16xi32>,
      %get3A_74 = vector.shape_cast %get3A_73 : vector<16xi32> to vector<16xi32>
      %sub3A = arith.subi %get3A_74, %get3A_71 : vector<16xi32>
      %mul3A_75 = arith.muli %sub3A, %broadcast_in_dim3A_12 : vector<16xi32>
      %add3A_76 = arith.addi %get3A_71, %mul3A_75 : vector<16xi32>
      %sub3A_77 = arith.subi %get3A_71, %get3A_74 : vector<16xi32>
      %mul3A_78 = arith.muli %sub3A_77, %broadcast_in_dim3A_12 : vector<16xi32>
      %add3A_79 = arith.addi %get3A_74, %mul3A_78 : vector<16xi32>
      %add3A_80 = arith.addi %mul3A_23, %add3A_69 : i32
      %add3A_81 = vector.broadcast %add3A_80 : i32 to vector<16xi32>
      %add3A_82 = arith.addi %add3A_81, %iota3A : vector<16xi32>
      %get3A_83 = arith.index_cast %add3A_69 : i32 to index
      %get3A_84 = tpu.vector_load %arg11[%get3A_83] {strides = array<i32>} : memref<10240xi32, #tpu.memory_space<vmem>>, vector<16xi32>,
      %get3A_85 = vector.shape_cast %get3A_84 : vector<16xi32> to vector<16xi32>
      %eq3A = arith.cmpi eq, %get3A_85, %add3A_82 : vector<16xi32>
      %select_n3A = arith.select %eq3A, %add3A_79, %broadcast_in_dim3A_0 : vector<16xi1>, vector<16xi32>
      %mul3A_86 = arith.constant 16 : i32
      %mul3A_87 = arith.muli %scan3A_64, %mul3A_86 : i32
      %swap3A = arith.index_cast %mul3A_87 : i32 to index
      %swap3A_88 = tpu.vector_load %arg12[%swap3A] {strides = array<i32>} : memref<2048xi32, #tpu.memory_space<vmem>>, vector<16xi32>,
      %swap3A_89 = vector.shape_cast %swap3A_88 : vector<16xi32> to vector<16xi32>
      %swap3A_90 = vector.shape_cast %select_n3A : vector<16xi32> to vector<16xi32>
      tpu.vector_store %arg12[%swap3A], %swap3A_90 {strides = array<i32>} : memref<2048xi32, #tpu.memory_space<vmem>>, vector<16xi32>,
      %select_n3A_91 = arith.select %eq3A, %add3A_76, %broadcast_in_dim3A_0 : vector<16xi1>, vector<16xi32>
      %mul3A_92 = arith.constant 16 : i32
      %mul3A_93 = arith.muli %scan3A_64, %mul3A_92 : i32
      %swap3A_94 = arith.index_cast %mul3A_93 : i32 to index
      %swap3A_95 = tpu.vector_load %arg13[%swap3A_94] {strides = array<i32>} : memref<2048xi32, #tpu.memory_space<vmem>>, vector<16xi32>,
      %swap3A_96 = vector.shape_cast %swap3A_95 : vector<16xi32> to vector<16xi32>
      %swap3A_97 = vector.shape_cast %select_n3A_91 : vector<16xi32> to vector<16xi32>
      tpu.vector_store %arg13[%swap3A_94], %swap3A_97 {strides = array<i32>} : memref<2048xi32, #tpu.memory_space<vmem>>, vector<16xi32>,
      %scan3A_98 = arith.constant 0 : i32
      scf.yield %scan3A_98 : i32
    }
    %scan3A_51 = arith.constant 128 : i32
    "tpu.region"() ({
      %run_scoped3A = tpu.sem_alloc : memref<!tpu.dma_semaphore, #tpu.memory_space<semaphore_mem>>
      %dma_start3A = arith.constant 0 : i32
      %dma_start3A_64 = arith.constant 0 : i32
      %dma_start3A_65 = tpu.memref_slice %arg6[%dma_start3A, %dma_start3A_64] : memref<10112x16xf32, #tpu.memory_space<hbm>> -> memref<10112x16xf32, #tpu.memory_space<hbm>>
      tpu.enqueue_indirect_dma source(%dma_start3A_65 : memref<10112x16xf32, #tpu.memory_space<hbm>>) target(%arg14 : memref<2048x16xf32, #tpu.memory_space<vmem>>) offsets(%arg12 : memref<2048xi32, #tpu.memory_space<vmem>>) semaphore(%run_scoped3A : memref<!tpu.dma_semaphore, #tpu.memory_space<semaphore_mem>>)
      %dma_wait3A = arith.constant 0 : i32
      %dma_wait3A_66 = arith.constant 0 : i32
      %dma_wait3A_67 = tpu.memref_slice %arg6[%dma_wait3A, %dma_wait3A_66] : memref<10112x16xf32, #tpu.memory_space<hbm>> -> memref<10112x16xf32, #tpu.memory_space<hbm>>
      tpu.wait_indirect_dma semaphore(%run_scoped3A : memref<!tpu.dma_semaphore, #tpu.memory_space<semaphore_mem>>) src(%dma_wait3A_67 : memref<10112x16xf32, #tpu.memory_space<hbm>>) dst(%arg14 : memref<2048x16xf32, #tpu.memory_space<vmem>>)
      tpu.yield
    }) : () -> ()
    "tpu.region"() ({
      %run_scoped3A = tpu.sem_alloc : memref<!tpu.dma_semaphore, #tpu.memory_space<semaphore_mem>>
      %dma_start3A = arith.constant 0 : i32
      %dma_start3A_64 = arith.constant 0 : i32
      %dma_start3A_65 = tpu.memref_slice %arg15[%dma_start3A, %dma_start3A_64] : memref<10112x16xf32, #tpu.memory_space<vmem_shared>> -> memref<10112x16xf32, #tpu.memory_space<vmem_shared>>
      tpu.enqueue_indirect_dma source(%arg14 : memref<2048x16xf32, #tpu.memory_space<vmem>>) target(%dma_start3A_65 : memref<10112x16xf32, #tpu.memory_space<vmem_shared>>) offsets(%arg13 : memref<2048xi32, #tpu.memory_space<vmem>>) semaphore(%run_scoped3A : memref<!tpu.dma_semaphore, #tpu.memory_space<semaphore_mem>>) {add = true}
      %dma_wait3A = arith.constant 0 : i32
      %dma_wait3A_66 = arith.constant 0 : i32
      %dma_wait3A_67 = tpu.memref_slice %arg15[%dma_wait3A, %dma_wait3A_66] : memref<10112x16xf32, #tpu.memory_space<vmem_shared>> -> memref<10112x16xf32, #tpu.memory_space<vmem_shared>>
      tpu.wait_indirect_dma semaphore(%run_scoped3A : memref<!tpu.dma_semaphore, #tpu.memory_space<semaphore_mem>>) src(%arg14 : memref<2048x16xf32, #tpu.memory_space<vmem>>) dst(%dma_wait3A_67 : memref<10112x16xf32, #tpu.memory_space<vmem_shared>>)
      tpu.yield
    }) : () -> ()
    %scan3A_52 = arith.constant 0 : i32
    %scan3A_53 = arith.constant 0 : i32
    %scan3A_54 = arith.constant 128 : i32
    %scan3A_55 = arith.addi %scan3A_53, %scan3A_54 : i32
    %scan3A_56 = arith.constant 1 : i32
    %scan3A_57 = scf.for %scan3A_64 = %scan3A_53 to %scan3A_55 step %scan3A_56 iter_args(%scan3A_65 = %scan3A_52) -> (i32)  : i32 {
      %mul3A_66 = arith.constant 16 : i32
      %mul3A_67 = arith.muli %scan3A_64, %mul3A_66 : i32
      %add3A_68 = arith.constant 8192 : i32
      %add3A_69 = arith.addi %add3A_68, %mul3A_67 : i32
      %get3A = arith.index_cast %add3A_69 : i32 to index
      %get3A_70 = tpu.vector_load %arg8[%get3A] {strides = array<i32>} : memref<10240xi32, #tpu.memory_space<vmem>>, vector<16xi32>,
      %get3A_71 = vector.shape_cast %get3A_70 : vector<16xi32> to vector<16xi32>
      %get3A_72 = arith.index_cast %add3A_69 : i32 to index
      %get3A_73 = tpu.vector_load %arg9[%get3A_72] {strides = array<i32>} : memref<10240xi32, #tpu.memory_space<vmem>>, vector<16xi32>,
      %get3A_74 = vector.shape_cast %get3A_73 : vector<16xi32> to vector<16xi32>
      %sub3A = arith.subi %get3A_74, %get3A_71 : vector<16xi32>
      %mul3A_75 = arith.muli %sub3A, %broadcast_in_dim3A_12 : vector<16xi32>
      %add3A_76 = arith.addi %get3A_71, %mul3A_75 : vector<16xi32>
      %sub3A_77 = arith.subi %get3A_71, %get3A_74 : vector<16xi32>
      %mul3A_78 = arith.muli %sub3A_77, %broadcast_in_dim3A_12 : vector<16xi32>
      %add3A_79 = arith.addi %get3A_74, %mul3A_78 : vector<16xi32>
      %add3A_80 = arith.addi %mul3A_23, %add3A_69 : i32
      %add3A_81 = vector.broadcast %add3A_80 : i32 to vector<16xi32>
      %add3A_82 = arith.addi %add3A_81, %iota3A : vector<16xi32>
      %get3A_83 = arith.index_cast %add3A_69 : i32 to index
      %get3A_84 = tpu.vector_load %arg11[%get3A_83] {strides = array<i32>} : memref<10240xi32, #tpu.memory_space<vmem>>, vector<16xi32>,
      %get3A_85 = vector.shape_cast %get3A_84 : vector<16xi32> to vector<16xi32>
      %eq3A = arith.cmpi eq, %get3A_85, %add3A_82 : vector<16xi32>
      %select_n3A = arith.select %eq3A, %add3A_79, %broadcast_in_dim3A_0 : vector<16xi1>, vector<16xi32>
      %mul3A_86 = arith.constant 16 : i32
      %mul3A_87 = arith.muli %scan3A_64, %mul3A_86 : i32
      %swap3A = arith.index_cast %mul3A_87 : i32 to index
      %swap3A_88 = tpu.vector_load %arg12[%swap3A] {strides = array<i32>} : memref<2048xi32, #tpu.memory_space<vmem>>, vector<16xi32>,
      %swap3A_89 = vector.shape_cast %swap3A_88 : vector<16xi32> to vector<16xi32>
      %swap3A_90 = vector.shape_cast %select_n3A : vector<16xi32> to vector<16xi32>
      tpu.vector_store %arg12[%swap3A], %swap3A_90 {strides = array<i32>} : memref<2048xi32, #tpu.memory_space<vmem>>, vector<16xi32>,
      %select_n3A_91 = arith.select %eq3A, %add3A_76, %broadcast_in_dim3A_0 : vector<16xi1>, vector<16xi32>
      %mul3A_92 = arith.constant 16 : i32
      %mul3A_93 = arith.muli %scan3A_64, %mul3A_92 : i32
      %swap3A_94 = arith.index_cast %mul3A_93 : i32 to index
      %swap3A_95 = tpu.vector_load %arg13[%swap3A_94] {strides = array<i32>} : memref<2048xi32, #tpu.memory_space<vmem>>, vector<16xi32>,
      %swap3A_96 = vector.shape_cast %swap3A_95 : vector<16xi32> to vector<16xi32>
      %swap3A_97 = vector.shape_cast %select_n3A_91 : vector<16xi32> to vector<16xi32>
      tpu.vector_store %arg13[%swap3A_94], %swap3A_97 {strides = array<i32>} : memref<2048xi32, #tpu.memory_space<vmem>>, vector<16xi32>,
      %scan3A_98 = arith.constant 0 : i32
      scf.yield %scan3A_98 : i32
    }
    %scan3A_58 = arith.constant 128 : i32
    "tpu.region"() ({
      %run_scoped3A = tpu.sem_alloc : memref<!tpu.dma_semaphore, #tpu.memory_space<semaphore_mem>>
      %dma_start3A = arith.constant 0 : i32
      %dma_start3A_64 = arith.constant 0 : i32
      %dma_start3A_65 = tpu.memref_slice %arg6[%dma_start3A, %dma_start3A_64] : memref<10112x16xf32, #tpu.memory_space<hbm>> -> memref<10112x16xf32, #tpu.memory_space<hbm>>
      tpu.enqueue_indirect_dma source(%dma_start3A_65 : memref<10112x16xf32, #tpu.memory_space<hbm>>) target(%arg14 : memref<2048x16xf32, #tpu.memory_space<vmem>>) offsets(%arg12 : memref<2048xi32, #tpu.memory_space<vmem>>) semaphore(%run_scoped3A : memref<!tpu.dma_semaphore, #tpu.memory_space<semaphore_mem>>)
      %dma_wait3A = arith.constant 0 : i32
      %dma_wait3A_66 = arith.constant 0 : i32
      %dma_wait3A_67 = tpu.memref_slice %arg6[%dma_wait3A, %dma_wait3A_66] : memref<10112x16xf32, #tpu.memory_space<hbm>> -> memref<10112x16xf32, #tpu.memory_space<hbm>>
      tpu.wait_indirect_dma semaphore(%run_scoped3A : memref<!tpu.dma_semaphore, #tpu.memory_space<semaphore_mem>>) src(%dma_wait3A_67 : memref<10112x16xf32, #tpu.memory_space<hbm>>) dst(%arg14 : memref<2048x16xf32, #tpu.memory_space<vmem>>)
      tpu.yield
    }) : () -> ()
    "tpu.region"() ({
      %run_scoped3A = tpu.sem_alloc : memref<!tpu.dma_semaphore, #tpu.memory_space<semaphore_mem>>
      %dma_start3A = arith.constant 0 : i32
      %dma_start3A_64 = arith.constant 0 : i32
      %dma_start3A_65 = tpu.memref_slice %arg15[%dma_start3A, %dma_start3A_64] : memref<10112x16xf32, #tpu.memory_space<vmem_shared>> -> memref<10112x16xf32, #tpu.memory_space<vmem_shared>>
      tpu.enqueue_indirect_dma source(%arg14 : memref<2048x16xf32, #tpu.memory_space<vmem>>) target(%dma_start3A_65 : memref<10112x16xf32, #tpu.memory_space<vmem_shared>>) offsets(%arg13 : memref<2048xi32, #tpu.memory_space<vmem>>) semaphore(%run_scoped3A : memref<!tpu.dma_semaphore, #tpu.memory_space<semaphore_mem>>) {add = true}
      %dma_wait3A = arith.constant 0 : i32
      %dma_wait3A_66 = arith.constant 0 : i32
      %dma_wait3A_67 = tpu.memref_slice %arg15[%dma_wait3A, %dma_wait3A_66] : memref<10112x16xf32, #tpu.memory_space<vmem_shared>> -> memref<10112x16xf32, #tpu.memory_space<vmem_shared>>
      tpu.wait_indirect_dma semaphore(%run_scoped3A : memref<!tpu.dma_semaphore, #tpu.memory_space<semaphore_mem>>) src(%arg14 : memref<2048x16xf32, #tpu.memory_space<vmem>>) dst(%dma_wait3A_67 : memref<10112x16xf32, #tpu.memory_space<vmem_shared>>)
      tpu.yield
    }) : () -> ()
    %barrier3A_59 = arith.constant 0 : index
    tpu.barrier barrier_id(%barrier3A_59)
    %mul3A_60 = arith.constant 632 : i32
    %mul3A_61 = arith.muli %arg1, %mul3A_60 : i32
    %mul3A_62 = arith.constant 632 : i32
    %mul3A_63 = arith.muli %arg1, %mul3A_62 : i32
    "tpu.region"() ({
      %run_scoped3A = tpu.sem_alloc : memref<!tpu.dma_semaphore, #tpu.memory_space<semaphore_mem>>
      %dma_start3A = arith.constant 0 : i32
      %dma_start3A_64 = tpu.memref_slice %arg7[%arg0, %mul3A_63, %dma_start3A] : memref<2x10112x16xf32, #tpu.memory_space<hbm>> -> memref<1x632x16xf32, #tpu.memory_space<hbm>>
      %dma_start3A_65 = tpu.memref_squeeze %dma_start3A_64 : memref<1x632x16xf32, #tpu.memory_space<hbm>> -> memref<632x16xf32, #tpu.memory_space<hbm>>
      %dma_start3A_66 = arith.constant 0 : i32
      %dma_start3A_67 = tpu.memref_slice %arg15[%mul3A_61, %dma_start3A_66] : memref<10112x16xf32, #tpu.memory_space<vmem_shared>> -> memref<632x16xf32, #tpu.memory_space<vmem_shared>>
      tpu.enqueue_dma source(%dma_start3A_67 : memref<632x16xf32, #tpu.memory_space<vmem_shared>>) target(%dma_start3A_65 : memref<632x16xf32, #tpu.memory_space<hbm>>) target_semaphore(%run_scoped3A : memref<!tpu.dma_semaphore, #tpu.memory_space<semaphore_mem>>)
      %dma_wait3A = arith.constant 0 : i32
      %dma_wait3A_68 = tpu.memref_slice %arg7[%arg0, %mul3A_63, %dma_wait3A] : memref<2x10112x16xf32, #tpu.memory_space<hbm>> -> memref<1x632x16xf32, #tpu.memory_space<hbm>>
      %dma_wait3A_69 = tpu.memref_squeeze %dma_wait3A_68 : memref<1x632x16xf32, #tpu.memory_space<hbm>> -> memref<632x16xf32, #tpu.memory_space<hbm>>
      %dma_wait3A_70 = arith.constant 0 : i32
      %dma_wait3A_71 = tpu.memref_slice %arg15[%mul3A_61, %dma_wait3A_70] : memref<10112x16xf32, #tpu.memory_space<vmem_shared>> -> memref<632x16xf32, #tpu.memory_space<vmem_shared>>
      tpu.wait_dma2 semaphore(%run_scoped3A : memref<!tpu.dma_semaphore, #tpu.memory_space<semaphore_mem>>) src(%dma_wait3A_71 : memref<632x16xf32, #tpu.memory_space<vmem_shared>>) dst(%dma_wait3A_69 : memref<632x16xf32, #tpu.memory_space<hbm>>)
      tpu.yield
    }) : () -> ()
    return
  }
}

module attributes {stable_mosaic.version = 14 : i64} {
  func.func @_mm_body(%arg0: memref<10112x128xf32, #tpu.memory_space<vmem>>, %arg1: memref<128x64xf32, #tpu.memory_space<vmem>>, %arg2: memref<64x16xf32, #tpu.memory_space<vmem>>, %arg3: memref<10112x16xf32, #tpu.memory_space<vmem>>) attributes {dimension_semantics = [], scalar_prefetch = 0 : i64, scratch_operands = 0 : i64, tpu.core_type = #tpu.core_type<tc>} {
    %get3A = arith.constant 0 : index
    %get3A_0 = arith.constant 0 : index
    %get3A_1 = vector.load %arg1[%get3A, %get3A_0] : memref<128x64xf32, #tpu.memory_space<vmem>>, vector<128x64xf32>
    %get3A_2 = arith.constant 0 : index
    %get3A_3 = arith.constant 0 : index
    %get3A_4 = vector.load %arg2[%get3A_2, %get3A_3] : memref<64x16xf32, #tpu.memory_space<vmem>>, vector<64x16xf32>
    %dot_general3A = arith.constant dense<0.000000e+00> : vector<128x16xf32>
    %dot_general3A_5 = tpu.matmul %get3A_1, %get3A_4, %dot_general3A {dimension_numbers = #tpu.dot_dimension_numbers<[1], [0], [0], [1], [0, 0, 1, 1], [], []>, transpose_lhs_hint = false} : vector<128x64xf32>, vector<64x16xf32>, vector<128x16xf32> -> vector<128x16xf32>
    %get3A_6 = arith.constant 0 : index
    %get3A_7 = arith.constant 0 : index
    %get3A_8 = vector.load %arg0[%get3A_6, %get3A_7] : memref<10112x128xf32, #tpu.memory_space<vmem>>, vector<10112x128xf32>
    %dot_general3A_9 = arith.constant dense<0.000000e+00> : vector<10112x16xf32>
    %dot_general3A_10 = tpu.matmul %get3A_8, %dot_general3A_5, %dot_general3A_9 {dimension_numbers = #tpu.dot_dimension_numbers<[1], [0], [0], [1], [0, 0, 1, 1], [], []>, transpose_lhs_hint = false} : vector<10112x128xf32>, vector<128x16xf32>, vector<10112x16xf32> -> vector<10112x16xf32>
    %swap3A = arith.constant 0 : index
    %swap3A_11 = arith.constant 0 : index
    %swap3A_12 = vector.load %arg3[%swap3A, %swap3A_11] : memref<10112x16xf32, #tpu.memory_space<vmem>>, vector<10112x16xf32>
    tpu.vector_store %arg3[%swap3A, %swap3A_11], %dot_general3A_10 {strides = array<i32>} : memref<10112x16xf32, #tpu.memory_space<vmem>>, vector<10112x16xf32>,
    return
  }
}

module attributes {stable_mosaic.version = 14 : i64} {
  func.func @_search_body(%arg0: memref<16x79x128xf32, #tpu.memory_space<vmem>>, %arg1: memref<2x16x79x128xf32, #tpu.memory_space<vmem>>, %arg2: memref<2x79x128xf32, #tpu.memory_space<vmem>>, %arg3: memref<2x79x128xf32, #tpu.memory_space<vmem>>, %arg4: memref<79x128xi32, #tpu.memory_space<vmem>>, %arg5: memref<79x128xf32, #tpu.memory_space<vmem>>, %arg6: memref<79x128xf32, #tpu.memory_space<vmem>>, %arg7: memref<8x128xf32, #tpu.memory_space<vmem>>, %arg8: memref<8x128xi32, #tpu.memory_space<vmem>>) attributes {dimension_semantics = [], scalar_prefetch = 0 : i64, scratch_operands = 0 : i64, tpu.core_type = #tpu.core_type<tc>} {
    %get3A = arith.constant 0 : index
    %get3A_0 = arith.constant 0 : index
    %get3A_1 = vector.load %arg5[%get3A, %get3A_0] : memref<79x128xf32, #tpu.memory_space<vmem>>, vector<79x128xf32>
    %get3A_2 = arith.constant 0 : index
    %get3A_3 = arith.constant 0 : index
    %get3A_4 = vector.load %arg4[%get3A_2, %get3A_3] : memref<79x128xi32, #tpu.memory_space<vmem>>, vector<79x128xi32>
    %get3A_5 = arith.constant 0 : index
    %get3A_6 = arith.constant 0 : index
    %get3A_7 = arith.constant 0 : index
    %get3A_8 = vector.load %arg2[%get3A_5, %get3A_6, %get3A_7] : memref<2x79x128xf32, #tpu.memory_space<vmem>>, vector<1x79x128xf32>
    %get3A_9 = vector.shape_cast %get3A_8 : vector<1x79x128xf32> to vector<79x128xf32>
    %get3A_10 = arith.constant 1 : index
    %get3A_11 = arith.constant 0 : index
    %get3A_12 = arith.constant 0 : index
    %get3A_13 = vector.load %arg2[%get3A_10, %get3A_11, %get3A_12] : memref<2x79x128xf32, #tpu.memory_space<vmem>>, vector<1x79x128xf32>
    %get3A_14 = vector.shape_cast %get3A_13 : vector<1x79x128xf32> to vector<79x128xf32>
    %max3A = arith.maximumf %get3A_9, %get3A_14 : vector<79x128xf32>
    %get3A_15 = arith.constant 0 : index
    %get3A_16 = arith.constant 0 : index
    %get3A_17 = arith.constant 0 : index
    %get3A_18 = vector.load %arg3[%get3A_15, %get3A_16, %get3A_17] : memref<2x79x128xf32, #tpu.memory_space<vmem>>, vector<1x79x128xf32>
    %get3A_19 = vector.shape_cast %get3A_18 : vector<1x79x128xf32> to vector<79x128xf32>
    %get3A_20 = arith.constant 1 : index
    %get3A_21 = arith.constant 0 : index
    %get3A_22 = arith.constant 0 : index
    %get3A_23 = vector.load %arg3[%get3A_20, %get3A_21, %get3A_22] : memref<2x79x128xf32, #tpu.memory_space<vmem>>, vector<1x79x128xf32>
    %get3A_24 = vector.shape_cast %get3A_23 : vector<1x79x128xf32> to vector<79x128xf32>
    %max3A_25 = arith.maximumf %get3A_19, %get3A_24 : vector<79x128xf32>
    %gt3A = arith.constant 0.000000e+00 : f32
    %gt3A_26 = vector.broadcast %gt3A : f32 to vector<79x128xf32>
    %gt3A_27 = arith.cmpf ogt, %max3A_25, %gt3A_26 : vector<79x128xf32>
    %get3A_28 = arith.constant 0 : index
    %get3A_29 = arith.constant 0 : index
    %get3A_30 = arith.constant 0 : index
    %get3A_31 = vector.load %arg0[%get3A_28, %get3A_29, %get3A_30] : memref<16x79x128xf32, #tpu.memory_space<vmem>>, vector<1x79x128xf32>
    %get3A_32 = vector.shape_cast %get3A_31 : vector<1x79x128xf32> to vector<79x128xf32>
    %get3A_33 = arith.constant 1 : index
    %get3A_34 = arith.constant 0 : index
    %get3A_35 = arith.constant 0 : index
    %get3A_36 = vector.load %arg0[%get3A_33, %get3A_34, %get3A_35] : memref<16x79x128xf32, #tpu.memory_space<vmem>>, vector<1x79x128xf32>
    %get3A_37 = vector.shape_cast %get3A_36 : vector<1x79x128xf32> to vector<79x128xf32>
    %get3A_38 = arith.constant 2 : index
    %get3A_39 = arith.constant 0 : index
    %get3A_40 = arith.constant 0 : index
    %get3A_41 = vector.load %arg0[%get3A_38, %get3A_39, %get3A_40] : memref<16x79x128xf32, #tpu.memory_space<vmem>>, vector<1x79x128xf32>
    %get3A_42 = vector.shape_cast %get3A_41 : vector<1x79x128xf32> to vector<79x128xf32>
    %get3A_43 = arith.constant 3 : index
    %get3A_44 = arith.constant 0 : index
    %get3A_45 = arith.constant 0 : index
    %get3A_46 = vector.load %arg0[%get3A_43, %get3A_44, %get3A_45] : memref<16x79x128xf32, #tpu.memory_space<vmem>>, vector<1x79x128xf32>
    %get3A_47 = vector.shape_cast %get3A_46 : vector<1x79x128xf32> to vector<79x128xf32>
    %get3A_48 = arith.constant 4 : index
    %get3A_49 = arith.constant 0 : index
    %get3A_50 = arith.constant 0 : index
    %get3A_51 = vector.load %arg0[%get3A_48, %get3A_49, %get3A_50] : memref<16x79x128xf32, #tpu.memory_space<vmem>>, vector<1x79x128xf32>
    %get3A_52 = vector.shape_cast %get3A_51 : vector<1x79x128xf32> to vector<79x128xf32>
    %get3A_53 = arith.constant 5 : index
    %get3A_54 = arith.constant 0 : index
    %get3A_55 = arith.constant 0 : index
    %get3A_56 = vector.load %arg0[%get3A_53, %get3A_54, %get3A_55] : memref<16x79x128xf32, #tpu.memory_space<vmem>>, vector<1x79x128xf32>
    %get3A_57 = vector.shape_cast %get3A_56 : vector<1x79x128xf32> to vector<79x128xf32>
    %get3A_58 = arith.constant 6 : index
    %get3A_59 = arith.constant 0 : index
    %get3A_60 = arith.constant 0 : index
    %get3A_61 = vector.load %arg0[%get3A_58, %get3A_59, %get3A_60] : memref<16x79x128xf32, #tpu.memory_space<vmem>>, vector<1x79x128xf32>
    %get3A_62 = vector.shape_cast %get3A_61 : vector<1x79x128xf32> to vector<79x128xf32>
    %get3A_63 = arith.constant 0 : index
    %get3A_64 = arith.constant 0 : index
    %get3A_65 = arith.constant 0 : index
    %get3A_66 = arith.constant 0 : index
    %get3A_67 = vector.load %arg1[%get3A_63, %get3A_64, %get3A_65, %get3A_66] : memref<2x16x79x128xf32, #tpu.memory_space<vmem>>, vector<1x1x79x128xf32>
    %get3A_68 = vector.shape_cast %get3A_67 : vector<1x1x79x128xf32> to vector<79x128xf32>
    %get3A_69 = arith.constant 1 : index
    %get3A_70 = arith.constant 0 : index
    %get3A_71 = arith.constant 0 : index
    %get3A_72 = arith.constant 0 : index
    %get3A_73 = vector.load %arg1[%get3A_69, %get3A_70, %get3A_71, %get3A_72] : memref<2x16x79x128xf32, #tpu.memory_space<vmem>>, vector<1x1x79x128xf32>
    %get3A_74 = vector.shape_cast %get3A_73 : vector<1x1x79x128xf32> to vector<79x128xf32>
    %add3A = arith.addf %get3A_68, %get3A_74 : vector<79x128xf32>
    %get3A_75 = arith.constant 0 : index
    %get3A_76 = arith.constant 1 : index
    %get3A_77 = arith.constant 0 : index
    %get3A_78 = arith.constant 0 : index
    %get3A_79 = vector.load %arg1[%get3A_75, %get3A_76, %get3A_77, %get3A_78] : memref<2x16x79x128xf32, #tpu.memory_space<vmem>>, vector<1x1x79x128xf32>
    %get3A_80 = vector.shape_cast %get3A_79 : vector<1x1x79x128xf32> to vector<79x128xf32>
    %get3A_81 = arith.constant 1 : index
    %get3A_82 = arith.constant 1 : index
    %get3A_83 = arith.constant 0 : index
    %get3A_84 = arith.constant 0 : index
    %get3A_85 = vector.load %arg1[%get3A_81, %get3A_82, %get3A_83, %get3A_84] : memref<2x16x79x128xf32, #tpu.memory_space<vmem>>, vector<1x1x79x128xf32>
    %get3A_86 = vector.shape_cast %get3A_85 : vector<1x1x79x128xf32> to vector<79x128xf32>
    %add3A_87 = arith.addf %get3A_80, %get3A_86 : vector<79x128xf32>
    %get3A_88 = arith.constant 0 : index
    %get3A_89 = arith.constant 2 : index
    %get3A_90 = arith.constant 0 : index
    %get3A_91 = arith.constant 0 : index
    %get3A_92 = vector.load %arg1[%get3A_88, %get3A_89, %get3A_90, %get3A_91] : memref<2x16x79x128xf32, #tpu.memory_space<vmem>>, vector<1x1x79x128xf32>
    %get3A_93 = vector.shape_cast %get3A_92 : vector<1x1x79x128xf32> to vector<79x128xf32>
    %get3A_94 = arith.constant 1 : index
    %get3A_95 = arith.constant 2 : index
    %get3A_96 = arith.constant 0 : index
    %get3A_97 = arith.constant 0 : index
    %get3A_98 = vector.load %arg1[%get3A_94, %get3A_95, %get3A_96, %get3A_97] : memref<2x16x79x128xf32, #tpu.memory_space<vmem>>, vector<1x1x79x128xf32>
    %get3A_99 = vector.shape_cast %get3A_98 : vector<1x1x79x128xf32> to vector<79x128xf32>
    %add3A_100 = arith.addf %get3A_93, %get3A_99 : vector<79x128xf32>
    %get3A_101 = arith.constant 0 : index
    %get3A_102 = arith.constant 3 : index
    %get3A_103 = arith.constant 0 : index
    %get3A_104 = arith.constant 0 : index
    %get3A_105 = vector.load %arg1[%get3A_101, %get3A_102, %get3A_103, %get3A_104] : memref<2x16x79x128xf32, #tpu.memory_space<vmem>>, vector<1x1x79x128xf32>
    %get3A_106 = vector.shape_cast %get3A_105 : vector<1x1x79x128xf32> to vector<79x128xf32>
    %get3A_107 = arith.constant 1 : index
    %get3A_108 = arith.constant 3 : index
    %get3A_109 = arith.constant 0 : index
    %get3A_110 = arith.constant 0 : index
    %get3A_111 = vector.load %arg1[%get3A_107, %get3A_108, %get3A_109, %get3A_110] : memref<2x16x79x128xf32, #tpu.memory_space<vmem>>, vector<1x1x79x128xf32>
    %get3A_112 = vector.shape_cast %get3A_111 : vector<1x1x79x128xf32> to vector<79x128xf32>
    %add3A_113 = arith.addf %get3A_106, %get3A_112 : vector<79x128xf32>
    %get3A_114 = arith.constant 0 : index
    %get3A_115 = arith.constant 4 : index
    %get3A_116 = arith.constant 0 : index
    %get3A_117 = arith.constant 0 : index
    %get3A_118 = vector.load %arg1[%get3A_114, %get3A_115, %get3A_116, %get3A_117] : memref<2x16x79x128xf32, #tpu.memory_space<vmem>>, vector<1x1x79x128xf32>
    %get3A_119 = vector.shape_cast %get3A_118 : vector<1x1x79x128xf32> to vector<79x128xf32>
    %get3A_120 = arith.constant 1 : index
    %get3A_121 = arith.constant 4 : index
    %get3A_122 = arith.constant 0 : index
    %get3A_123 = arith.constant 0 : index
    %get3A_124 = vector.load %arg1[%get3A_120, %get3A_121, %get3A_122, %get3A_123] : memref<2x16x79x128xf32, #tpu.memory_space<vmem>>, vector<1x1x79x128xf32>
    %get3A_125 = vector.shape_cast %get3A_124 : vector<1x1x79x128xf32> to vector<79x128xf32>
    %add3A_126 = arith.addf %get3A_119, %get3A_125 : vector<79x128xf32>
    %get3A_127 = arith.constant 0 : index
    %get3A_128 = arith.constant 5 : index
    %get3A_129 = arith.constant 0 : index
    %get3A_130 = arith.constant 0 : index
    %get3A_131 = vector.load %arg1[%get3A_127, %get3A_128, %get3A_129, %get3A_130] : memref<2x16x79x128xf32, #tpu.memory_space<vmem>>, vector<1x1x79x128xf32>
    %get3A_132 = vector.shape_cast %get3A_131 : vector<1x1x79x128xf32> to vector<79x128xf32>
    %get3A_133 = arith.constant 1 : index
    %get3A_134 = arith.constant 5 : index
    %get3A_135 = arith.constant 0 : index
    %get3A_136 = arith.constant 0 : index
    %get3A_137 = vector.load %arg1[%get3A_133, %get3A_134, %get3A_135, %get3A_136] : memref<2x16x79x128xf32, #tpu.memory_space<vmem>>, vector<1x1x79x128xf32>
    %get3A_138 = vector.shape_cast %get3A_137 : vector<1x1x79x128xf32> to vector<79x128xf32>
    %add3A_139 = arith.addf %get3A_132, %get3A_138 : vector<79x128xf32>
    %get3A_140 = arith.constant 0 : index
    %get3A_141 = arith.constant 6 : index
    %get3A_142 = arith.constant 0 : index
    %get3A_143 = arith.constant 0 : index
    %get3A_144 = vector.load %arg1[%get3A_140, %get3A_141, %get3A_142, %get3A_143] : memref<2x16x79x128xf32, #tpu.memory_space<vmem>>, vector<1x1x79x128xf32>
    %get3A_145 = vector.shape_cast %get3A_144 : vector<1x1x79x128xf32> to vector<79x128xf32>
    %get3A_146 = arith.constant 1 : index
    %get3A_147 = arith.constant 6 : index
    %get3A_148 = arith.constant 0 : index
    %get3A_149 = arith.constant 0 : index
    %get3A_150 = vector.load %arg1[%get3A_146, %get3A_147, %get3A_148, %get3A_149] : memref<2x16x79x128xf32, #tpu.memory_space<vmem>>, vector<1x1x79x128xf32>
    %get3A_151 = vector.shape_cast %get3A_150 : vector<1x1x79x128xf32> to vector<79x128xf32>
    %add3A_152 = arith.addf %get3A_145, %get3A_151 : vector<79x128xf32>
    %mul3A = arith.mulf %max3A, %add3A : vector<79x128xf32>
    %reduce_sum3A = vector.shape_cast %mul3A : vector<79x128xf32> to vector<1x79x128xf32>
    %reduce_sum3A_153 = arith.constant dense<0.000000e+00> : vector<1xf32>
    %reduce_sum3A_154 = vector.multi_reduction <add>, %reduce_sum3A, %reduce_sum3A_153 [1, 2] : vector<1x79x128xf32> to vector<1xf32>
    %reduce_sum3A_155 = vector.shape_cast %reduce_sum3A_154 : vector<1xf32> to vector<1x1x1xf32>
    %reduce_sum3A_156 = vector.extract %reduce_sum3A_155[0, 0, 0] : f32 from vector<1x1x1xf32>
    %mul3A_157 = arith.mulf %max3A, %add3A_87 : vector<79x128xf32>
    %reduce_sum3A_158 = vector.shape_cast %mul3A_157 : vector<79x128xf32> to vector<1x79x128xf32>
    %reduce_sum3A_159 = arith.constant dense<0.000000e+00> : vector<1xf32>
    %reduce_sum3A_160 = vector.multi_reduction <add>, %reduce_sum3A_158, %reduce_sum3A_159 [1, 2] : vector<1x79x128xf32> to vector<1xf32>
    %reduce_sum3A_161 = vector.shape_cast %reduce_sum3A_160 : vector<1xf32> to vector<1x1x1xf32>
    %reduce_sum3A_162 = vector.extract %reduce_sum3A_161[0, 0, 0] : f32 from vector<1x1x1xf32>
    %mul3A_163 = arith.mulf %max3A, %add3A_100 : vector<79x128xf32>
    %reduce_sum3A_164 = vector.shape_cast %mul3A_163 : vector<79x128xf32> to vector<1x79x128xf32>
    %reduce_sum3A_165 = arith.constant dense<0.000000e+00> : vector<1xf32>
    %reduce_sum3A_166 = vector.multi_reduction <add>, %reduce_sum3A_164, %reduce_sum3A_165 [1, 2] : vector<1x79x128xf32> to vector<1xf32>
    %reduce_sum3A_167 = vector.shape_cast %reduce_sum3A_166 : vector<1xf32> to vector<1x1x1xf32>
    %reduce_sum3A_168 = vector.extract %reduce_sum3A_167[0, 0, 0] : f32 from vector<1x1x1xf32>
    %mul3A_169 = arith.mulf %max3A, %add3A_113 : vector<79x128xf32>
    %reduce_sum3A_170 = vector.shape_cast %mul3A_169 : vector<79x128xf32> to vector<1x79x128xf32>
    %reduce_sum3A_171 = arith.constant dense<0.000000e+00> : vector<1xf32>
    %reduce_sum3A_172 = vector.multi_reduction <add>, %reduce_sum3A_170, %reduce_sum3A_171 [1, 2] : vector<1x79x128xf32> to vector<1xf32>
    %reduce_sum3A_173 = vector.shape_cast %reduce_sum3A_172 : vector<1xf32> to vector<1x1x1xf32>
    %reduce_sum3A_174 = vector.extract %reduce_sum3A_173[0, 0, 0] : f32 from vector<1x1x1xf32>
    %mul3A_175 = arith.mulf %max3A, %add3A_126 : vector<79x128xf32>
    %reduce_sum3A_176 = vector.shape_cast %mul3A_175 : vector<79x128xf32> to vector<1x79x128xf32>
    %reduce_sum3A_177 = arith.constant dense<0.000000e+00> : vector<1xf32>
    %reduce_sum3A_178 = vector.multi_reduction <add>, %reduce_sum3A_176, %reduce_sum3A_177 [1, 2] : vector<1x79x128xf32> to vector<1xf32>
    %reduce_sum3A_179 = vector.shape_cast %reduce_sum3A_178 : vector<1xf32> to vector<1x1x1xf32>
    %reduce_sum3A_180 = vector.extract %reduce_sum3A_179[0, 0, 0] : f32 from vector<1x1x1xf32>
    %mul3A_181 = arith.mulf %max3A, %add3A_139 : vector<79x128xf32>
    %reduce_sum3A_182 = vector.shape_cast %mul3A_181 : vector<79x128xf32> to vector<1x79x128xf32>
    %reduce_sum3A_183 = arith.constant dense<0.000000e+00> : vector<1xf32>
    %reduce_sum3A_184 = vector.multi_reduction <add>, %reduce_sum3A_182, %reduce_sum3A_183 [1, 2] : vector<1x79x128xf32> to vector<1xf32>
    %reduce_sum3A_185 = vector.shape_cast %reduce_sum3A_184 : vector<1xf32> to vector<1x1x1xf32>
    %reduce_sum3A_186 = vector.extract %reduce_sum3A_185[0, 0, 0] : f32 from vector<1x1x1xf32>
    %mul3A_187 = arith.mulf %max3A, %add3A_152 : vector<79x128xf32>
    %reduce_sum3A_188 = vector.shape_cast %mul3A_187 : vector<79x128xf32> to vector<1x79x128xf32>
    %reduce_sum3A_189 = arith.constant dense<0.000000e+00> : vector<1xf32>
    %reduce_sum3A_190 = vector.multi_reduction <add>, %reduce_sum3A_188, %reduce_sum3A_189 [1, 2] : vector<1x79x128xf32> to vector<1xf32>
    %reduce_sum3A_191 = vector.shape_cast %reduce_sum3A_190 : vector<1xf32> to vector<1x1x1xf32>
    %reduce_sum3A_192 = vector.extract %reduce_sum3A_191[0, 0, 0] : f32 from vector<1x1x1xf32>
    %gt3A_193 = arith.constant 0.000000e+00 : f32
    %gt3A_194 = vector.broadcast %gt3A_193 : f32 to vector<79x128xf32>
    %gt3A_195 = arith.cmpf ogt, %get3A_1, %gt3A_194 : vector<79x128xf32>
    %jit3A = arith.constant 0 : i32
    %broadcast_in_dim3A = vector.broadcast %jit3A : i32 to vector<79x128xi32>
    %select_n3A = arith.select %gt3A_195, %get3A_4, %broadcast_in_dim3A : vector<79x128xi1>, vector<79x128xi32>
    %reduce_sum3A_196 = vector.shape_cast %select_n3A : vector<79x128xi32> to vector<1x79x128xi32>
    %reduce_sum3A_197 = arith.constant dense<0> : vector<1xi32>
    %reduce_sum3A_198 = vector.multi_reduction <add>, %reduce_sum3A_196, %reduce_sum3A_197 [1, 2] : vector<1x79x128xi32> to vector<1xi32>
    %reduce_sum3A_199 = vector.shape_cast %reduce_sum3A_198 : vector<1xi32> to vector<1x1x1xi32>
    %reduce_sum3A_200 = vector.extract %reduce_sum3A_199[0, 0, 0] : i32 from vector<1x1x1xi32>
    %max3A_201 = arith.maximumf %reduce_sum3A_156, %reduce_sum3A_162 : f32
    %max3A_202 = arith.maximumf %max3A_201, %reduce_sum3A_168 : f32
    %max3A_203 = arith.maximumf %max3A_202, %reduce_sum3A_174 : f32
    %max3A_204 = arith.maximumf %max3A_203, %reduce_sum3A_180 : f32
    %max3A_205 = arith.maximumf %max3A_204, %reduce_sum3A_186 : f32
    %max3A_206 = arith.maximumf %max3A_205, %reduce_sum3A_192 : f32
    %eq3A = arith.cmpf oeq, %reduce_sum3A_192, %max3A_206 : f32
    %jit3A_207 = arith.constant 6 : i32
    %jit3A_208 = arith.constant 6 : i32
    %select_n3A_209 = arith.select %eq3A, %jit3A_207, %jit3A_208 : i32
    %eq3A_210 = arith.cmpf oeq, %reduce_sum3A_186, %max3A_206 : f32
    %jit3A_211 = arith.constant 5 : i32
    %select_n3A_212 = arith.select %eq3A_210, %jit3A_211, %select_n3A_209 : i32
    %eq3A_213 = arith.cmpf oeq, %reduce_sum3A_180, %max3A_206 : f32
    %jit3A_214 = arith.constant 4 : i32
    %select_n3A_215 = arith.select %eq3A_213, %jit3A_214, %select_n3A_212 : i32
    %eq3A_216 = arith.cmpf oeq, %reduce_sum3A_174, %max3A_206 : f32
    %jit3A_217 = arith.constant 3 : i32
    %select_n3A_218 = arith.select %eq3A_216, %jit3A_217, %select_n3A_215 : i32
    %eq3A_219 = arith.cmpf oeq, %reduce_sum3A_168, %max3A_206 : f32
    %jit3A_220 = arith.constant 2 : i32
    %select_n3A_221 = arith.select %eq3A_219, %jit3A_220, %select_n3A_218 : i32
    %eq3A_222 = arith.cmpf oeq, %reduce_sum3A_162, %max3A_206 : f32
    %jit3A_223 = arith.constant 1 : i32
    %select_n3A_224 = arith.select %eq3A_222, %jit3A_223, %select_n3A_221 : i32
    %eq3A_225 = arith.cmpf oeq, %reduce_sum3A_156, %max3A_206 : f32
    %jit3A_226 = arith.constant 0 : i32
    %select_n3A_227 = arith.select %eq3A_225, %jit3A_226, %select_n3A_224 : i32
    %eq3A_228 = arith.constant 0 : i32
    %eq3A_229 = arith.cmpi eq, %select_n3A_227, %eq3A_228 : i32
    %jit3A_230 = arith.constant -1.000000e+30 : f32
    %select_n3A_231 = arith.select %eq3A_229, %jit3A_230, %reduce_sum3A_156 : f32
    %max3A_232 = arith.constant -1.000000e+30 : f32
    %max3A_233 = arith.maximumf %max3A_232, %select_n3A_231 : f32
    %eq3A_234 = arith.constant 1 : i32
    %eq3A_235 = arith.cmpi eq, %select_n3A_227, %eq3A_234 : i32
    %jit3A_236 = arith.constant -1.000000e+30 : f32
    %select_n3A_237 = arith.select %eq3A_235, %jit3A_236, %reduce_sum3A_162 : f32
    %max3A_238 = arith.maximumf %max3A_233, %select_n3A_237 : f32
    %eq3A_239 = arith.constant 2 : i32
    %eq3A_240 = arith.cmpi eq, %select_n3A_227, %eq3A_239 : i32
    %jit3A_241 = arith.constant -1.000000e+30 : f32
    %select_n3A_242 = arith.select %eq3A_240, %jit3A_241, %reduce_sum3A_168 : f32
    %max3A_243 = arith.maximumf %max3A_238, %select_n3A_242 : f32
    %eq3A_244 = arith.constant 3 : i32
    %eq3A_245 = arith.cmpi eq, %select_n3A_227, %eq3A_244 : i32
    %jit3A_246 = arith.constant -1.000000e+30 : f32
    %select_n3A_247 = arith.select %eq3A_245, %jit3A_246, %reduce_sum3A_174 : f32
    %max3A_248 = arith.maximumf %max3A_243, %select_n3A_247 : f32
    %eq3A_249 = arith.constant 4 : i32
    %eq3A_250 = arith.cmpi eq, %select_n3A_227, %eq3A_249 : i32
    %jit3A_251 = arith.constant -1.000000e+30 : f32
    %select_n3A_252 = arith.select %eq3A_250, %jit3A_251, %reduce_sum3A_180 : f32
    %max3A_253 = arith.maximumf %max3A_248, %select_n3A_252 : f32
    %eq3A_254 = arith.constant 5 : i32
    %eq3A_255 = arith.cmpi eq, %select_n3A_227, %eq3A_254 : i32
    %jit3A_256 = arith.constant -1.000000e+30 : f32
    %select_n3A_257 = arith.select %eq3A_255, %jit3A_256, %reduce_sum3A_186 : f32
    %max3A_258 = arith.maximumf %max3A_253, %select_n3A_257 : f32
    %eq3A_259 = arith.constant 6 : i32
    %eq3A_260 = arith.cmpi eq, %select_n3A_227, %eq3A_259 : i32
    %jit3A_261 = arith.constant -1.000000e+30 : f32
    %select_n3A_262 = arith.select %eq3A_260, %jit3A_261, %reduce_sum3A_192 : f32
    %max3A_263 = arith.maximumf %max3A_258, %select_n3A_262 : f32
    %eq3A_264 = arith.cmpf oeq, %reduce_sum3A_192, %max3A_263 : f32
    %ne3A = arith.constant 6 : i32
    %ne3A_265 = arith.cmpi ne, %select_n3A_227, %ne3A : i32
    %and3A = arith.andi %eq3A_264, %ne3A_265 : i1
    %jit3A_266 = arith.constant 6 : i32
    %jit3A_267 = arith.constant 6 : i32
    %select_n3A_268 = arith.select %and3A, %jit3A_266, %jit3A_267 : i32
    %eq3A_269 = arith.cmpf oeq, %reduce_sum3A_186, %max3A_263 : f32
    %ne3A_270 = arith.constant 5 : i32
    %ne3A_271 = arith.cmpi ne, %select_n3A_227, %ne3A_270 : i32
    %and3A_272 = arith.andi %eq3A_269, %ne3A_271 : i1
    %jit3A_273 = arith.constant 5 : i32
    %select_n3A_274 = arith.select %and3A_272, %jit3A_273, %select_n3A_268 : i32
    %eq3A_275 = arith.cmpf oeq, %reduce_sum3A_180, %max3A_263 : f32
    %ne3A_276 = arith.constant 4 : i32
    %ne3A_277 = arith.cmpi ne, %select_n3A_227, %ne3A_276 : i32
    %and3A_278 = arith.andi %eq3A_275, %ne3A_277 : i1
    %jit3A_279 = arith.constant 4 : i32
    %select_n3A_280 = arith.select %and3A_278, %jit3A_279, %select_n3A_274 : i32
    %eq3A_281 = arith.cmpf oeq, %reduce_sum3A_174, %max3A_263 : f32
    %ne3A_282 = arith.constant 3 : i32
    %ne3A_283 = arith.cmpi ne, %select_n3A_227, %ne3A_282 : i32
    %and3A_284 = arith.andi %eq3A_281, %ne3A_283 : i1
    %jit3A_285 = arith.constant 3 : i32
    %select_n3A_286 = arith.select %and3A_284, %jit3A_285, %select_n3A_280 : i32
    %eq3A_287 = arith.cmpf oeq, %reduce_sum3A_168, %max3A_263 : f32
    %ne3A_288 = arith.constant 2 : i32
    %ne3A_289 = arith.cmpi ne, %select_n3A_227, %ne3A_288 : i32
    %and3A_290 = arith.andi %eq3A_287, %ne3A_289 : i1
    %jit3A_291 = arith.constant 2 : i32
    %select_n3A_292 = arith.select %and3A_290, %jit3A_291, %select_n3A_286 : i32
    %eq3A_293 = arith.cmpf oeq, %reduce_sum3A_162, %max3A_263 : f32
    %ne3A_294 = arith.constant 1 : i32
    %ne3A_295 = arith.cmpi ne, %select_n3A_227, %ne3A_294 : i32
    %and3A_296 = arith.andi %eq3A_293, %ne3A_295 : i1
    %jit3A_297 = arith.constant 1 : i32
    %select_n3A_298 = arith.select %and3A_296, %jit3A_297, %select_n3A_292 : i32
    %eq3A_299 = arith.cmpf oeq, %reduce_sum3A_156, %max3A_263 : f32
    %ne3A_300 = arith.constant 0 : i32
    %ne3A_301 = arith.cmpi ne, %select_n3A_227, %ne3A_300 : i32
    %and3A_302 = arith.andi %eq3A_299, %ne3A_301 : i1
    %jit3A_303 = arith.constant 0 : i32
    %select_n3A_304 = arith.select %and3A_302, %jit3A_303, %select_n3A_298 : i32
    %ne3A_305 = arith.cmpi ne, %select_n3A_227, %reduce_sum3A_200 : i32
    %select_n3A_306 = arith.select %ne3A_305, %select_n3A_227, %select_n3A_304 : i32
    %broadcast_in_dim3A_307 = arith.constant 0.000000e+00 : f32
    %broadcast_in_dim3A_308 = vector.broadcast %broadcast_in_dim3A_307 : f32 to vector<79x128xf32>
    %broadcast_in_dim3A_309 = arith.constant 0.000000e+00 : f32
    %broadcast_in_dim3A_310 = vector.broadcast %broadcast_in_dim3A_309 : f32 to vector<79x128xf32>
    %eq3A_311 = arith.constant 0 : i32
    %eq3A_312 = arith.cmpi eq, %select_n3A_306, %eq3A_311 : i32
    %jit3A_313 = arith.constant 1.000000e+00 : f32
    %jit3A_314 = arith.constant 0.000000e+00 : f32
    %select_n3A_315 = arith.select %eq3A_312, %jit3A_313, %jit3A_314 : f32
    %eq3A_316 = arith.constant 0 : i32
    %eq3A_317 = arith.cmpi eq, %reduce_sum3A_200, %eq3A_316 : i32
    %jit3A_318 = arith.constant 1.000000e+00 : f32
    %jit3A_319 = arith.constant 0.000000e+00 : f32
    %select_n3A_320 = arith.select %eq3A_317, %jit3A_318, %jit3A_319 : f32
    %mul3A_321 = arith.constant 2.000000e+00 : f32
    %mul3A_322 = arith.mulf %mul3A_321, %select_n3A_320 : f32
    %sub3A = arith.subf %select_n3A_315, %mul3A_322 : f32
    %mul3A_323 = vector.broadcast %sub3A : f32 to vector<79x128xf32>
    %mul3A_324 = arith.mulf %mul3A_323, %get3A_32 : vector<79x128xf32>
    %add3A_325 = arith.addf %broadcast_in_dim3A_308, %mul3A_324 : vector<79x128xf32>
    %mul3A_326 = vector.broadcast %sub3A : f32 to vector<79x128xf32>
    %mul3A_327 = arith.mulf %mul3A_326, %add3A : vector<79x128xf32>
    %add3A_328 = arith.addf %broadcast_in_dim3A_310, %mul3A_327 : vector<79x128xf32>
    %eq3A_329 = arith.constant 1 : i32
    %eq3A_330 = arith.cmpi eq, %select_n3A_306, %eq3A_329 : i32
    %jit3A_331 = arith.constant 1.000000e+00 : f32
    %jit3A_332 = arith.constant 0.000000e+00 : f32
    %select_n3A_333 = arith.select %eq3A_330, %jit3A_331, %jit3A_332 : f32
    %eq3A_334 = arith.constant 1 : i32
    %eq3A_335 = arith.cmpi eq, %reduce_sum3A_200, %eq3A_334 : i32
    %jit3A_336 = arith.constant 1.000000e+00 : f32
    %jit3A_337 = arith.constant 0.000000e+00 : f32
    %select_n3A_338 = arith.select %eq3A_335, %jit3A_336, %jit3A_337 : f32
    %mul3A_339 = arith.constant 2.000000e+00 : f32
    %mul3A_340 = arith.mulf %mul3A_339, %select_n3A_338 : f32
    %sub3A_341 = arith.subf %select_n3A_333, %mul3A_340 : f32
    %mul3A_342 = vector.broadcast %sub3A_341 : f32 to vector<79x128xf32>
    %mul3A_343 = arith.mulf %mul3A_342, %get3A_37 : vector<79x128xf32>
    %add3A_344 = arith.addf %add3A_325, %mul3A_343 : vector<79x128xf32>
    %mul3A_345 = vector.broadcast %sub3A_341 : f32 to vector<79x128xf32>
    %mul3A_346 = arith.mulf %mul3A_345, %add3A_87 : vector<79x128xf32>
    %add3A_347 = arith.addf %add3A_328, %mul3A_346 : vector<79x128xf32>
    %eq3A_348 = arith.constant 2 : i32
    %eq3A_349 = arith.cmpi eq, %select_n3A_306, %eq3A_348 : i32
    %jit3A_350 = arith.constant 1.000000e+00 : f32
    %jit3A_351 = arith.constant 0.000000e+00 : f32
    %select_n3A_352 = arith.select %eq3A_349, %jit3A_350, %jit3A_351 : f32
    %eq3A_353 = arith.constant 2 : i32
    %eq3A_354 = arith.cmpi eq, %reduce_sum3A_200, %eq3A_353 : i32
    %jit3A_355 = arith.constant 1.000000e+00 : f32
    %jit3A_356 = arith.constant 0.000000e+00 : f32
    %select_n3A_357 = arith.select %eq3A_354, %jit3A_355, %jit3A_356 : f32
    %mul3A_358 = arith.constant 2.000000e+00 : f32
    %mul3A_359 = arith.mulf %mul3A_358, %select_n3A_357 : f32
    %sub3A_360 = arith.subf %select_n3A_352, %mul3A_359 : f32
    %mul3A_361 = vector.broadcast %sub3A_360 : f32 to vector<79x128xf32>
    %mul3A_362 = arith.mulf %mul3A_361, %get3A_42 : vector<79x128xf32>
    %add3A_363 = arith.addf %add3A_344, %mul3A_362 : vector<79x128xf32>
    %mul3A_364 = vector.broadcast %sub3A_360 : f32 to vector<79x128xf32>
    %mul3A_365 = arith.mulf %mul3A_364, %add3A_100 : vector<79x128xf32>
    %add3A_366 = arith.addf %add3A_347, %mul3A_365 : vector<79x128xf32>
    %eq3A_367 = arith.constant 3 : i32
    %eq3A_368 = arith.cmpi eq, %select_n3A_306, %eq3A_367 : i32
    %jit3A_369 = arith.constant 1.000000e+00 : f32
    %jit3A_370 = arith.constant 0.000000e+00 : f32
    %select_n3A_371 = arith.select %eq3A_368, %jit3A_369, %jit3A_370 : f32
    %eq3A_372 = arith.constant 3 : i32
    %eq3A_373 = arith.cmpi eq, %reduce_sum3A_200, %eq3A_372 : i32
    %jit3A_374 = arith.constant 1.000000e+00 : f32
    %jit3A_375 = arith.constant 0.000000e+00 : f32
    %select_n3A_376 = arith.select %eq3A_373, %jit3A_374, %jit3A_375 : f32
    %mul3A_377 = arith.constant 2.000000e+00 : f32
    %mul3A_378 = arith.mulf %mul3A_377, %select_n3A_376 : f32
    %sub3A_379 = arith.subf %select_n3A_371, %mul3A_378 : f32
    %mul3A_380 = vector.broadcast %sub3A_379 : f32 to vector<79x128xf32>
    %mul3A_381 = arith.mulf %mul3A_380, %get3A_47 : vector<79x128xf32>
    %add3A_382 = arith.addf %add3A_363, %mul3A_381 : vector<79x128xf32>
    %mul3A_383 = vector.broadcast %sub3A_379 : f32 to vector<79x128xf32>
    %mul3A_384 = arith.mulf %mul3A_383, %add3A_113 : vector<79x128xf32>
    %add3A_385 = arith.addf %add3A_366, %mul3A_384 : vector<79x128xf32>
    %eq3A_386 = arith.constant 4 : i32
    %eq3A_387 = arith.cmpi eq, %select_n3A_306, %eq3A_386 : i32
    %jit3A_388 = arith.constant 1.000000e+00 : f32
    %jit3A_389 = arith.constant 0.000000e+00 : f32
    %select_n3A_390 = arith.select %eq3A_387, %jit3A_388, %jit3A_389 : f32
    %eq3A_391 = arith.constant 4 : i32
    %eq3A_392 = arith.cmpi eq, %reduce_sum3A_200, %eq3A_391 : i32
    %jit3A_393 = arith.constant 1.000000e+00 : f32
    %jit3A_394 = arith.constant 0.000000e+00 : f32
    %select_n3A_395 = arith.select %eq3A_392, %jit3A_393, %jit3A_394 : f32
    %mul3A_396 = arith.constant 2.000000e+00 : f32
    %mul3A_397 = arith.mulf %mul3A_396, %select_n3A_395 : f32
    %sub3A_398 = arith.subf %select_n3A_390, %mul3A_397 : f32
    %mul3A_399 = vector.broadcast %sub3A_398 : f32 to vector<79x128xf32>
    %mul3A_400 = arith.mulf %mul3A_399, %get3A_52 : vector<79x128xf32>
    %add3A_401 = arith.addf %add3A_382, %mul3A_400 : vector<79x128xf32>
    %mul3A_402 = vector.broadcast %sub3A_398 : f32 to vector<79x128xf32>
    %mul3A_403 = arith.mulf %mul3A_402, %add3A_126 : vector<79x128xf32>
    %add3A_404 = arith.addf %add3A_385, %mul3A_403 : vector<79x128xf32>
    %eq3A_405 = arith.constant 5 : i32
    %eq3A_406 = arith.cmpi eq, %select_n3A_306, %eq3A_405 : i32
    %jit3A_407 = arith.constant 1.000000e+00 : f32
    %jit3A_408 = arith.constant 0.000000e+00 : f32
    %select_n3A_409 = arith.select %eq3A_406, %jit3A_407, %jit3A_408 : f32
    %eq3A_410 = arith.constant 5 : i32
    %eq3A_411 = arith.cmpi eq, %reduce_sum3A_200, %eq3A_410 : i32
    %jit3A_412 = arith.constant 1.000000e+00 : f32
    %jit3A_413 = arith.constant 0.000000e+00 : f32
    %select_n3A_414 = arith.select %eq3A_411, %jit3A_412, %jit3A_413 : f32
    %mul3A_415 = arith.constant 2.000000e+00 : f32
    %mul3A_416 = arith.mulf %mul3A_415, %select_n3A_414 : f32
    %sub3A_417 = arith.subf %select_n3A_409, %mul3A_416 : f32
    %mul3A_418 = vector.broadcast %sub3A_417 : f32 to vector<79x128xf32>
    %mul3A_419 = arith.mulf %mul3A_418, %get3A_57 : vector<79x128xf32>
    %add3A_420 = arith.addf %add3A_401, %mul3A_419 : vector<79x128xf32>
    %mul3A_421 = vector.broadcast %sub3A_417 : f32 to vector<79x128xf32>
    %mul3A_422 = arith.mulf %mul3A_421, %add3A_139 : vector<79x128xf32>
    %add3A_423 = arith.addf %add3A_404, %mul3A_422 : vector<79x128xf32>
    %eq3A_424 = arith.constant 6 : i32
    %eq3A_425 = arith.cmpi eq, %select_n3A_306, %eq3A_424 : i32
    %jit3A_426 = arith.constant 1.000000e+00 : f32
    %jit3A_427 = arith.constant 0.000000e+00 : f32
    %select_n3A_428 = arith.select %eq3A_425, %jit3A_426, %jit3A_427 : f32
    %eq3A_429 = arith.constant 6 : i32
    %eq3A_430 = arith.cmpi eq, %reduce_sum3A_200, %eq3A_429 : i32
    %jit3A_431 = arith.constant 1.000000e+00 : f32
    %jit3A_432 = arith.constant 0.000000e+00 : f32
    %select_n3A_433 = arith.select %eq3A_430, %jit3A_431, %jit3A_432 : f32
    %mul3A_434 = arith.constant 2.000000e+00 : f32
    %mul3A_435 = arith.mulf %mul3A_434, %select_n3A_433 : f32
    %sub3A_436 = arith.subf %select_n3A_428, %mul3A_435 : f32
    %mul3A_437 = vector.broadcast %sub3A_436 : f32 to vector<79x128xf32>
    %mul3A_438 = arith.mulf %mul3A_437, %get3A_62 : vector<79x128xf32>
    %add3A_439 = arith.addf %add3A_420, %mul3A_438 : vector<79x128xf32>
    %mul3A_440 = vector.broadcast %sub3A_436 : f32 to vector<79x128xf32>
    %mul3A_441 = arith.mulf %mul3A_440, %add3A_152 : vector<79x128xf32>
    %add3A_442 = arith.addf %add3A_423, %mul3A_441 : vector<79x128xf32>
    %mul3A_443 = arith.mulf %get3A_1, %add3A_439 : vector<79x128xf32>
    %reduce_sum3A_444 = vector.shape_cast %mul3A_443 : vector<79x128xf32> to vector<1x79x128xf32>
    %reduce_sum3A_445 = arith.constant dense<0.000000e+00> : vector<1xf32>
    %reduce_sum3A_446 = vector.multi_reduction <add>, %reduce_sum3A_444, %reduce_sum3A_445 [1, 2] : vector<1x79x128xf32> to vector<1xf32>
    %reduce_sum3A_447 = vector.shape_cast %reduce_sum3A_446 : vector<1xf32> to vector<1x1x1xf32>
    %reduce_sum3A_448 = vector.extract %reduce_sum3A_447[0, 0, 0] : f32 from vector<1x1x1xf32>
    %mul3A_449 = arith.mulf %get3A_1, %max3A : vector<79x128xf32>
    %reduce_sum3A_450 = vector.shape_cast %mul3A_449 : vector<79x128xf32> to vector<1x79x128xf32>
    %reduce_sum3A_451 = arith.constant dense<0.000000e+00> : vector<1xf32>
    %reduce_sum3A_452 = vector.multi_reduction <add>, %reduce_sum3A_450, %reduce_sum3A_451 [1, 2] : vector<1x79x128xf32> to vector<1xf32>
    %reduce_sum3A_453 = vector.shape_cast %reduce_sum3A_452 : vector<1xf32> to vector<1x1x1xf32>
    %reduce_sum3A_454 = vector.extract %reduce_sum3A_453[0, 0, 0] : f32 from vector<1x1x1xf32>
    %mul3A_455 = arith.mulf %get3A_1, %get3A_32 : vector<79x128xf32>
    %reduce_sum3A_456 = vector.shape_cast %mul3A_455 : vector<79x128xf32> to vector<1x79x128xf32>
    %reduce_sum3A_457 = arith.constant dense<0.000000e+00> : vector<1xf32>
    %reduce_sum3A_458 = vector.multi_reduction <add>, %reduce_sum3A_456, %reduce_sum3A_457 [1, 2] : vector<1x79x128xf32> to vector<1xf32>
    %reduce_sum3A_459 = vector.shape_cast %reduce_sum3A_458 : vector<1xf32> to vector<1x1x1xf32>
    %reduce_sum3A_460 = vector.extract %reduce_sum3A_459[0, 0, 0] : f32 from vector<1x1x1xf32>
    %mul3A_461 = arith.mulf %get3A_1, %get3A_37 : vector<79x128xf32>
    %reduce_sum3A_462 = vector.shape_cast %mul3A_461 : vector<79x128xf32> to vector<1x79x128xf32>
    %reduce_sum3A_463 = arith.constant dense<0.000000e+00> : vector<1xf32>
    %reduce_sum3A_464 = vector.multi_reduction <add>, %reduce_sum3A_462, %reduce_sum3A_463 [1, 2] : vector<1x79x128xf32> to vector<1xf32>
    %reduce_sum3A_465 = vector.shape_cast %reduce_sum3A_464 : vector<1xf32> to vector<1x1x1xf32>
    %reduce_sum3A_466 = vector.extract %reduce_sum3A_465[0, 0, 0] : f32 from vector<1x1x1xf32>
    %mul3A_467 = arith.mulf %get3A_1, %get3A_42 : vector<79x128xf32>
    %reduce_sum3A_468 = vector.shape_cast %mul3A_467 : vector<79x128xf32> to vector<1x79x128xf32>
    %reduce_sum3A_469 = arith.constant dense<0.000000e+00> : vector<1xf32>
    %reduce_sum3A_470 = vector.multi_reduction <add>, %reduce_sum3A_468, %reduce_sum3A_469 [1, 2] : vector<1x79x128xf32> to vector<1xf32>
    %reduce_sum3A_471 = vector.shape_cast %reduce_sum3A_470 : vector<1xf32> to vector<1x1x1xf32>
    %reduce_sum3A_472 = vector.extract %reduce_sum3A_471[0, 0, 0] : f32 from vector<1x1x1xf32>
    %mul3A_473 = arith.mulf %get3A_1, %get3A_47 : vector<79x128xf32>
    %reduce_sum3A_474 = vector.shape_cast %mul3A_473 : vector<79x128xf32> to vector<1x79x128xf32>
    %reduce_sum3A_475 = arith.constant dense<0.000000e+00> : vector<1xf32>
    %reduce_sum3A_476 = vector.multi_reduction <add>, %reduce_sum3A_474, %reduce_sum3A_475 [1, 2] : vector<1x79x128xf32> to vector<1xf32>
    %reduce_sum3A_477 = vector.shape_cast %reduce_sum3A_476 : vector<1xf32> to vector<1x1x1xf32>
    %reduce_sum3A_478 = vector.extract %reduce_sum3A_477[0, 0, 0] : f32 from vector<1x1x1xf32>
    %mul3A_479 = arith.mulf %get3A_1, %get3A_52 : vector<79x128xf32>
    %reduce_sum3A_480 = vector.shape_cast %mul3A_479 : vector<79x128xf32> to vector<1x79x128xf32>
    %reduce_sum3A_481 = arith.constant dense<0.000000e+00> : vector<1xf32>
    %reduce_sum3A_482 = vector.multi_reduction <add>, %reduce_sum3A_480, %reduce_sum3A_481 [1, 2] : vector<1x79x128xf32> to vector<1xf32>
    %reduce_sum3A_483 = vector.shape_cast %reduce_sum3A_482 : vector<1xf32> to vector<1x1x1xf32>
    %reduce_sum3A_484 = vector.extract %reduce_sum3A_483[0, 0, 0] : f32 from vector<1x1x1xf32>
    %mul3A_485 = arith.mulf %get3A_1, %get3A_57 : vector<79x128xf32>
    %reduce_sum3A_486 = vector.shape_cast %mul3A_485 : vector<79x128xf32> to vector<1x79x128xf32>
    %reduce_sum3A_487 = arith.constant dense<0.000000e+00> : vector<1xf32>
    %reduce_sum3A_488 = vector.multi_reduction <add>, %reduce_sum3A_486, %reduce_sum3A_487 [1, 2] : vector<1x79x128xf32> to vector<1xf32>
    %reduce_sum3A_489 = vector.shape_cast %reduce_sum3A_488 : vector<1xf32> to vector<1x1x1xf32>
    %reduce_sum3A_490 = vector.extract %reduce_sum3A_489[0, 0, 0] : f32 from vector<1x1x1xf32>
    %mul3A_491 = arith.mulf %get3A_1, %get3A_62 : vector<79x128xf32>
    %reduce_sum3A_492 = vector.shape_cast %mul3A_491 : vector<79x128xf32> to vector<1x79x128xf32>
    %reduce_sum3A_493 = arith.constant dense<0.000000e+00> : vector<1xf32>
    %reduce_sum3A_494 = vector.multi_reduction <add>, %reduce_sum3A_492, %reduce_sum3A_493 [1, 2] : vector<1x79x128xf32> to vector<1xf32>
    %reduce_sum3A_495 = vector.shape_cast %reduce_sum3A_494 : vector<1xf32> to vector<1x1x1xf32>
    %reduce_sum3A_496 = vector.extract %reduce_sum3A_495[0, 0, 0] : f32 from vector<1x1x1xf32>
    %iota3A = tpu.iota {dimensions = array<i32: 0>} : vector<79x128xi32>
    %iota3A_497 = tpu.iota {dimensions = array<i32: 1>} : vector<79x128xi32>
    %mul3A_498 = arith.constant 128 : i32
    %mul3A_499 = vector.broadcast %mul3A_498 : i32 to vector<79x128xi32>
    %mul3A_500 = arith.muli %iota3A, %mul3A_499 : vector<79x128xi32>
    %add3A_501 = arith.addi %mul3A_500, %iota3A_497 : vector<79x128xi32>
    %lt3A = arith.constant 10000 : i32
    %lt3A_502 = vector.broadcast %lt3A : i32 to vector<79x128xi32>
    %lt3A_503 = arith.cmpi slt, %add3A_501, %lt3A_502 : vector<79x128xi32>
    %eq3A_504 = vector.broadcast %select_n3A_306 : i32 to vector<79x128xi32>
    %eq3A_505 = arith.cmpi eq, %get3A_4, %eq3A_504 : vector<79x128xi32>
    %and3A_506 = arith.andi %gt3A_27, %eq3A_505 : vector<79x128xi1>
    %eq3A_507 = arith.constant 0.000000e+00 : f32
    %eq3A_508 = vector.broadcast %eq3A_507 : f32 to vector<79x128xf32>
    %eq3A_509 = arith.cmpf oeq, %max3A, %eq3A_508 : vector<79x128xf32>
    %and3A_510 = arith.andi %and3A_506, %eq3A_509 : vector<79x128xi1>
    %ne3A_511 = arith.constant 0.000000e+00 : f32
    %ne3A_512 = vector.broadcast %ne3A_511 : f32 to vector<79x128xf32>
    %ne3A_513 = arith.cmpf one, %max3A, %ne3A_512 : vector<79x128xf32>
    %or3A = arith.ori %and3A_510, %ne3A_513 : vector<79x128xi1>
    %eq3A_514 = arith.constant 0.000000e+00 : f32
    %eq3A_515 = vector.broadcast %eq3A_514 : f32 to vector<79x128xf32>
    %eq3A_516 = arith.cmpf oeq, %get3A_1, %eq3A_515 : vector<79x128xf32>
    %and3A_517 = arith.andi %or3A, %eq3A_516 : vector<79x128xi1>
    %and3A_518 = arith.andi %and3A_517, %lt3A_503 : vector<79x128xi1>
    %mul3A_519 = arith.constant 2.000000e+00 : f32
    %mul3A_520 = vector.broadcast %mul3A_519 : f32 to vector<79x128xf32>
    %mul3A_521 = arith.mulf %mul3A_520, %max3A : vector<79x128xf32>
    %sub3A_522 = arith.constant 1.000000e+00 : f32
    %sub3A_523 = vector.broadcast %sub3A_522 : f32 to vector<79x128xf32>
    %sub3A_524 = arith.subf %sub3A_523, %mul3A_521 : vector<79x128xf32>
    %mul3A_525 = vector.broadcast %reduce_sum3A_454 : f32 to vector<79x128xf32>
    %mul3A_526 = arith.mulf %mul3A_525, %add3A_439 : vector<79x128xf32>
    %add3A_527 = arith.addf %add3A_442, %mul3A_526 : vector<79x128xf32>
    %add3A_528 = arith.addf %max3A, %sub3A_524 : vector<79x128xf32>
    %mul3A_529 = vector.broadcast %reduce_sum3A_448 : f32 to vector<79x128xf32>
    %mul3A_530 = arith.mulf %add3A_528, %mul3A_529 : vector<79x128xf32>
    %add3A_531 = arith.addf %add3A_527, %mul3A_530 : vector<79x128xf32>
    %mul3A_532 = arith.mulf %sub3A_524, %add3A_531 : vector<79x128xf32>
    %jit3A_533 = arith.constant -1.000000e+10 : f32
    %broadcast_in_dim3A_534 = vector.broadcast %jit3A_533 : f32 to vector<79x128xf32>
    %select_n3A_535 = arith.select %and3A_518, %mul3A_532, %broadcast_in_dim3A_534 : vector<79x128xi1>, vector<79x128xf32>
    %reduce_max3A = vector.shape_cast %select_n3A_535 : vector<79x128xf32> to vector<1x79x128xf32>
    %reduce_max3A_536 = arith.constant dense<0xFF800000> : vector<1xf32>
    %reduce_max3A_537 = vector.multi_reduction <maximumf>, %reduce_max3A, %reduce_max3A_536 [1, 2] : vector<1x79x128xf32> to vector<1xf32>
    %reduce_max3A_538 = vector.shape_cast %reduce_max3A_537 : vector<1xf32> to vector<1x1x1xf32>
    %reduce_max3A_539 = vector.extract %reduce_max3A_538[0, 0, 0] : f32 from vector<1x1x1xf32>
    %eq3A_540 = vector.broadcast %reduce_max3A_539 : f32 to vector<79x128xf32>
    %eq3A_541 = arith.cmpf oeq, %select_n3A_535, %eq3A_540 : vector<79x128xf32>
    %jit3A_542 = arith.constant 1073741824 : i32
    %broadcast_in_dim3A_543 = vector.broadcast %jit3A_542 : i32 to vector<79x128xi32>
    %select_n3A_544 = arith.select %eq3A_541, %add3A_501, %broadcast_in_dim3A_543 : vector<79x128xi1>, vector<79x128xi32>
    %reduce_min3A = vector.shape_cast %select_n3A_544 : vector<79x128xi32> to vector<1x79x128xi32>
    %reduce_min3A_545 = arith.constant dense<2147483647> : vector<1xi32>
    %reduce_min3A_546 = vector.multi_reduction <minsi>, %reduce_min3A, %reduce_min3A_545 [1, 2] : vector<1x79x128xi32> to vector<1xi32>
    %reduce_min3A_547 = vector.shape_cast %reduce_min3A_546 : vector<1xi32> to vector<1x1x1xi32>
    %reduce_min3A_548 = vector.extract %reduce_min3A_547[0, 0, 0] : i32 from vector<1x1x1xi32>
    %eq3A_549 = vector.broadcast %reduce_min3A_548 : i32 to vector<79x128xi32>
    %eq3A_550 = arith.cmpi eq, %add3A_501, %eq3A_549 : vector<79x128xi32>
    %convert_element_type3A = arith.extui %eq3A_550 : vector<79x128xi1> to vector<79x128xi32>
    %convert_element_type3A_551 = arith.sitofp %convert_element_type3A : vector<79x128xi32> to vector<79x128xf32>
    %mul3A_552 = arith.mulf %convert_element_type3A_551, %max3A : vector<79x128xf32>
    %reduce_sum3A_553 = vector.shape_cast %mul3A_552 : vector<79x128xf32> to vector<1x79x128xf32>
    %reduce_sum3A_554 = arith.constant dense<0.000000e+00> : vector<1xf32>
    %reduce_sum3A_555 = vector.multi_reduction <add>, %reduce_sum3A_553, %reduce_sum3A_554 [1, 2] : vector<1x79x128xf32> to vector<1xf32>
    %reduce_sum3A_556 = vector.shape_cast %reduce_sum3A_555 : vector<1xf32> to vector<1x1x1xf32>
    %reduce_sum3A_557 = vector.extract %reduce_sum3A_556[0, 0, 0] : f32 from vector<1x1x1xf32>
    %mul3A_558 = arith.constant 2.000000e+00 : f32
    %mul3A_559 = arith.mulf %mul3A_558, %reduce_sum3A_557 : f32
    %sub3A_560 = arith.constant 1.000000e+00 : f32
    %sub3A_561 = arith.subf %sub3A_560, %mul3A_559 : f32
    %mul3A_562 = arith.mulf %convert_element_type3A_551, %get3A_32 : vector<79x128xf32>
    %reduce_sum3A_563 = vector.shape_cast %mul3A_562 : vector<79x128xf32> to vector<1x79x128xf32>
    %reduce_sum3A_564 = arith.constant dense<0.000000e+00> : vector<1xf32>
    %reduce_sum3A_565 = vector.multi_reduction <add>, %reduce_sum3A_563, %reduce_sum3A_564 [1, 2] : vector<1x79x128xf32> to vector<1xf32>
    %reduce_sum3A_566 = vector.shape_cast %reduce_sum3A_565 : vector<1xf32> to vector<1x1x1xf32>
    %reduce_sum3A_567 = vector.extract %reduce_sum3A_566[0, 0, 0] : f32 from vector<1x1x1xf32>
    %mul3A_568 = arith.mulf %convert_element_type3A_551, %get3A_37 : vector<79x128xf32>
    %reduce_sum3A_569 = vector.shape_cast %mul3A_568 : vector<79x128xf32> to vector<1x79x128xf32>
    %reduce_sum3A_570 = arith.constant dense<0.000000e+00> : vector<1xf32>
    %reduce_sum3A_571 = vector.multi_reduction <add>, %reduce_sum3A_569, %reduce_sum3A_570 [1, 2] : vector<1x79x128xf32> to vector<1xf32>
    %reduce_sum3A_572 = vector.shape_cast %reduce_sum3A_571 : vector<1xf32> to vector<1x1x1xf32>
    %reduce_sum3A_573 = vector.extract %reduce_sum3A_572[0, 0, 0] : f32 from vector<1x1x1xf32>
    %mul3A_574 = arith.mulf %convert_element_type3A_551, %get3A_42 : vector<79x128xf32>
    %reduce_sum3A_575 = vector.shape_cast %mul3A_574 : vector<79x128xf32> to vector<1x79x128xf32>
    %reduce_sum3A_576 = arith.constant dense<0.000000e+00> : vector<1xf32>
    %reduce_sum3A_577 = vector.multi_reduction <add>, %reduce_sum3A_575, %reduce_sum3A_576 [1, 2] : vector<1x79x128xf32> to vector<1xf32>
    %reduce_sum3A_578 = vector.shape_cast %reduce_sum3A_577 : vector<1xf32> to vector<1x1x1xf32>
    %reduce_sum3A_579 = vector.extract %reduce_sum3A_578[0, 0, 0] : f32 from vector<1x1x1xf32>
    %mul3A_580 = arith.mulf %convert_element_type3A_551, %get3A_47 : vector<79x128xf32>
    %reduce_sum3A_581 = vector.shape_cast %mul3A_580 : vector<79x128xf32> to vector<1x79x128xf32>
    %reduce_sum3A_582 = arith.constant dense<0.000000e+00> : vector<1xf32>
    %reduce_sum3A_583 = vector.multi_reduction <add>, %reduce_sum3A_581, %reduce_sum3A_582 [1, 2] : vector<1x79x128xf32> to vector<1xf32>
    %reduce_sum3A_584 = vector.shape_cast %reduce_sum3A_583 : vector<1xf32> to vector<1x1x1xf32>
    %reduce_sum3A_585 = vector.extract %reduce_sum3A_584[0, 0, 0] : f32 from vector<1x1x1xf32>
    %mul3A_586 = arith.mulf %convert_element_type3A_551, %get3A_52 : vector<79x128xf32>
    %reduce_sum3A_587 = vector.shape_cast %mul3A_586 : vector<79x128xf32> to vector<1x79x128xf32>
    %reduce_sum3A_588 = arith.constant dense<0.000000e+00> : vector<1xf32>
    %reduce_sum3A_589 = vector.multi_reduction <add>, %reduce_sum3A_587, %reduce_sum3A_588 [1, 2] : vector<1x79x128xf32> to vector<1xf32>
    %reduce_sum3A_590 = vector.shape_cast %reduce_sum3A_589 : vector<1xf32> to vector<1x1x1xf32>
    %reduce_sum3A_591 = vector.extract %reduce_sum3A_590[0, 0, 0] : f32 from vector<1x1x1xf32>
    %mul3A_592 = arith.mulf %convert_element_type3A_551, %get3A_57 : vector<79x128xf32>
    %reduce_sum3A_593 = vector.shape_cast %mul3A_592 : vector<79x128xf32> to vector<1x79x128xf32>
    %reduce_sum3A_594 = arith.constant dense<0.000000e+00> : vector<1xf32>
    %reduce_sum3A_595 = vector.multi_reduction <add>, %reduce_sum3A_593, %reduce_sum3A_594 [1, 2] : vector<1x79x128xf32> to vector<1xf32>
    %reduce_sum3A_596 = vector.shape_cast %reduce_sum3A_595 : vector<1xf32> to vector<1x1x1xf32>
    %reduce_sum3A_597 = vector.extract %reduce_sum3A_596[0, 0, 0] : f32 from vector<1x1x1xf32>
    %mul3A_598 = arith.mulf %convert_element_type3A_551, %get3A_62 : vector<79x128xf32>
    %reduce_sum3A_599 = vector.shape_cast %mul3A_598 : vector<79x128xf32> to vector<1x79x128xf32>
    %reduce_sum3A_600 = arith.constant dense<0.000000e+00> : vector<1xf32>
    %reduce_sum3A_601 = vector.multi_reduction <add>, %reduce_sum3A_599, %reduce_sum3A_600 [1, 2] : vector<1x79x128xf32> to vector<1xf32>
    %reduce_sum3A_602 = vector.shape_cast %reduce_sum3A_601 : vector<1xf32> to vector<1x1x1xf32>
    %reduce_sum3A_603 = vector.extract %reduce_sum3A_602[0, 0, 0] : f32 from vector<1x1x1xf32>
    %mul3A_604 = arith.mulf %convert_element_type3A_551, %add3A_439 : vector<79x128xf32>
    %reduce_sum3A_605 = vector.shape_cast %mul3A_604 : vector<79x128xf32> to vector<1x79x128xf32>
    %reduce_sum3A_606 = arith.constant dense<0.000000e+00> : vector<1xf32>
    %reduce_sum3A_607 = vector.multi_reduction <add>, %reduce_sum3A_605, %reduce_sum3A_606 [1, 2] : vector<1x79x128xf32> to vector<1xf32>
    %reduce_sum3A_608 = vector.shape_cast %reduce_sum3A_607 : vector<1xf32> to vector<1x1x1xf32>
    %reduce_sum3A_609 = vector.extract %reduce_sum3A_608[0, 0, 0] : f32 from vector<1x1x1xf32>
    %mul3A_610 = arith.mulf %sub3A_561, %reduce_sum3A_567 : f32
    %mul3A_611 = vector.broadcast %mul3A_610 : f32 to vector<79x128xf32>
    %mul3A_612 = arith.mulf %mul3A_611, %get3A_1 : vector<79x128xf32>
    %add3A_613 = arith.addf %add3A, %mul3A_612 : vector<79x128xf32>
    %mul3A_614 = arith.mulf %sub3A_561, %reduce_sum3A_460 : f32
    %mul3A_615 = vector.broadcast %mul3A_614 : f32 to vector<79x128xf32>
    %mul3A_616 = arith.mulf %mul3A_615, %convert_element_type3A_551 : vector<79x128xf32>
    %add3A_617 = arith.addf %add3A_613, %mul3A_616 : vector<79x128xf32>
    %mul3A_618 = arith.mulf %sub3A_561, %reduce_sum3A_573 : f32
    %mul3A_619 = vector.broadcast %mul3A_618 : f32 to vector<79x128xf32>
    %mul3A_620 = arith.mulf %mul3A_619, %get3A_1 : vector<79x128xf32>
    %add3A_621 = arith.addf %add3A_87, %mul3A_620 : vector<79x128xf32>
    %mul3A_622 = arith.mulf %sub3A_561, %reduce_sum3A_466 : f32
    %mul3A_623 = vector.broadcast %mul3A_622 : f32 to vector<79x128xf32>
    %mul3A_624 = arith.mulf %mul3A_623, %convert_element_type3A_551 : vector<79x128xf32>
    %add3A_625 = arith.addf %add3A_621, %mul3A_624 : vector<79x128xf32>
    %mul3A_626 = arith.mulf %sub3A_561, %reduce_sum3A_579 : f32
    %mul3A_627 = vector.broadcast %mul3A_626 : f32 to vector<79x128xf32>
    %mul3A_628 = arith.mulf %mul3A_627, %get3A_1 : vector<79x128xf32>
    %add3A_629 = arith.addf %add3A_100, %mul3A_628 : vector<79x128xf32>
    %mul3A_630 = arith.mulf %sub3A_561, %reduce_sum3A_472 : f32
    %mul3A_631 = vector.broadcast %mul3A_630 : f32 to vector<79x128xf32>
    %mul3A_632 = arith.mulf %mul3A_631, %convert_element_type3A_551 : vector<79x128xf32>
    %add3A_633 = arith.addf %add3A_629, %mul3A_632 : vector<79x128xf32>
    %mul3A_634 = arith.mulf %sub3A_561, %reduce_sum3A_585 : f32
    %mul3A_635 = vector.broadcast %mul3A_634 : f32 to vector<79x128xf32>
    %mul3A_636 = arith.mulf %mul3A_635, %get3A_1 : vector<79x128xf32>
    %add3A_637 = arith.addf %add3A_113, %mul3A_636 : vector<79x128xf32>
    %mul3A_638 = arith.mulf %sub3A_561, %reduce_sum3A_478 : f32
    %mul3A_639 = vector.broadcast %mul3A_638 : f32 to vector<79x128xf32>
    %mul3A_640 = arith.mulf %mul3A_639, %convert_element_type3A_551 : vector<79x128xf32>
    %add3A_641 = arith.addf %add3A_637, %mul3A_640 : vector<79x128xf32>
    %mul3A_642 = arith.mulf %sub3A_561, %reduce_sum3A_591 : f32
    %mul3A_643 = vector.broadcast %mul3A_642 : f32 to vector<79x128xf32>
    %mul3A_644 = arith.mulf %mul3A_643, %get3A_1 : vector<79x128xf32>
    %add3A_645 = arith.addf %add3A_126, %mul3A_644 : vector<79x128xf32>
    %mul3A_646 = arith.mulf %sub3A_561, %reduce_sum3A_484 : f32
    %mul3A_647 = vector.broadcast %mul3A_646 : f32 to vector<79x128xf32>
    %mul3A_648 = arith.mulf %mul3A_647, %convert_element_type3A_551 : vector<79x128xf32>
    %add3A_649 = arith.addf %add3A_645, %mul3A_648 : vector<79x128xf32>
    %mul3A_650 = arith.mulf %sub3A_561, %reduce_sum3A_597 : f32
    %mul3A_651 = vector.broadcast %mul3A_650 : f32 to vector<79x128xf32>
    %mul3A_652 = arith.mulf %mul3A_651, %get3A_1 : vector<79x128xf32>
    %add3A_653 = arith.addf %add3A_139, %mul3A_652 : vector<79x128xf32>
    %mul3A_654 = arith.mulf %sub3A_561, %reduce_sum3A_490 : f32
    %mul3A_655 = vector.broadcast %mul3A_654 : f32 to vector<79x128xf32>
    %mul3A_656 = arith.mulf %mul3A_655, %convert_element_type3A_551 : vector<79x128xf32>
    %add3A_657 = arith.addf %add3A_653, %mul3A_656 : vector<79x128xf32>
    %mul3A_658 = arith.mulf %sub3A_561, %reduce_sum3A_603 : f32
    %mul3A_659 = vector.broadcast %mul3A_658 : f32 to vector<79x128xf32>
    %mul3A_660 = arith.mulf %mul3A_659, %get3A_1 : vector<79x128xf32>
    %add3A_661 = arith.addf %add3A_152, %mul3A_660 : vector<79x128xf32>
    %mul3A_662 = arith.mulf %sub3A_561, %reduce_sum3A_496 : f32
    %mul3A_663 = vector.broadcast %mul3A_662 : f32 to vector<79x128xf32>
    %mul3A_664 = arith.mulf %mul3A_663, %convert_element_type3A_551 : vector<79x128xf32>
    %add3A_665 = arith.addf %add3A_661, %mul3A_664 : vector<79x128xf32>
    %mul3A_666 = arith.mulf %sub3A_561, %reduce_sum3A_609 : f32
    %mul3A_667 = vector.broadcast %mul3A_666 : f32 to vector<79x128xf32>
    %mul3A_668 = arith.mulf %mul3A_667, %get3A_1 : vector<79x128xf32>
    %add3A_669 = arith.addf %add3A_442, %mul3A_668 : vector<79x128xf32>
    %mul3A_670 = arith.mulf %sub3A_561, %reduce_sum3A_448 : f32
    %mul3A_671 = vector.broadcast %mul3A_670 : f32 to vector<79x128xf32>
    %mul3A_672 = arith.mulf %mul3A_671, %convert_element_type3A_551 : vector<79x128xf32>
    %add3A_673 = arith.addf %add3A_669, %mul3A_672 : vector<79x128xf32>
    %mul3A_674 = vector.broadcast %sub3A_561 : f32 to vector<79x128xf32>
    %mul3A_675 = arith.mulf %mul3A_674, %convert_element_type3A_551 : vector<79x128xf32>
    %add3A_676 = arith.addf %max3A, %mul3A_675 : vector<79x128xf32>
    %ne3A_677 = vector.broadcast %reduce_min3A_548 : i32 to vector<79x128xi32>
    %ne3A_678 = arith.cmpi ne, %add3A_501, %ne3A_677 : vector<79x128xi32>
    %and3A_679 = arith.andi %and3A_518, %ne3A_678 : vector<79x128xi1>
    %mul3A_680 = arith.constant 2.000000e+00 : f32
    %mul3A_681 = vector.broadcast %mul3A_680 : f32 to vector<79x128xf32>
    %mul3A_682 = arith.mulf %mul3A_681, %add3A_676 : vector<79x128xf32>
    %sub3A_683 = arith.constant 1.000000e+00 : f32
    %sub3A_684 = vector.broadcast %sub3A_683 : f32 to vector<79x128xf32>
    %sub3A_685 = arith.subf %sub3A_684, %mul3A_682 : vector<79x128xf32>
    %mul3A_686 = vector.broadcast %reduce_sum3A_454 : f32 to vector<79x128xf32>
    %mul3A_687 = arith.mulf %mul3A_686, %add3A_439 : vector<79x128xf32>
    %add3A_688 = arith.addf %add3A_673, %mul3A_687 : vector<79x128xf32>
    %add3A_689 = arith.addf %add3A_676, %sub3A_685 : vector<79x128xf32>
    %mul3A_690 = vector.broadcast %reduce_sum3A_448 : f32 to vector<79x128xf32>
    %mul3A_691 = arith.mulf %add3A_689, %mul3A_690 : vector<79x128xf32>
    %add3A_692 = arith.addf %add3A_688, %mul3A_691 : vector<79x128xf32>
    %mul3A_693 = arith.mulf %sub3A_685, %add3A_692 : vector<79x128xf32>
    %jit3A_694 = arith.constant -1.000000e+10 : f32
    %broadcast_in_dim3A_695 = vector.broadcast %jit3A_694 : f32 to vector<79x128xf32>
    %select_n3A_696 = arith.select %and3A_679, %mul3A_693, %broadcast_in_dim3A_695 : vector<79x128xi1>, vector<79x128xf32>
    %reduce_max3A_697 = vector.shape_cast %select_n3A_696 : vector<79x128xf32> to vector<1x79x128xf32>
    %reduce_max3A_698 = arith.constant dense<0xFF800000> : vector<1xf32>
    %reduce_max3A_699 = vector.multi_reduction <maximumf>, %reduce_max3A_697, %reduce_max3A_698 [1, 2] : vector<1x79x128xf32> to vector<1xf32>
    %reduce_max3A_700 = vector.shape_cast %reduce_max3A_699 : vector<1xf32> to vector<1x1x1xf32>
    %reduce_max3A_701 = vector.extract %reduce_max3A_700[0, 0, 0] : f32 from vector<1x1x1xf32>
    %eq3A_702 = vector.broadcast %reduce_max3A_701 : f32 to vector<79x128xf32>
    %eq3A_703 = arith.cmpf oeq, %select_n3A_696, %eq3A_702 : vector<79x128xf32>
    %jit3A_704 = arith.constant 1073741824 : i32
    %broadcast_in_dim3A_705 = vector.broadcast %jit3A_704 : i32 to vector<79x128xi32>
    %select_n3A_706 = arith.select %eq3A_703, %add3A_501, %broadcast_in_dim3A_705 : vector<79x128xi1>, vector<79x128xi32>
    %reduce_min3A_707 = vector.shape_cast %select_n3A_706 : vector<79x128xi32> to vector<1x79x128xi32>
    %reduce_min3A_708 = arith.constant dense<2147483647> : vector<1xi32>
    %reduce_min3A_709 = vector.multi_reduction <minsi>, %reduce_min3A_707, %reduce_min3A_708 [1, 2] : vector<1x79x128xi32> to vector<1xi32>
    %reduce_min3A_710 = vector.shape_cast %reduce_min3A_709 : vector<1xi32> to vector<1x1x1xi32>
    %reduce_min3A_711 = vector.extract %reduce_min3A_710[0, 0, 0] : i32 from vector<1x1x1xi32>
    %eq3A_712 = vector.broadcast %reduce_min3A_711 : i32 to vector<79x128xi32>
    %eq3A_713 = arith.cmpi eq, %add3A_501, %eq3A_712 : vector<79x128xi32>
    %convert_element_type3A_714 = arith.extui %eq3A_713 : vector<79x128xi1> to vector<79x128xi32>
    %convert_element_type3A_715 = arith.sitofp %convert_element_type3A_714 : vector<79x128xi32> to vector<79x128xf32>
    %mul3A_716 = arith.mulf %convert_element_type3A_715, %add3A_676 : vector<79x128xf32>
    %reduce_sum3A_717 = vector.shape_cast %mul3A_716 : vector<79x128xf32> to vector<1x79x128xf32>
    %reduce_sum3A_718 = arith.constant dense<0.000000e+00> : vector<1xf32>
    %reduce_sum3A_719 = vector.multi_reduction <add>, %reduce_sum3A_717, %reduce_sum3A_718 [1, 2] : vector<1x79x128xf32> to vector<1xf32>
    %reduce_sum3A_720 = vector.shape_cast %reduce_sum3A_719 : vector<1xf32> to vector<1x1x1xf32>
    %reduce_sum3A_721 = vector.extract %reduce_sum3A_720[0, 0, 0] : f32 from vector<1x1x1xf32>
    %mul3A_722 = arith.constant 2.000000e+00 : f32
    %mul3A_723 = arith.mulf %mul3A_722, %reduce_sum3A_721 : f32
    %sub3A_724 = arith.constant 1.000000e+00 : f32
    %sub3A_725 = arith.subf %sub3A_724, %mul3A_723 : f32
    %mul3A_726 = arith.mulf %convert_element_type3A_715, %get3A_32 : vector<79x128xf32>
    %reduce_sum3A_727 = vector.shape_cast %mul3A_726 : vector<79x128xf32> to vector<1x79x128xf32>
    %reduce_sum3A_728 = arith.constant dense<0.000000e+00> : vector<1xf32>
    %reduce_sum3A_729 = vector.multi_reduction <add>, %reduce_sum3A_727, %reduce_sum3A_728 [1, 2] : vector<1x79x128xf32> to vector<1xf32>
    %reduce_sum3A_730 = vector.shape_cast %reduce_sum3A_729 : vector<1xf32> to vector<1x1x1xf32>
    %reduce_sum3A_731 = vector.extract %reduce_sum3A_730[0, 0, 0] : f32 from vector<1x1x1xf32>
    %mul3A_732 = arith.mulf %convert_element_type3A_715, %get3A_37 : vector<79x128xf32>
    %reduce_sum3A_733 = vector.shape_cast %mul3A_732 : vector<79x128xf32> to vector<1x79x128xf32>
    %reduce_sum3A_734 = arith.constant dense<0.000000e+00> : vector<1xf32>
    %reduce_sum3A_735 = vector.multi_reduction <add>, %reduce_sum3A_733, %reduce_sum3A_734 [1, 2] : vector<1x79x128xf32> to vector<1xf32>
    %reduce_sum3A_736 = vector.shape_cast %reduce_sum3A_735 : vector<1xf32> to vector<1x1x1xf32>
    %reduce_sum3A_737 = vector.extract %reduce_sum3A_736[0, 0, 0] : f32 from vector<1x1x1xf32>
    %mul3A_738 = arith.mulf %convert_element_type3A_715, %get3A_42 : vector<79x128xf32>
    %reduce_sum3A_739 = vector.shape_cast %mul3A_738 : vector<79x128xf32> to vector<1x79x128xf32>
    %reduce_sum3A_740 = arith.constant dense<0.000000e+00> : vector<1xf32>
    %reduce_sum3A_741 = vector.multi_reduction <add>, %reduce_sum3A_739, %reduce_sum3A_740 [1, 2] : vector<1x79x128xf32> to vector<1xf32>
    %reduce_sum3A_742 = vector.shape_cast %reduce_sum3A_741 : vector<1xf32> to vector<1x1x1xf32>
    %reduce_sum3A_743 = vector.extract %reduce_sum3A_742[0, 0, 0] : f32 from vector<1x1x1xf32>
    %mul3A_744 = arith.mulf %convert_element_type3A_715, %get3A_47 : vector<79x128xf32>
    %reduce_sum3A_745 = vector.shape_cast %mul3A_744 : vector<79x128xf32> to vector<1x79x128xf32>
    %reduce_sum3A_746 = arith.constant dense<0.000000e+00> : vector<1xf32>
    %reduce_sum3A_747 = vector.multi_reduction <add>, %reduce_sum3A_745, %reduce_sum3A_746 [1, 2] : vector<1x79x128xf32> to vector<1xf32>
    %reduce_sum3A_748 = vector.shape_cast %reduce_sum3A_747 : vector<1xf32> to vector<1x1x1xf32>
    %reduce_sum3A_749 = vector.extract %reduce_sum3A_748[0, 0, 0] : f32 from vector<1x1x1xf32>
    %mul3A_750 = arith.mulf %convert_element_type3A_715, %get3A_52 : vector<79x128xf32>
    %reduce_sum3A_751 = vector.shape_cast %mul3A_750 : vector<79x128xf32> to vector<1x79x128xf32>
    %reduce_sum3A_752 = arith.constant dense<0.000000e+00> : vector<1xf32>
    %reduce_sum3A_753 = vector.multi_reduction <add>, %reduce_sum3A_751, %reduce_sum3A_752 [1, 2] : vector<1x79x128xf32> to vector<1xf32>
    %reduce_sum3A_754 = vector.shape_cast %reduce_sum3A_753 : vector<1xf32> to vector<1x1x1xf32>
    %reduce_sum3A_755 = vector.extract %reduce_sum3A_754[0, 0, 0] : f32 from vector<1x1x1xf32>
    %mul3A_756 = arith.mulf %convert_element_type3A_715, %get3A_57 : vector<79x128xf32>
    %reduce_sum3A_757 = vector.shape_cast %mul3A_756 : vector<79x128xf32> to vector<1x79x128xf32>
    %reduce_sum3A_758 = arith.constant dense<0.000000e+00> : vector<1xf32>
    %reduce_sum3A_759 = vector.multi_reduction <add>, %reduce_sum3A_757, %reduce_sum3A_758 [1, 2] : vector<1x79x128xf32> to vector<1xf32>
    %reduce_sum3A_760 = vector.shape_cast %reduce_sum3A_759 : vector<1xf32> to vector<1x1x1xf32>
    %reduce_sum3A_761 = vector.extract %reduce_sum3A_760[0, 0, 0] : f32 from vector<1x1x1xf32>
    %mul3A_762 = arith.mulf %convert_element_type3A_715, %get3A_62 : vector<79x128xf32>
    %reduce_sum3A_763 = vector.shape_cast %mul3A_762 : vector<79x128xf32> to vector<1x79x128xf32>
    %reduce_sum3A_764 = arith.constant dense<0.000000e+00> : vector<1xf32>
    %reduce_sum3A_765 = vector.multi_reduction <add>, %reduce_sum3A_763, %reduce_sum3A_764 [1, 2] : vector<1x79x128xf32> to vector<1xf32>
    %reduce_sum3A_766 = vector.shape_cast %reduce_sum3A_765 : vector<1xf32> to vector<1x1x1xf32>
    %reduce_sum3A_767 = vector.extract %reduce_sum3A_766[0, 0, 0] : f32 from vector<1x1x1xf32>
    %mul3A_768 = arith.mulf %convert_element_type3A_715, %add3A_439 : vector<79x128xf32>
    %reduce_sum3A_769 = vector.shape_cast %mul3A_768 : vector<79x128xf32> to vector<1x79x128xf32>
    %reduce_sum3A_770 = arith.constant dense<0.000000e+00> : vector<1xf32>
    %reduce_sum3A_771 = vector.multi_reduction <add>, %reduce_sum3A_769, %reduce_sum3A_770 [1, 2] : vector<1x79x128xf32> to vector<1xf32>
    %reduce_sum3A_772 = vector.shape_cast %reduce_sum3A_771 : vector<1xf32> to vector<1x1x1xf32>
    %reduce_sum3A_773 = vector.extract %reduce_sum3A_772[0, 0, 0] : f32 from vector<1x1x1xf32>
    %mul3A_774 = arith.mulf %sub3A_725, %reduce_sum3A_731 : f32
    %mul3A_775 = vector.broadcast %mul3A_774 : f32 to vector<79x128xf32>
    %mul3A_776 = arith.mulf %mul3A_775, %get3A_1 : vector<79x128xf32>
    %add3A_777 = arith.addf %add3A_617, %mul3A_776 : vector<79x128xf32>
    %mul3A_778 = arith.mulf %sub3A_725, %reduce_sum3A_460 : f32
    %mul3A_779 = vector.broadcast %mul3A_778 : f32 to vector<79x128xf32>
    %mul3A_780 = arith.mulf %mul3A_779, %convert_element_type3A_715 : vector<79x128xf32>
    %add3A_781 = arith.addf %add3A_777, %mul3A_780 : vector<79x128xf32>
    %mul3A_782 = arith.mulf %sub3A_725, %reduce_sum3A_737 : f32
    %mul3A_783 = vector.broadcast %mul3A_782 : f32 to vector<79x128xf32>
    %mul3A_784 = arith.mulf %mul3A_783, %get3A_1 : vector<79x128xf32>
    %add3A_785 = arith.addf %add3A_625, %mul3A_784 : vector<79x128xf32>
    %mul3A_786 = arith.mulf %sub3A_725, %reduce_sum3A_466 : f32
    %mul3A_787 = vector.broadcast %mul3A_786 : f32 to vector<79x128xf32>
    %mul3A_788 = arith.mulf %mul3A_787, %convert_element_type3A_715 : vector<79x128xf32>
    %add3A_789 = arith.addf %add3A_785, %mul3A_788 : vector<79x128xf32>
    %mul3A_790 = arith.mulf %sub3A_725, %reduce_sum3A_743 : f32
    %mul3A_791 = vector.broadcast %mul3A_790 : f32 to vector<79x128xf32>
    %mul3A_792 = arith.mulf %mul3A_791, %get3A_1 : vector<79x128xf32>
    %add3A_793 = arith.addf %add3A_633, %mul3A_792 : vector<79x128xf32>
    %mul3A_794 = arith.mulf %sub3A_725, %reduce_sum3A_472 : f32
    %mul3A_795 = vector.broadcast %mul3A_794 : f32 to vector<79x128xf32>
    %mul3A_796 = arith.mulf %mul3A_795, %convert_element_type3A_715 : vector<79x128xf32>
    %add3A_797 = arith.addf %add3A_793, %mul3A_796 : vector<79x128xf32>
    %mul3A_798 = arith.mulf %sub3A_725, %reduce_sum3A_749 : f32
    %mul3A_799 = vector.broadcast %mul3A_798 : f32 to vector<79x128xf32>
    %mul3A_800 = arith.mulf %mul3A_799, %get3A_1 : vector<79x128xf32>
    %add3A_801 = arith.addf %add3A_641, %mul3A_800 : vector<79x128xf32>
    %mul3A_802 = arith.mulf %sub3A_725, %reduce_sum3A_478 : f32
    %mul3A_803 = vector.broadcast %mul3A_802 : f32 to vector<79x128xf32>
    %mul3A_804 = arith.mulf %mul3A_803, %convert_element_type3A_715 : vector<79x128xf32>
    %add3A_805 = arith.addf %add3A_801, %mul3A_804 : vector<79x128xf32>
    %mul3A_806 = arith.mulf %sub3A_725, %reduce_sum3A_755 : f32
    %mul3A_807 = vector.broadcast %mul3A_806 : f32 to vector<79x128xf32>
    %mul3A_808 = arith.mulf %mul3A_807, %get3A_1 : vector<79x128xf32>
    %add3A_809 = arith.addf %add3A_649, %mul3A_808 : vector<79x128xf32>
    %mul3A_810 = arith.mulf %sub3A_725, %reduce_sum3A_484 : f32
    %mul3A_811 = vector.broadcast %mul3A_810 : f32 to vector<79x128xf32>
    %mul3A_812 = arith.mulf %mul3A_811, %convert_element_type3A_715 : vector<79x128xf32>
    %add3A_813 = arith.addf %add3A_809, %mul3A_812 : vector<79x128xf32>
    %mul3A_814 = arith.mulf %sub3A_725, %reduce_sum3A_761 : f32
    %mul3A_815 = vector.broadcast %mul3A_814 : f32 to vector<79x128xf32>
    %mul3A_816 = arith.mulf %mul3A_815, %get3A_1 : vector<79x128xf32>
    %add3A_817 = arith.addf %add3A_657, %mul3A_816 : vector<79x128xf32>
    %mul3A_818 = arith.mulf %sub3A_725, %reduce_sum3A_490 : f32
    %mul3A_819 = vector.broadcast %mul3A_818 : f32 to vector<79x128xf32>
    %mul3A_820 = arith.mulf %mul3A_819, %convert_element_type3A_715 : vector<79x128xf32>
    %add3A_821 = arith.addf %add3A_817, %mul3A_820 : vector<79x128xf32>
    %mul3A_822 = arith.mulf %sub3A_725, %reduce_sum3A_767 : f32
    %mul3A_823 = vector.broadcast %mul3A_822 : f32 to vector<79x128xf32>
    %mul3A_824 = arith.mulf %mul3A_823, %get3A_1 : vector<79x128xf32>
    %add3A_825 = arith.addf %add3A_665, %mul3A_824 : vector<79x128xf32>
    %mul3A_826 = arith.mulf %sub3A_725, %reduce_sum3A_496 : f32
    %mul3A_827 = vector.broadcast %mul3A_826 : f32 to vector<79x128xf32>
    %mul3A_828 = arith.mulf %mul3A_827, %convert_element_type3A_715 : vector<79x128xf32>
    %add3A_829 = arith.addf %add3A_825, %mul3A_828 : vector<79x128xf32>
    %mul3A_830 = arith.mulf %sub3A_725, %reduce_sum3A_773 : f32
    %mul3A_831 = vector.broadcast %mul3A_830 : f32 to vector<79x128xf32>
    %mul3A_832 = arith.mulf %mul3A_831, %get3A_1 : vector<79x128xf32>
    %add3A_833 = arith.addf %add3A_673, %mul3A_832 : vector<79x128xf32>
    %mul3A_834 = arith.mulf %sub3A_725, %reduce_sum3A_448 : f32
    %mul3A_835 = vector.broadcast %mul3A_834 : f32 to vector<79x128xf32>
    %mul3A_836 = arith.mulf %mul3A_835, %convert_element_type3A_715 : vector<79x128xf32>
    %add3A_837 = arith.addf %add3A_833, %mul3A_836 : vector<79x128xf32>
    %mul3A_838 = vector.broadcast %sub3A_725 : f32 to vector<79x128xf32>
    %mul3A_839 = arith.mulf %mul3A_838, %convert_element_type3A_715 : vector<79x128xf32>
    %add3A_840 = arith.addf %add3A_676, %mul3A_839 : vector<79x128xf32>
    %ne3A_841 = vector.broadcast %reduce_min3A_711 : i32 to vector<79x128xi32>
    %ne3A_842 = arith.cmpi ne, %add3A_501, %ne3A_841 : vector<79x128xi32>
    %and3A_843 = arith.andi %and3A_679, %ne3A_842 : vector<79x128xi1>
    %mul3A_844 = arith.constant 2.000000e+00 : f32
    %mul3A_845 = vector.broadcast %mul3A_844 : f32 to vector<79x128xf32>
    %mul3A_846 = arith.mulf %mul3A_845, %add3A_840 : vector<79x128xf32>
    %sub3A_847 = arith.constant 1.000000e+00 : f32
    %sub3A_848 = vector.broadcast %sub3A_847 : f32 to vector<79x128xf32>
    %sub3A_849 = arith.subf %sub3A_848, %mul3A_846 : vector<79x128xf32>
    %mul3A_850 = vector.broadcast %reduce_sum3A_454 : f32 to vector<79x128xf32>
    %mul3A_851 = arith.mulf %mul3A_850, %add3A_439 : vector<79x128xf32>
    %add3A_852 = arith.addf %add3A_837, %mul3A_851 : vector<79x128xf32>
    %add3A_853 = arith.addf %add3A_840, %sub3A_849 : vector<79x128xf32>
    %mul3A_854 = vector.broadcast %reduce_sum3A_448 : f32 to vector<79x128xf32>
    %mul3A_855 = arith.mulf %add3A_853, %mul3A_854 : vector<79x128xf32>
    %add3A_856 = arith.addf %add3A_852, %mul3A_855 : vector<79x128xf32>
    %mul3A_857 = arith.mulf %sub3A_849, %add3A_856 : vector<79x128xf32>
    %jit3A_858 = arith.constant -1.000000e+10 : f32
    %broadcast_in_dim3A_859 = vector.broadcast %jit3A_858 : f32 to vector<79x128xf32>
    %select_n3A_860 = arith.select %and3A_843, %mul3A_857, %broadcast_in_dim3A_859 : vector<79x128xi1>, vector<79x128xf32>
    %reduce_max3A_861 = vector.shape_cast %select_n3A_860 : vector<79x128xf32> to vector<1x79x128xf32>
    %reduce_max3A_862 = arith.constant dense<0xFF800000> : vector<1xf32>
    %reduce_max3A_863 = vector.multi_reduction <maximumf>, %reduce_max3A_861, %reduce_max3A_862 [1, 2] : vector<1x79x128xf32> to vector<1xf32>
    %reduce_max3A_864 = vector.shape_cast %reduce_max3A_863 : vector<1xf32> to vector<1x1x1xf32>
    %reduce_max3A_865 = vector.extract %reduce_max3A_864[0, 0, 0] : f32 from vector<1x1x1xf32>
    %eq3A_866 = vector.broadcast %reduce_max3A_865 : f32 to vector<79x128xf32>
    %eq3A_867 = arith.cmpf oeq, %select_n3A_860, %eq3A_866 : vector<79x128xf32>
    %jit3A_868 = arith.constant 1073741824 : i32
    %broadcast_in_dim3A_869 = vector.broadcast %jit3A_868 : i32 to vector<79x128xi32>
    %select_n3A_870 = arith.select %eq3A_867, %add3A_501, %broadcast_in_dim3A_869 : vector<79x128xi1>, vector<79x128xi32>
    %reduce_min3A_871 = vector.shape_cast %select_n3A_870 : vector<79x128xi32> to vector<1x79x128xi32>
    %reduce_min3A_872 = arith.constant dense<2147483647> : vector<1xi32>
    %reduce_min3A_873 = vector.multi_reduction <minsi>, %reduce_min3A_871, %reduce_min3A_872 [1, 2] : vector<1x79x128xi32> to vector<1xi32>
    %reduce_min3A_874 = vector.shape_cast %reduce_min3A_873 : vector<1xi32> to vector<1x1x1xi32>
    %reduce_min3A_875 = vector.extract %reduce_min3A_874[0, 0, 0] : i32 from vector<1x1x1xi32>
    %eq3A_876 = vector.broadcast %reduce_min3A_875 : i32 to vector<79x128xi32>
    %eq3A_877 = arith.cmpi eq, %add3A_501, %eq3A_876 : vector<79x128xi32>
    %convert_element_type3A_878 = arith.extui %eq3A_877 : vector<79x128xi1> to vector<79x128xi32>
    %convert_element_type3A_879 = arith.sitofp %convert_element_type3A_878 : vector<79x128xi32> to vector<79x128xf32>
    %mul3A_880 = arith.mulf %convert_element_type3A_879, %add3A_840 : vector<79x128xf32>
    %reduce_sum3A_881 = vector.shape_cast %mul3A_880 : vector<79x128xf32> to vector<1x79x128xf32>
    %reduce_sum3A_882 = arith.constant dense<0.000000e+00> : vector<1xf32>
    %reduce_sum3A_883 = vector.multi_reduction <add>, %reduce_sum3A_881, %reduce_sum3A_882 [1, 2] : vector<1x79x128xf32> to vector<1xf32>
    %reduce_sum3A_884 = vector.shape_cast %reduce_sum3A_883 : vector<1xf32> to vector<1x1x1xf32>
    %reduce_sum3A_885 = vector.extract %reduce_sum3A_884[0, 0, 0] : f32 from vector<1x1x1xf32>
    %mul3A_886 = arith.constant 2.000000e+00 : f32
    %mul3A_887 = arith.mulf %mul3A_886, %reduce_sum3A_885 : f32
    %sub3A_888 = arith.constant 1.000000e+00 : f32
    %sub3A_889 = arith.subf %sub3A_888, %mul3A_887 : f32
    %mul3A_890 = arith.mulf %convert_element_type3A_879, %get3A_32 : vector<79x128xf32>
    %reduce_sum3A_891 = vector.shape_cast %mul3A_890 : vector<79x128xf32> to vector<1x79x128xf32>
    %reduce_sum3A_892 = arith.constant dense<0.000000e+00> : vector<1xf32>
    %reduce_sum3A_893 = vector.multi_reduction <add>, %reduce_sum3A_891, %reduce_sum3A_892 [1, 2] : vector<1x79x128xf32> to vector<1xf32>
    %reduce_sum3A_894 = vector.shape_cast %reduce_sum3A_893 : vector<1xf32> to vector<1x1x1xf32>
    %reduce_sum3A_895 = vector.extract %reduce_sum3A_894[0, 0, 0] : f32 from vector<1x1x1xf32>
    %mul3A_896 = arith.mulf %convert_element_type3A_879, %get3A_37 : vector<79x128xf32>
    %reduce_sum3A_897 = vector.shape_cast %mul3A_896 : vector<79x128xf32> to vector<1x79x128xf32>
    %reduce_sum3A_898 = arith.constant dense<0.000000e+00> : vector<1xf32>
    %reduce_sum3A_899 = vector.multi_reduction <add>, %reduce_sum3A_897, %reduce_sum3A_898 [1, 2] : vector<1x79x128xf32> to vector<1xf32>
    %reduce_sum3A_900 = vector.shape_cast %reduce_sum3A_899 : vector<1xf32> to vector<1x1x1xf32>
    %reduce_sum3A_901 = vector.extract %reduce_sum3A_900[0, 0, 0] : f32 from vector<1x1x1xf32>
    %mul3A_902 = arith.mulf %convert_element_type3A_879, %get3A_42 : vector<79x128xf32>
    %reduce_sum3A_903 = vector.shape_cast %mul3A_902 : vector<79x128xf32> to vector<1x79x128xf32>
    %reduce_sum3A_904 = arith.constant dense<0.000000e+00> : vector<1xf32>
    %reduce_sum3A_905 = vector.multi_reduction <add>, %reduce_sum3A_903, %reduce_sum3A_904 [1, 2] : vector<1x79x128xf32> to vector<1xf32>
    %reduce_sum3A_906 = vector.shape_cast %reduce_sum3A_905 : vector<1xf32> to vector<1x1x1xf32>
    %reduce_sum3A_907 = vector.extract %reduce_sum3A_906[0, 0, 0] : f32 from vector<1x1x1xf32>
    %mul3A_908 = arith.mulf %convert_element_type3A_879, %get3A_47 : vector<79x128xf32>
    %reduce_sum3A_909 = vector.shape_cast %mul3A_908 : vector<79x128xf32> to vector<1x79x128xf32>
    %reduce_sum3A_910 = arith.constant dense<0.000000e+00> : vector<1xf32>
    %reduce_sum3A_911 = vector.multi_reduction <add>, %reduce_sum3A_909, %reduce_sum3A_910 [1, 2] : vector<1x79x128xf32> to vector<1xf32>
    %reduce_sum3A_912 = vector.shape_cast %reduce_sum3A_911 : vector<1xf32> to vector<1x1x1xf32>
    %reduce_sum3A_913 = vector.extract %reduce_sum3A_912[0, 0, 0] : f32 from vector<1x1x1xf32>
    %mul3A_914 = arith.mulf %convert_element_type3A_879, %get3A_52 : vector<79x128xf32>
    %reduce_sum3A_915 = vector.shape_cast %mul3A_914 : vector<79x128xf32> to vector<1x79x128xf32>
    %reduce_sum3A_916 = arith.constant dense<0.000000e+00> : vector<1xf32>
    %reduce_sum3A_917 = vector.multi_reduction <add>, %reduce_sum3A_915, %reduce_sum3A_916 [1, 2] : vector<1x79x128xf32> to vector<1xf32>
    %reduce_sum3A_918 = vector.shape_cast %reduce_sum3A_917 : vector<1xf32> to vector<1x1x1xf32>
    %reduce_sum3A_919 = vector.extract %reduce_sum3A_918[0, 0, 0] : f32 from vector<1x1x1xf32>
    %mul3A_920 = arith.mulf %convert_element_type3A_879, %get3A_57 : vector<79x128xf32>
    %reduce_sum3A_921 = vector.shape_cast %mul3A_920 : vector<79x128xf32> to vector<1x79x128xf32>
    %reduce_sum3A_922 = arith.constant dense<0.000000e+00> : vector<1xf32>
    %reduce_sum3A_923 = vector.multi_reduction <add>, %reduce_sum3A_921, %reduce_sum3A_922 [1, 2] : vector<1x79x128xf32> to vector<1xf32>
    %reduce_sum3A_924 = vector.shape_cast %reduce_sum3A_923 : vector<1xf32> to vector<1x1x1xf32>
    %reduce_sum3A_925 = vector.extract %reduce_sum3A_924[0, 0, 0] : f32 from vector<1x1x1xf32>
    %mul3A_926 = arith.mulf %convert_element_type3A_879, %get3A_62 : vector<79x128xf32>
    %reduce_sum3A_927 = vector.shape_cast %mul3A_926 : vector<79x128xf32> to vector<1x79x128xf32>
    %reduce_sum3A_928 = arith.constant dense<0.000000e+00> : vector<1xf32>
    %reduce_sum3A_929 = vector.multi_reduction <add>, %reduce_sum3A_927, %reduce_sum3A_928 [1, 2] : vector<1x79x128xf32> to vector<1xf32>
    %reduce_sum3A_930 = vector.shape_cast %reduce_sum3A_929 : vector<1xf32> to vector<1x1x1xf32>
    %reduce_sum3A_931 = vector.extract %reduce_sum3A_930[0, 0, 0] : f32 from vector<1x1x1xf32>
    %mul3A_932 = arith.mulf %convert_element_type3A_879, %add3A_439 : vector<79x128xf32>
    %reduce_sum3A_933 = vector.shape_cast %mul3A_932 : vector<79x128xf32> to vector<1x79x128xf32>
    %reduce_sum3A_934 = arith.constant dense<0.000000e+00> : vector<1xf32>
    %reduce_sum3A_935 = vector.multi_reduction <add>, %reduce_sum3A_933, %reduce_sum3A_934 [1, 2] : vector<1x79x128xf32> to vector<1xf32>
    %reduce_sum3A_936 = vector.shape_cast %reduce_sum3A_935 : vector<1xf32> to vector<1x1x1xf32>
    %reduce_sum3A_937 = vector.extract %reduce_sum3A_936[0, 0, 0] : f32 from vector<1x1x1xf32>
    %mul3A_938 = arith.mulf %sub3A_889, %reduce_sum3A_895 : f32
    %mul3A_939 = vector.broadcast %mul3A_938 : f32 to vector<79x128xf32>
    %mul3A_940 = arith.mulf %mul3A_939, %get3A_1 : vector<79x128xf32>
    %add3A_941 = arith.addf %add3A_781, %mul3A_940 : vector<79x128xf32>
    %mul3A_942 = arith.mulf %sub3A_889, %reduce_sum3A_460 : f32
    %mul3A_943 = vector.broadcast %mul3A_942 : f32 to vector<79x128xf32>
    %mul3A_944 = arith.mulf %mul3A_943, %convert_element_type3A_879 : vector<79x128xf32>
    %add3A_945 = arith.addf %add3A_941, %mul3A_944 : vector<79x128xf32>
    %mul3A_946 = arith.mulf %sub3A_889, %reduce_sum3A_901 : f32
    %mul3A_947 = vector.broadcast %mul3A_946 : f32 to vector<79x128xf32>
    %mul3A_948 = arith.mulf %mul3A_947, %get3A_1 : vector<79x128xf32>
    %add3A_949 = arith.addf %add3A_789, %mul3A_948 : vector<79x128xf32>
    %mul3A_950 = arith.mulf %sub3A_889, %reduce_sum3A_466 : f32
    %mul3A_951 = vector.broadcast %mul3A_950 : f32 to vector<79x128xf32>
    %mul3A_952 = arith.mulf %mul3A_951, %convert_element_type3A_879 : vector<79x128xf32>
    %add3A_953 = arith.addf %add3A_949, %mul3A_952 : vector<79x128xf32>
    %mul3A_954 = arith.mulf %sub3A_889, %reduce_sum3A_907 : f32
    %mul3A_955 = vector.broadcast %mul3A_954 : f32 to vector<79x128xf32>
    %mul3A_956 = arith.mulf %mul3A_955, %get3A_1 : vector<79x128xf32>
    %add3A_957 = arith.addf %add3A_797, %mul3A_956 : vector<79x128xf32>
    %mul3A_958 = arith.mulf %sub3A_889, %reduce_sum3A_472 : f32
    %mul3A_959 = vector.broadcast %mul3A_958 : f32 to vector<79x128xf32>
    %mul3A_960 = arith.mulf %mul3A_959, %convert_element_type3A_879 : vector<79x128xf32>
    %add3A_961 = arith.addf %add3A_957, %mul3A_960 : vector<79x128xf32>
    %mul3A_962 = arith.mulf %sub3A_889, %reduce_sum3A_913 : f32
    %mul3A_963 = vector.broadcast %mul3A_962 : f32 to vector<79x128xf32>
    %mul3A_964 = arith.mulf %mul3A_963, %get3A_1 : vector<79x128xf32>
    %add3A_965 = arith.addf %add3A_805, %mul3A_964 : vector<79x128xf32>
    %mul3A_966 = arith.mulf %sub3A_889, %reduce_sum3A_478 : f32
    %mul3A_967 = vector.broadcast %mul3A_966 : f32 to vector<79x128xf32>
    %mul3A_968 = arith.mulf %mul3A_967, %convert_element_type3A_879 : vector<79x128xf32>
    %add3A_969 = arith.addf %add3A_965, %mul3A_968 : vector<79x128xf32>
    %mul3A_970 = arith.mulf %sub3A_889, %reduce_sum3A_919 : f32
    %mul3A_971 = vector.broadcast %mul3A_970 : f32 to vector<79x128xf32>
    %mul3A_972 = arith.mulf %mul3A_971, %get3A_1 : vector<79x128xf32>
    %add3A_973 = arith.addf %add3A_813, %mul3A_972 : vector<79x128xf32>
    %mul3A_974 = arith.mulf %sub3A_889, %reduce_sum3A_484 : f32
    %mul3A_975 = vector.broadcast %mul3A_974 : f32 to vector<79x128xf32>
    %mul3A_976 = arith.mulf %mul3A_975, %convert_element_type3A_879 : vector<79x128xf32>
    %add3A_977 = arith.addf %add3A_973, %mul3A_976 : vector<79x128xf32>
    %mul3A_978 = arith.mulf %sub3A_889, %reduce_sum3A_925 : f32
    %mul3A_979 = vector.broadcast %mul3A_978 : f32 to vector<79x128xf32>
    %mul3A_980 = arith.mulf %mul3A_979, %get3A_1 : vector<79x128xf32>
    %add3A_981 = arith.addf %add3A_821, %mul3A_980 : vector<79x128xf32>
    %mul3A_982 = arith.mulf %sub3A_889, %reduce_sum3A_490 : f32
    %mul3A_983 = vector.broadcast %mul3A_982 : f32 to vector<79x128xf32>
    %mul3A_984 = arith.mulf %mul3A_983, %convert_element_type3A_879 : vector<79x128xf32>
    %add3A_985 = arith.addf %add3A_981, %mul3A_984 : vector<79x128xf32>
    %mul3A_986 = arith.mulf %sub3A_889, %reduce_sum3A_931 : f32
    %mul3A_987 = vector.broadcast %mul3A_986 : f32 to vector<79x128xf32>
    %mul3A_988 = arith.mulf %mul3A_987, %get3A_1 : vector<79x128xf32>
    %add3A_989 = arith.addf %add3A_829, %mul3A_988 : vector<79x128xf32>
    %mul3A_990 = arith.mulf %sub3A_889, %reduce_sum3A_496 : f32
    %mul3A_991 = vector.broadcast %mul3A_990 : f32 to vector<79x128xf32>
    %mul3A_992 = arith.mulf %mul3A_991, %convert_element_type3A_879 : vector<79x128xf32>
    %add3A_993 = arith.addf %add3A_989, %mul3A_992 : vector<79x128xf32>
    %mul3A_994 = arith.mulf %sub3A_889, %reduce_sum3A_937 : f32
    %mul3A_995 = vector.broadcast %mul3A_994 : f32 to vector<79x128xf32>
    %mul3A_996 = arith.mulf %mul3A_995, %get3A_1 : vector<79x128xf32>
    %add3A_997 = arith.addf %add3A_837, %mul3A_996 : vector<79x128xf32>
    %mul3A_998 = arith.mulf %sub3A_889, %reduce_sum3A_448 : f32
    %mul3A_999 = vector.broadcast %mul3A_998 : f32 to vector<79x128xf32>
    %mul3A_1000 = arith.mulf %mul3A_999, %convert_element_type3A_879 : vector<79x128xf32>
    %add3A_1001 = arith.addf %add3A_997, %mul3A_1000 : vector<79x128xf32>
    %mul3A_1002 = vector.broadcast %sub3A_889 : f32 to vector<79x128xf32>
    %mul3A_1003 = arith.mulf %mul3A_1002, %convert_element_type3A_879 : vector<79x128xf32>
    %add3A_1004 = arith.addf %add3A_840, %mul3A_1003 : vector<79x128xf32>
    %ne3A_1005 = vector.broadcast %reduce_min3A_875 : i32 to vector<79x128xi32>
    %ne3A_1006 = arith.cmpi ne, %add3A_501, %ne3A_1005 : vector<79x128xi32>
    %and3A_1007 = arith.andi %and3A_843, %ne3A_1006 : vector<79x128xi1>
    %mul3A_1008 = arith.constant 2.000000e+00 : f32
    %mul3A_1009 = vector.broadcast %mul3A_1008 : f32 to vector<79x128xf32>
    %mul3A_1010 = arith.mulf %mul3A_1009, %add3A_1004 : vector<79x128xf32>
    %sub3A_1011 = arith.constant 1.000000e+00 : f32
    %sub3A_1012 = vector.broadcast %sub3A_1011 : f32 to vector<79x128xf32>
    %sub3A_1013 = arith.subf %sub3A_1012, %mul3A_1010 : vector<79x128xf32>
    %mul3A_1014 = vector.broadcast %reduce_sum3A_454 : f32 to vector<79x128xf32>
    %mul3A_1015 = arith.mulf %mul3A_1014, %add3A_439 : vector<79x128xf32>
    %add3A_1016 = arith.addf %add3A_1001, %mul3A_1015 : vector<79x128xf32>
    %add3A_1017 = arith.addf %add3A_1004, %sub3A_1013 : vector<79x128xf32>
    %mul3A_1018 = vector.broadcast %reduce_sum3A_448 : f32 to vector<79x128xf32>
    %mul3A_1019 = arith.mulf %add3A_1017, %mul3A_1018 : vector<79x128xf32>
    %add3A_1020 = arith.addf %add3A_1016, %mul3A_1019 : vector<79x128xf32>
    %mul3A_1021 = arith.mulf %sub3A_1013, %add3A_1020 : vector<79x128xf32>
    %jit3A_1022 = arith.constant -1.000000e+10 : f32
    %broadcast_in_dim3A_1023 = vector.broadcast %jit3A_1022 : f32 to vector<79x128xf32>
    %select_n3A_1024 = arith.select %and3A_1007, %mul3A_1021, %broadcast_in_dim3A_1023 : vector<79x128xi1>, vector<79x128xf32>
    %reduce_max3A_1025 = vector.shape_cast %select_n3A_1024 : vector<79x128xf32> to vector<1x79x128xf32>
    %reduce_max3A_1026 = arith.constant dense<0xFF800000> : vector<1xf32>
    %reduce_max3A_1027 = vector.multi_reduction <maximumf>, %reduce_max3A_1025, %reduce_max3A_1026 [1, 2] : vector<1x79x128xf32> to vector<1xf32>
    %reduce_max3A_1028 = vector.shape_cast %reduce_max3A_1027 : vector<1xf32> to vector<1x1x1xf32>
    %reduce_max3A_1029 = vector.extract %reduce_max3A_1028[0, 0, 0] : f32 from vector<1x1x1xf32>
    %eq3A_1030 = vector.broadcast %reduce_max3A_1029 : f32 to vector<79x128xf32>
    %eq3A_1031 = arith.cmpf oeq, %select_n3A_1024, %eq3A_1030 : vector<79x128xf32>
    %jit3A_1032 = arith.constant 1073741824 : i32
    %broadcast_in_dim3A_1033 = vector.broadcast %jit3A_1032 : i32 to vector<79x128xi32>
    %select_n3A_1034 = arith.select %eq3A_1031, %add3A_501, %broadcast_in_dim3A_1033 : vector<79x128xi1>, vector<79x128xi32>
    %reduce_min3A_1035 = vector.shape_cast %select_n3A_1034 : vector<79x128xi32> to vector<1x79x128xi32>
    %reduce_min3A_1036 = arith.constant dense<2147483647> : vector<1xi32>
    %reduce_min3A_1037 = vector.multi_reduction <minsi>, %reduce_min3A_1035, %reduce_min3A_1036 [1, 2] : vector<1x79x128xi32> to vector<1xi32>
    %reduce_min3A_1038 = vector.shape_cast %reduce_min3A_1037 : vector<1xi32> to vector<1x1x1xi32>
    %reduce_min3A_1039 = vector.extract %reduce_min3A_1038[0, 0, 0] : i32 from vector<1x1x1xi32>
    %eq3A_1040 = vector.broadcast %reduce_min3A_1039 : i32 to vector<79x128xi32>
    %eq3A_1041 = arith.cmpi eq, %add3A_501, %eq3A_1040 : vector<79x128xi32>
    %convert_element_type3A_1042 = arith.extui %eq3A_1041 : vector<79x128xi1> to vector<79x128xi32>
    %convert_element_type3A_1043 = arith.sitofp %convert_element_type3A_1042 : vector<79x128xi32> to vector<79x128xf32>
    %mul3A_1044 = arith.mulf %convert_element_type3A_1043, %add3A_1004 : vector<79x128xf32>
    %reduce_sum3A_1045 = vector.shape_cast %mul3A_1044 : vector<79x128xf32> to vector<1x79x128xf32>
    %reduce_sum3A_1046 = arith.constant dense<0.000000e+00> : vector<1xf32>
    %reduce_sum3A_1047 = vector.multi_reduction <add>, %reduce_sum3A_1045, %reduce_sum3A_1046 [1, 2] : vector<1x79x128xf32> to vector<1xf32>
    %reduce_sum3A_1048 = vector.shape_cast %reduce_sum3A_1047 : vector<1xf32> to vector<1x1x1xf32>
    %reduce_sum3A_1049 = vector.extract %reduce_sum3A_1048[0, 0, 0] : f32 from vector<1x1x1xf32>
    %mul3A_1050 = arith.constant 2.000000e+00 : f32
    %mul3A_1051 = arith.mulf %mul3A_1050, %reduce_sum3A_1049 : f32
    %sub3A_1052 = arith.constant 1.000000e+00 : f32
    %sub3A_1053 = arith.subf %sub3A_1052, %mul3A_1051 : f32
    %mul3A_1054 = arith.mulf %convert_element_type3A_1043, %get3A_32 : vector<79x128xf32>
    %reduce_sum3A_1055 = vector.shape_cast %mul3A_1054 : vector<79x128xf32> to vector<1x79x128xf32>
    %reduce_sum3A_1056 = arith.constant dense<0.000000e+00> : vector<1xf32>
    %reduce_sum3A_1057 = vector.multi_reduction <add>, %reduce_sum3A_1055, %reduce_sum3A_1056 [1, 2] : vector<1x79x128xf32> to vector<1xf32>
    %reduce_sum3A_1058 = vector.shape_cast %reduce_sum3A_1057 : vector<1xf32> to vector<1x1x1xf32>
    %reduce_sum3A_1059 = vector.extract %reduce_sum3A_1058[0, 0, 0] : f32 from vector<1x1x1xf32>
    %mul3A_1060 = arith.mulf %convert_element_type3A_1043, %get3A_37 : vector<79x128xf32>
    %reduce_sum3A_1061 = vector.shape_cast %mul3A_1060 : vector<79x128xf32> to vector<1x79x128xf32>
    %reduce_sum3A_1062 = arith.constant dense<0.000000e+00> : vector<1xf32>
    %reduce_sum3A_1063 = vector.multi_reduction <add>, %reduce_sum3A_1061, %reduce_sum3A_1062 [1, 2] : vector<1x79x128xf32> to vector<1xf32>
    %reduce_sum3A_1064 = vector.shape_cast %reduce_sum3A_1063 : vector<1xf32> to vector<1x1x1xf32>
    %reduce_sum3A_1065 = vector.extract %reduce_sum3A_1064[0, 0, 0] : f32 from vector<1x1x1xf32>
    %mul3A_1066 = arith.mulf %convert_element_type3A_1043, %get3A_42 : vector<79x128xf32>
    %reduce_sum3A_1067 = vector.shape_cast %mul3A_1066 : vector<79x128xf32> to vector<1x79x128xf32>
    %reduce_sum3A_1068 = arith.constant dense<0.000000e+00> : vector<1xf32>
    %reduce_sum3A_1069 = vector.multi_reduction <add>, %reduce_sum3A_1067, %reduce_sum3A_1068 [1, 2] : vector<1x79x128xf32> to vector<1xf32>
    %reduce_sum3A_1070 = vector.shape_cast %reduce_sum3A_1069 : vector<1xf32> to vector<1x1x1xf32>
    %reduce_sum3A_1071 = vector.extract %reduce_sum3A_1070[0, 0, 0] : f32 from vector<1x1x1xf32>
    %mul3A_1072 = arith.mulf %convert_element_type3A_1043, %get3A_47 : vector<79x128xf32>
    %reduce_sum3A_1073 = vector.shape_cast %mul3A_1072 : vector<79x128xf32> to vector<1x79x128xf32>
    %reduce_sum3A_1074 = arith.constant dense<0.000000e+00> : vector<1xf32>
    %reduce_sum3A_1075 = vector.multi_reduction <add>, %reduce_sum3A_1073, %reduce_sum3A_1074 [1, 2] : vector<1x79x128xf32> to vector<1xf32>
    %reduce_sum3A_1076 = vector.shape_cast %reduce_sum3A_1075 : vector<1xf32> to vector<1x1x1xf32>
    %reduce_sum3A_1077 = vector.extract %reduce_sum3A_1076[0, 0, 0] : f32 from vector<1x1x1xf32>
    %mul3A_1078 = arith.mulf %convert_element_type3A_1043, %get3A_52 : vector<79x128xf32>
    %reduce_sum3A_1079 = vector.shape_cast %mul3A_1078 : vector<79x128xf32> to vector<1x79x128xf32>
    %reduce_sum3A_1080 = arith.constant dense<0.000000e+00> : vector<1xf32>
    %reduce_sum3A_1081 = vector.multi_reduction <add>, %reduce_sum3A_1079, %reduce_sum3A_1080 [1, 2] : vector<1x79x128xf32> to vector<1xf32>
    %reduce_sum3A_1082 = vector.shape_cast %reduce_sum3A_1081 : vector<1xf32> to vector<1x1x1xf32>
    %reduce_sum3A_1083 = vector.extract %reduce_sum3A_1082[0, 0, 0] : f32 from vector<1x1x1xf32>
    %mul3A_1084 = arith.mulf %convert_element_type3A_1043, %get3A_57 : vector<79x128xf32>
    %reduce_sum3A_1085 = vector.shape_cast %mul3A_1084 : vector<79x128xf32> to vector<1x79x128xf32>
    %reduce_sum3A_1086 = arith.constant dense<0.000000e+00> : vector<1xf32>
    %reduce_sum3A_1087 = vector.multi_reduction <add>, %reduce_sum3A_1085, %reduce_sum3A_1086 [1, 2] : vector<1x79x128xf32> to vector<1xf32>
    %reduce_sum3A_1088 = vector.shape_cast %reduce_sum3A_1087 : vector<1xf32> to vector<1x1x1xf32>
    %reduce_sum3A_1089 = vector.extract %reduce_sum3A_1088[0, 0, 0] : f32 from vector<1x1x1xf32>
    %mul3A_1090 = arith.mulf %convert_element_type3A_1043, %get3A_62 : vector<79x128xf32>
    %reduce_sum3A_1091 = vector.shape_cast %mul3A_1090 : vector<79x128xf32> to vector<1x79x128xf32>
    %reduce_sum3A_1092 = arith.constant dense<0.000000e+00> : vector<1xf32>
    %reduce_sum3A_1093 = vector.multi_reduction <add>, %reduce_sum3A_1091, %reduce_sum3A_1092 [1, 2] : vector<1x79x128xf32> to vector<1xf32>
    %reduce_sum3A_1094 = vector.shape_cast %reduce_sum3A_1093 : vector<1xf32> to vector<1x1x1xf32>
    %reduce_sum3A_1095 = vector.extract %reduce_sum3A_1094[0, 0, 0] : f32 from vector<1x1x1xf32>
    %mul3A_1096 = arith.mulf %convert_element_type3A_1043, %add3A_439 : vector<79x128xf32>
    %reduce_sum3A_1097 = vector.shape_cast %mul3A_1096 : vector<79x128xf32> to vector<1x79x128xf32>
    %reduce_sum3A_1098 = arith.constant dense<0.000000e+00> : vector<1xf32>
    %reduce_sum3A_1099 = vector.multi_reduction <add>, %reduce_sum3A_1097, %reduce_sum3A_1098 [1, 2] : vector<1x79x128xf32> to vector<1xf32>
    %reduce_sum3A_1100 = vector.shape_cast %reduce_sum3A_1099 : vector<1xf32> to vector<1x1x1xf32>
    %reduce_sum3A_1101 = vector.extract %reduce_sum3A_1100[0, 0, 0] : f32 from vector<1x1x1xf32>
    %mul3A_1102 = arith.mulf %sub3A_1053, %reduce_sum3A_1059 : f32
    %mul3A_1103 = vector.broadcast %mul3A_1102 : f32 to vector<79x128xf32>
    %mul3A_1104 = arith.mulf %mul3A_1103, %get3A_1 : vector<79x128xf32>
    %add3A_1105 = arith.addf %add3A_945, %mul3A_1104 : vector<79x128xf32>
    %mul3A_1106 = arith.mulf %sub3A_1053, %reduce_sum3A_460 : f32
    %mul3A_1107 = vector.broadcast %mul3A_1106 : f32 to vector<79x128xf32>
    %mul3A_1108 = arith.mulf %mul3A_1107, %convert_element_type3A_1043 : vector<79x128xf32>
    %add3A_1109 = arith.addf %add3A_1105, %mul3A_1108 : vector<79x128xf32>
    %mul3A_1110 = arith.mulf %sub3A_1053, %reduce_sum3A_1065 : f32
    %mul3A_1111 = vector.broadcast %mul3A_1110 : f32 to vector<79x128xf32>
    %mul3A_1112 = arith.mulf %mul3A_1111, %get3A_1 : vector<79x128xf32>
    %add3A_1113 = arith.addf %add3A_953, %mul3A_1112 : vector<79x128xf32>
    %mul3A_1114 = arith.mulf %sub3A_1053, %reduce_sum3A_466 : f32
    %mul3A_1115 = vector.broadcast %mul3A_1114 : f32 to vector<79x128xf32>
    %mul3A_1116 = arith.mulf %mul3A_1115, %convert_element_type3A_1043 : vector<79x128xf32>
    %add3A_1117 = arith.addf %add3A_1113, %mul3A_1116 : vector<79x128xf32>
    %mul3A_1118 = arith.mulf %sub3A_1053, %reduce_sum3A_1071 : f32
    %mul3A_1119 = vector.broadcast %mul3A_1118 : f32 to vector<79x128xf32>
    %mul3A_1120 = arith.mulf %mul3A_1119, %get3A_1 : vector<79x128xf32>
    %add3A_1121 = arith.addf %add3A_961, %mul3A_1120 : vector<79x128xf32>
    %mul3A_1122 = arith.mulf %sub3A_1053, %reduce_sum3A_472 : f32
    %mul3A_1123 = vector.broadcast %mul3A_1122 : f32 to vector<79x128xf32>
    %mul3A_1124 = arith.mulf %mul3A_1123, %convert_element_type3A_1043 : vector<79x128xf32>
    %add3A_1125 = arith.addf %add3A_1121, %mul3A_1124 : vector<79x128xf32>
    %mul3A_1126 = arith.mulf %sub3A_1053, %reduce_sum3A_1077 : f32
    %mul3A_1127 = vector.broadcast %mul3A_1126 : f32 to vector<79x128xf32>
    %mul3A_1128 = arith.mulf %mul3A_1127, %get3A_1 : vector<79x128xf32>
    %add3A_1129 = arith.addf %add3A_969, %mul3A_1128 : vector<79x128xf32>
    %mul3A_1130 = arith.mulf %sub3A_1053, %reduce_sum3A_478 : f32
    %mul3A_1131 = vector.broadcast %mul3A_1130 : f32 to vector<79x128xf32>
    %mul3A_1132 = arith.mulf %mul3A_1131, %convert_element_type3A_1043 : vector<79x128xf32>
    %add3A_1133 = arith.addf %add3A_1129, %mul3A_1132 : vector<79x128xf32>
    %mul3A_1134 = arith.mulf %sub3A_1053, %reduce_sum3A_1083 : f32
    %mul3A_1135 = vector.broadcast %mul3A_1134 : f32 to vector<79x128xf32>
    %mul3A_1136 = arith.mulf %mul3A_1135, %get3A_1 : vector<79x128xf32>
    %add3A_1137 = arith.addf %add3A_977, %mul3A_1136 : vector<79x128xf32>
    %mul3A_1138 = arith.mulf %sub3A_1053, %reduce_sum3A_484 : f32
    %mul3A_1139 = vector.broadcast %mul3A_1138 : f32 to vector<79x128xf32>
    %mul3A_1140 = arith.mulf %mul3A_1139, %convert_element_type3A_1043 : vector<79x128xf32>
    %add3A_1141 = arith.addf %add3A_1137, %mul3A_1140 : vector<79x128xf32>
    %mul3A_1142 = arith.mulf %sub3A_1053, %reduce_sum3A_1089 : f32
    %mul3A_1143 = vector.broadcast %mul3A_1142 : f32 to vector<79x128xf32>
    %mul3A_1144 = arith.mulf %mul3A_1143, %get3A_1 : vector<79x128xf32>
    %add3A_1145 = arith.addf %add3A_985, %mul3A_1144 : vector<79x128xf32>
    %mul3A_1146 = arith.mulf %sub3A_1053, %reduce_sum3A_490 : f32
    %mul3A_1147 = vector.broadcast %mul3A_1146 : f32 to vector<79x128xf32>
    %mul3A_1148 = arith.mulf %mul3A_1147, %convert_element_type3A_1043 : vector<79x128xf32>
    %add3A_1149 = arith.addf %add3A_1145, %mul3A_1148 : vector<79x128xf32>
    %mul3A_1150 = arith.mulf %sub3A_1053, %reduce_sum3A_1095 : f32
    %mul3A_1151 = vector.broadcast %mul3A_1150 : f32 to vector<79x128xf32>
    %mul3A_1152 = arith.mulf %mul3A_1151, %get3A_1 : vector<79x128xf32>
    %add3A_1153 = arith.addf %add3A_993, %mul3A_1152 : vector<79x128xf32>
    %mul3A_1154 = arith.mulf %sub3A_1053, %reduce_sum3A_496 : f32
    %mul3A_1155 = vector.broadcast %mul3A_1154 : f32 to vector<79x128xf32>
    %mul3A_1156 = arith.mulf %mul3A_1155, %convert_element_type3A_1043 : vector<79x128xf32>
    %add3A_1157 = arith.addf %add3A_1153, %mul3A_1156 : vector<79x128xf32>
    %mul3A_1158 = arith.mulf %sub3A_1053, %reduce_sum3A_1101 : f32
    %mul3A_1159 = vector.broadcast %mul3A_1158 : f32 to vector<79x128xf32>
    %mul3A_1160 = arith.mulf %mul3A_1159, %get3A_1 : vector<79x128xf32>
    %add3A_1161 = arith.addf %add3A_1001, %mul3A_1160 : vector<79x128xf32>
    %mul3A_1162 = arith.mulf %sub3A_1053, %reduce_sum3A_448 : f32
    %mul3A_1163 = vector.broadcast %mul3A_1162 : f32 to vector<79x128xf32>
    %mul3A_1164 = arith.mulf %mul3A_1163, %convert_element_type3A_1043 : vector<79x128xf32>
    %add3A_1165 = arith.addf %add3A_1161, %mul3A_1164 : vector<79x128xf32>
    %mul3A_1166 = vector.broadcast %sub3A_1053 : f32 to vector<79x128xf32>
    %mul3A_1167 = arith.mulf %mul3A_1166, %convert_element_type3A_1043 : vector<79x128xf32>
    %add3A_1168 = arith.addf %add3A_1004, %mul3A_1167 : vector<79x128xf32>
    %ne3A_1169 = vector.broadcast %reduce_min3A_1039 : i32 to vector<79x128xi32>
    %ne3A_1170 = arith.cmpi ne, %add3A_501, %ne3A_1169 : vector<79x128xi32>
    %and3A_1171 = arith.andi %and3A_1007, %ne3A_1170 : vector<79x128xi1>
    %mul3A_1172 = arith.constant 2.000000e+00 : f32
    %mul3A_1173 = vector.broadcast %mul3A_1172 : f32 to vector<79x128xf32>
    %mul3A_1174 = arith.mulf %mul3A_1173, %add3A_1168 : vector<79x128xf32>
    %sub3A_1175 = arith.constant 1.000000e+00 : f32
    %sub3A_1176 = vector.broadcast %sub3A_1175 : f32 to vector<79x128xf32>
    %sub3A_1177 = arith.subf %sub3A_1176, %mul3A_1174 : vector<79x128xf32>
    %mul3A_1178 = vector.broadcast %reduce_sum3A_454 : f32 to vector<79x128xf32>
    %mul3A_1179 = arith.mulf %mul3A_1178, %add3A_439 : vector<79x128xf32>
    %add3A_1180 = arith.addf %add3A_1165, %mul3A_1179 : vector<79x128xf32>
    %add3A_1181 = arith.addf %add3A_1168, %sub3A_1177 : vector<79x128xf32>
    %mul3A_1182 = vector.broadcast %reduce_sum3A_448 : f32 to vector<79x128xf32>
    %mul3A_1183 = arith.mulf %add3A_1181, %mul3A_1182 : vector<79x128xf32>
    %add3A_1184 = arith.addf %add3A_1180, %mul3A_1183 : vector<79x128xf32>
    %mul3A_1185 = arith.mulf %sub3A_1177, %add3A_1184 : vector<79x128xf32>
    %jit3A_1186 = arith.constant -1.000000e+10 : f32
    %broadcast_in_dim3A_1187 = vector.broadcast %jit3A_1186 : f32 to vector<79x128xf32>
    %select_n3A_1188 = arith.select %and3A_1171, %mul3A_1185, %broadcast_in_dim3A_1187 : vector<79x128xi1>, vector<79x128xf32>
    %reduce_max3A_1189 = vector.shape_cast %select_n3A_1188 : vector<79x128xf32> to vector<1x79x128xf32>
    %reduce_max3A_1190 = arith.constant dense<0xFF800000> : vector<1xf32>
    %reduce_max3A_1191 = vector.multi_reduction <maximumf>, %reduce_max3A_1189, %reduce_max3A_1190 [1, 2] : vector<1x79x128xf32> to vector<1xf32>
    %reduce_max3A_1192 = vector.shape_cast %reduce_max3A_1191 : vector<1xf32> to vector<1x1x1xf32>
    %reduce_max3A_1193 = vector.extract %reduce_max3A_1192[0, 0, 0] : f32 from vector<1x1x1xf32>
    %eq3A_1194 = vector.broadcast %reduce_max3A_1193 : f32 to vector<79x128xf32>
    %eq3A_1195 = arith.cmpf oeq, %select_n3A_1188, %eq3A_1194 : vector<79x128xf32>
    %jit3A_1196 = arith.constant 1073741824 : i32
    %broadcast_in_dim3A_1197 = vector.broadcast %jit3A_1196 : i32 to vector<79x128xi32>
    %select_n3A_1198 = arith.select %eq3A_1195, %add3A_501, %broadcast_in_dim3A_1197 : vector<79x128xi1>, vector<79x128xi32>
    %reduce_min3A_1199 = vector.shape_cast %select_n3A_1198 : vector<79x128xi32> to vector<1x79x128xi32>
    %reduce_min3A_1200 = arith.constant dense<2147483647> : vector<1xi32>
    %reduce_min3A_1201 = vector.multi_reduction <minsi>, %reduce_min3A_1199, %reduce_min3A_1200 [1, 2] : vector<1x79x128xi32> to vector<1xi32>
    %reduce_min3A_1202 = vector.shape_cast %reduce_min3A_1201 : vector<1xi32> to vector<1x1x1xi32>
    %reduce_min3A_1203 = vector.extract %reduce_min3A_1202[0, 0, 0] : i32 from vector<1x1x1xi32>
    %eq3A_1204 = vector.broadcast %reduce_min3A_1203 : i32 to vector<79x128xi32>
    %eq3A_1205 = arith.cmpi eq, %add3A_501, %eq3A_1204 : vector<79x128xi32>
    %convert_element_type3A_1206 = arith.extui %eq3A_1205 : vector<79x128xi1> to vector<79x128xi32>
    %convert_element_type3A_1207 = arith.sitofp %convert_element_type3A_1206 : vector<79x128xi32> to vector<79x128xf32>
    %mul3A_1208 = arith.mulf %convert_element_type3A_1207, %add3A_1168 : vector<79x128xf32>
    %reduce_sum3A_1209 = vector.shape_cast %mul3A_1208 : vector<79x128xf32> to vector<1x79x128xf32>
    %reduce_sum3A_1210 = arith.constant dense<0.000000e+00> : vector<1xf32>
    %reduce_sum3A_1211 = vector.multi_reduction <add>, %reduce_sum3A_1209, %reduce_sum3A_1210 [1, 2] : vector<1x79x128xf32> to vector<1xf32>
    %reduce_sum3A_1212 = vector.shape_cast %reduce_sum3A_1211 : vector<1xf32> to vector<1x1x1xf32>
    %reduce_sum3A_1213 = vector.extract %reduce_sum3A_1212[0, 0, 0] : f32 from vector<1x1x1xf32>
    %mul3A_1214 = arith.constant 2.000000e+00 : f32
    %mul3A_1215 = arith.mulf %mul3A_1214, %reduce_sum3A_1213 : f32
    %sub3A_1216 = arith.constant 1.000000e+00 : f32
    %sub3A_1217 = arith.subf %sub3A_1216, %mul3A_1215 : f32
    %mul3A_1218 = arith.mulf %convert_element_type3A_1207, %get3A_32 : vector<79x128xf32>
    %reduce_sum3A_1219 = vector.shape_cast %mul3A_1218 : vector<79x128xf32> to vector<1x79x128xf32>
    %reduce_sum3A_1220 = arith.constant dense<0.000000e+00> : vector<1xf32>
    %reduce_sum3A_1221 = vector.multi_reduction <add>, %reduce_sum3A_1219, %reduce_sum3A_1220 [1, 2] : vector<1x79x128xf32> to vector<1xf32>
    %reduce_sum3A_1222 = vector.shape_cast %reduce_sum3A_1221 : vector<1xf32> to vector<1x1x1xf32>
    %reduce_sum3A_1223 = vector.extract %reduce_sum3A_1222[0, 0, 0] : f32 from vector<1x1x1xf32>
    %mul3A_1224 = arith.mulf %convert_element_type3A_1207, %get3A_37 : vector<79x128xf32>
    %reduce_sum3A_1225 = vector.shape_cast %mul3A_1224 : vector<79x128xf32> to vector<1x79x128xf32>
    %reduce_sum3A_1226 = arith.constant dense<0.000000e+00> : vector<1xf32>
    %reduce_sum3A_1227 = vector.multi_reduction <add>, %reduce_sum3A_1225, %reduce_sum3A_1226 [1, 2] : vector<1x79x128xf32> to vector<1xf32>
    %reduce_sum3A_1228 = vector.shape_cast %reduce_sum3A_1227 : vector<1xf32> to vector<1x1x1xf32>
    %reduce_sum3A_1229 = vector.extract %reduce_sum3A_1228[0, 0, 0] : f32 from vector<1x1x1xf32>
    %mul3A_1230 = arith.mulf %convert_element_type3A_1207, %get3A_42 : vector<79x128xf32>
    %reduce_sum3A_1231 = vector.shape_cast %mul3A_1230 : vector<79x128xf32> to vector<1x79x128xf32>
    %reduce_sum3A_1232 = arith.constant dense<0.000000e+00> : vector<1xf32>
    %reduce_sum3A_1233 = vector.multi_reduction <add>, %reduce_sum3A_1231, %reduce_sum3A_1232 [1, 2] : vector<1x79x128xf32> to vector<1xf32>
    %reduce_sum3A_1234 = vector.shape_cast %reduce_sum3A_1233 : vector<1xf32> to vector<1x1x1xf32>
    %reduce_sum3A_1235 = vector.extract %reduce_sum3A_1234[0, 0, 0] : f32 from vector<1x1x1xf32>
    %mul3A_1236 = arith.mulf %convert_element_type3A_1207, %get3A_47 : vector<79x128xf32>
    %reduce_sum3A_1237 = vector.shape_cast %mul3A_1236 : vector<79x128xf32> to vector<1x79x128xf32>
    %reduce_sum3A_1238 = arith.constant dense<0.000000e+00> : vector<1xf32>
    %reduce_sum3A_1239 = vector.multi_reduction <add>, %reduce_sum3A_1237, %reduce_sum3A_1238 [1, 2] : vector<1x79x128xf32> to vector<1xf32>
    %reduce_sum3A_1240 = vector.shape_cast %reduce_sum3A_1239 : vector<1xf32> to vector<1x1x1xf32>
    %reduce_sum3A_1241 = vector.extract %reduce_sum3A_1240[0, 0, 0] : f32 from vector<1x1x1xf32>
    %mul3A_1242 = arith.mulf %convert_element_type3A_1207, %get3A_52 : vector<79x128xf32>
    %reduce_sum3A_1243 = vector.shape_cast %mul3A_1242 : vector<79x128xf32> to vector<1x79x128xf32>
    %reduce_sum3A_1244 = arith.constant dense<0.000000e+00> : vector<1xf32>
    %reduce_sum3A_1245 = vector.multi_reduction <add>, %reduce_sum3A_1243, %reduce_sum3A_1244 [1, 2] : vector<1x79x128xf32> to vector<1xf32>
    %reduce_sum3A_1246 = vector.shape_cast %reduce_sum3A_1245 : vector<1xf32> to vector<1x1x1xf32>
    %reduce_sum3A_1247 = vector.extract %reduce_sum3A_1246[0, 0, 0] : f32 from vector<1x1x1xf32>
    %mul3A_1248 = arith.mulf %convert_element_type3A_1207, %get3A_57 : vector<79x128xf32>
    %reduce_sum3A_1249 = vector.shape_cast %mul3A_1248 : vector<79x128xf32> to vector<1x79x128xf32>
    %reduce_sum3A_1250 = arith.constant dense<0.000000e+00> : vector<1xf32>
    %reduce_sum3A_1251 = vector.multi_reduction <add>, %reduce_sum3A_1249, %reduce_sum3A_1250 [1, 2] : vector<1x79x128xf32> to vector<1xf32>
    %reduce_sum3A_1252 = vector.shape_cast %reduce_sum3A_1251 : vector<1xf32> to vector<1x1x1xf32>
    %reduce_sum3A_1253 = vector.extract %reduce_sum3A_1252[0, 0, 0] : f32 from vector<1x1x1xf32>
    %mul3A_1254 = arith.mulf %convert_element_type3A_1207, %get3A_62 : vector<79x128xf32>
    %reduce_sum3A_1255 = vector.shape_cast %mul3A_1254 : vector<79x128xf32> to vector<1x79x128xf32>
    %reduce_sum3A_1256 = arith.constant dense<0.000000e+00> : vector<1xf32>
    %reduce_sum3A_1257 = vector.multi_reduction <add>, %reduce_sum3A_1255, %reduce_sum3A_1256 [1, 2] : vector<1x79x128xf32> to vector<1xf32>
    %reduce_sum3A_1258 = vector.shape_cast %reduce_sum3A_1257 : vector<1xf32> to vector<1x1x1xf32>
    %reduce_sum3A_1259 = vector.extract %reduce_sum3A_1258[0, 0, 0] : f32 from vector<1x1x1xf32>
    %mul3A_1260 = arith.mulf %sub3A_1217, %reduce_sum3A_1223 : f32
    %mul3A_1261 = vector.broadcast %mul3A_1260 : f32 to vector<79x128xf32>
    %mul3A_1262 = arith.mulf %mul3A_1261, %get3A_1 : vector<79x128xf32>
    %add3A_1263 = arith.addf %add3A_1109, %mul3A_1262 : vector<79x128xf32>
    %mul3A_1264 = arith.mulf %sub3A_1217, %reduce_sum3A_460 : f32
    %mul3A_1265 = vector.broadcast %mul3A_1264 : f32 to vector<79x128xf32>
    %mul3A_1266 = arith.mulf %mul3A_1265, %convert_element_type3A_1207 : vector<79x128xf32>
    %add3A_1267 = arith.addf %add3A_1263, %mul3A_1266 : vector<79x128xf32>
    %mul3A_1268 = arith.mulf %sub3A_1217, %reduce_sum3A_1229 : f32
    %mul3A_1269 = vector.broadcast %mul3A_1268 : f32 to vector<79x128xf32>
    %mul3A_1270 = arith.mulf %mul3A_1269, %get3A_1 : vector<79x128xf32>
    %add3A_1271 = arith.addf %add3A_1117, %mul3A_1270 : vector<79x128xf32>
    %mul3A_1272 = arith.mulf %sub3A_1217, %reduce_sum3A_466 : f32
    %mul3A_1273 = vector.broadcast %mul3A_1272 : f32 to vector<79x128xf32>
    %mul3A_1274 = arith.mulf %mul3A_1273, %convert_element_type3A_1207 : vector<79x128xf32>
    %add3A_1275 = arith.addf %add3A_1271, %mul3A_1274 : vector<79x128xf32>
    %mul3A_1276 = arith.mulf %sub3A_1217, %reduce_sum3A_1235 : f32
    %mul3A_1277 = vector.broadcast %mul3A_1276 : f32 to vector<79x128xf32>
    %mul3A_1278 = arith.mulf %mul3A_1277, %get3A_1 : vector<79x128xf32>
    %add3A_1279 = arith.addf %add3A_1125, %mul3A_1278 : vector<79x128xf32>
    %mul3A_1280 = arith.mulf %sub3A_1217, %reduce_sum3A_472 : f32
    %mul3A_1281 = vector.broadcast %mul3A_1280 : f32 to vector<79x128xf32>
    %mul3A_1282 = arith.mulf %mul3A_1281, %convert_element_type3A_1207 : vector<79x128xf32>
    %add3A_1283 = arith.addf %add3A_1279, %mul3A_1282 : vector<79x128xf32>
    %mul3A_1284 = arith.mulf %sub3A_1217, %reduce_sum3A_1241 : f32
    %mul3A_1285 = vector.broadcast %mul3A_1284 : f32 to vector<79x128xf32>
    %mul3A_1286 = arith.mulf %mul3A_1285, %get3A_1 : vector<79x128xf32>
    %add3A_1287 = arith.addf %add3A_1133, %mul3A_1286 : vector<79x128xf32>
    %mul3A_1288 = arith.mulf %sub3A_1217, %reduce_sum3A_478 : f32
    %mul3A_1289 = vector.broadcast %mul3A_1288 : f32 to vector<79x128xf32>
    %mul3A_1290 = arith.mulf %mul3A_1289, %convert_element_type3A_1207 : vector<79x128xf32>
    %add3A_1291 = arith.addf %add3A_1287, %mul3A_1290 : vector<79x128xf32>
    %mul3A_1292 = arith.mulf %sub3A_1217, %reduce_sum3A_1247 : f32
    %mul3A_1293 = vector.broadcast %mul3A_1292 : f32 to vector<79x128xf32>
    %mul3A_1294 = arith.mulf %mul3A_1293, %get3A_1 : vector<79x128xf32>
    %add3A_1295 = arith.addf %add3A_1141, %mul3A_1294 : vector<79x128xf32>
    %mul3A_1296 = arith.mulf %sub3A_1217, %reduce_sum3A_484 : f32
    %mul3A_1297 = vector.broadcast %mul3A_1296 : f32 to vector<79x128xf32>
    %mul3A_1298 = arith.mulf %mul3A_1297, %convert_element_type3A_1207 : vector<79x128xf32>
    %add3A_1299 = arith.addf %add3A_1295, %mul3A_1298 : vector<79x128xf32>
    %mul3A_1300 = arith.mulf %sub3A_1217, %reduce_sum3A_1253 : f32
    %mul3A_1301 = vector.broadcast %mul3A_1300 : f32 to vector<79x128xf32>
    %mul3A_1302 = arith.mulf %mul3A_1301, %get3A_1 : vector<79x128xf32>
    %add3A_1303 = arith.addf %add3A_1149, %mul3A_1302 : vector<79x128xf32>
    %mul3A_1304 = arith.mulf %sub3A_1217, %reduce_sum3A_490 : f32
    %mul3A_1305 = vector.broadcast %mul3A_1304 : f32 to vector<79x128xf32>
    %mul3A_1306 = arith.mulf %mul3A_1305, %convert_element_type3A_1207 : vector<79x128xf32>
    %add3A_1307 = arith.addf %add3A_1303, %mul3A_1306 : vector<79x128xf32>
    %mul3A_1308 = arith.mulf %sub3A_1217, %reduce_sum3A_1259 : f32
    %mul3A_1309 = vector.broadcast %mul3A_1308 : f32 to vector<79x128xf32>
    %mul3A_1310 = arith.mulf %mul3A_1309, %get3A_1 : vector<79x128xf32>
    %add3A_1311 = arith.addf %add3A_1157, %mul3A_1310 : vector<79x128xf32>
    %mul3A_1312 = arith.mulf %sub3A_1217, %reduce_sum3A_496 : f32
    %mul3A_1313 = vector.broadcast %mul3A_1312 : f32 to vector<79x128xf32>
    %mul3A_1314 = arith.mulf %mul3A_1313, %convert_element_type3A_1207 : vector<79x128xf32>
    %add3A_1315 = arith.addf %add3A_1311, %mul3A_1314 : vector<79x128xf32>
    %mul3A_1316 = vector.broadcast %sub3A_1217 : f32 to vector<79x128xf32>
    %mul3A_1317 = arith.mulf %mul3A_1316, %convert_element_type3A_1207 : vector<79x128xf32>
    %add3A_1318 = arith.addf %add3A_1168, %mul3A_1317 : vector<79x128xf32>
    %swap3A = arith.constant 0 : index
    %swap3A_1319 = arith.constant 0 : index
    %swap3A_1320 = vector.load %arg6[%swap3A, %swap3A_1319] : memref<79x128xf32, #tpu.memory_space<vmem>>, vector<79x128xf32>
    tpu.vector_store %arg6[%swap3A, %swap3A_1319], %add3A_1318 {strides = array<i32>} : memref<79x128xf32, #tpu.memory_space<vmem>>, vector<79x128xf32>,
    %iota3A_1321 = tpu.iota {dimensions = array<i32: 1>} : vector<8x128xi32>
    %broadcast_in_dim3A_1322 = arith.constant 0.000000e+00 : f32
    %broadcast_in_dim3A_1323 = vector.broadcast %broadcast_in_dim3A_1322 : f32 to vector<8x128xf32>
    %mul3A_1324 = arith.mulf %add3A_1318, %add3A_1267 : vector<79x128xf32>
    %reduce_sum3A_1325 = vector.shape_cast %mul3A_1324 : vector<79x128xf32> to vector<1x79x128xf32>
    %reduce_sum3A_1326 = arith.constant dense<0.000000e+00> : vector<1xf32>
    %reduce_sum3A_1327 = vector.multi_reduction <add>, %reduce_sum3A_1325, %reduce_sum3A_1326 [1, 2] : vector<1x79x128xf32> to vector<1xf32>
    %reduce_sum3A_1328 = vector.shape_cast %reduce_sum3A_1327 : vector<1xf32> to vector<1x1x1xf32>
    %reduce_sum3A_1329 = vector.extract %reduce_sum3A_1328[0, 0, 0] : f32 from vector<1x1x1xf32>
    %eq3A_1330 = arith.constant 0 : i32
    %eq3A_1331 = vector.broadcast %eq3A_1330 : i32 to vector<8x128xi32>
    %eq3A_1332 = arith.cmpi eq, %iota3A_1321, %eq3A_1331 : vector<8x128xi32>
    %jit3A_1333 = arith.constant 0.000000e+00 : f32
    %broadcast_in_dim3A_1334 = vector.broadcast %reduce_sum3A_1329 : f32 to vector<8x128xf32>
    %broadcast_in_dim3A_1335 = vector.broadcast %jit3A_1333 : f32 to vector<8x128xf32>
    %select_n3A_1336 = arith.select %eq3A_1332, %broadcast_in_dim3A_1334, %broadcast_in_dim3A_1335 : vector<8x128xi1>, vector<8x128xf32>
    %add3A_1337 = arith.addf %broadcast_in_dim3A_1323, %select_n3A_1336 : vector<8x128xf32>
    %mul3A_1338 = arith.mulf %add3A_1318, %add3A_1275 : vector<79x128xf32>
    %reduce_sum3A_1339 = vector.shape_cast %mul3A_1338 : vector<79x128xf32> to vector<1x79x128xf32>
    %reduce_sum3A_1340 = arith.constant dense<0.000000e+00> : vector<1xf32>
    %reduce_sum3A_1341 = vector.multi_reduction <add>, %reduce_sum3A_1339, %reduce_sum3A_1340 [1, 2] : vector<1x79x128xf32> to vector<1xf32>
    %reduce_sum3A_1342 = vector.shape_cast %reduce_sum3A_1341 : vector<1xf32> to vector<1x1x1xf32>
    %reduce_sum3A_1343 = vector.extract %reduce_sum3A_1342[0, 0, 0] : f32 from vector<1x1x1xf32>
    %eq3A_1344 = arith.constant 1 : i32
    %eq3A_1345 = vector.broadcast %eq3A_1344 : i32 to vector<8x128xi32>
    %eq3A_1346 = arith.cmpi eq, %iota3A_1321, %eq3A_1345 : vector<8x128xi32>
    %jit3A_1347 = arith.constant 0.000000e+00 : f32
    %broadcast_in_dim3A_1348 = vector.broadcast %reduce_sum3A_1343 : f32 to vector<8x128xf32>
    %broadcast_in_dim3A_1349 = vector.broadcast %jit3A_1347 : f32 to vector<8x128xf32>
    %select_n3A_1350 = arith.select %eq3A_1346, %broadcast_in_dim3A_1348, %broadcast_in_dim3A_1349 : vector<8x128xi1>, vector<8x128xf32>
    %add3A_1351 = arith.addf %add3A_1337, %select_n3A_1350 : vector<8x128xf32>
    %mul3A_1352 = arith.mulf %add3A_1318, %add3A_1283 : vector<79x128xf32>
    %reduce_sum3A_1353 = vector.shape_cast %mul3A_1352 : vector<79x128xf32> to vector<1x79x128xf32>
    %reduce_sum3A_1354 = arith.constant dense<0.000000e+00> : vector<1xf32>
    %reduce_sum3A_1355 = vector.multi_reduction <add>, %reduce_sum3A_1353, %reduce_sum3A_1354 [1, 2] : vector<1x79x128xf32> to vector<1xf32>
    %reduce_sum3A_1356 = vector.shape_cast %reduce_sum3A_1355 : vector<1xf32> to vector<1x1x1xf32>
    %reduce_sum3A_1357 = vector.extract %reduce_sum3A_1356[0, 0, 0] : f32 from vector<1x1x1xf32>
    %eq3A_1358 = arith.constant 2 : i32
    %eq3A_1359 = vector.broadcast %eq3A_1358 : i32 to vector<8x128xi32>
    %eq3A_1360 = arith.cmpi eq, %iota3A_1321, %eq3A_1359 : vector<8x128xi32>
    %jit3A_1361 = arith.constant 0.000000e+00 : f32
    %broadcast_in_dim3A_1362 = vector.broadcast %reduce_sum3A_1357 : f32 to vector<8x128xf32>
    %broadcast_in_dim3A_1363 = vector.broadcast %jit3A_1361 : f32 to vector<8x128xf32>
    %select_n3A_1364 = arith.select %eq3A_1360, %broadcast_in_dim3A_1362, %broadcast_in_dim3A_1363 : vector<8x128xi1>, vector<8x128xf32>
    %add3A_1365 = arith.addf %add3A_1351, %select_n3A_1364 : vector<8x128xf32>
    %mul3A_1366 = arith.mulf %add3A_1318, %add3A_1291 : vector<79x128xf32>
    %reduce_sum3A_1367 = vector.shape_cast %mul3A_1366 : vector<79x128xf32> to vector<1x79x128xf32>
    %reduce_sum3A_1368 = arith.constant dense<0.000000e+00> : vector<1xf32>
    %reduce_sum3A_1369 = vector.multi_reduction <add>, %reduce_sum3A_1367, %reduce_sum3A_1368 [1, 2] : vector<1x79x128xf32> to vector<1xf32>
    %reduce_sum3A_1370 = vector.shape_cast %reduce_sum3A_1369 : vector<1xf32> to vector<1x1x1xf32>
    %reduce_sum3A_1371 = vector.extract %reduce_sum3A_1370[0, 0, 0] : f32 from vector<1x1x1xf32>
    %eq3A_1372 = arith.constant 3 : i32
    %eq3A_1373 = vector.broadcast %eq3A_1372 : i32 to vector<8x128xi32>
    %eq3A_1374 = arith.cmpi eq, %iota3A_1321, %eq3A_1373 : vector<8x128xi32>
    %jit3A_1375 = arith.constant 0.000000e+00 : f32
    %broadcast_in_dim3A_1376 = vector.broadcast %reduce_sum3A_1371 : f32 to vector<8x128xf32>
    %broadcast_in_dim3A_1377 = vector.broadcast %jit3A_1375 : f32 to vector<8x128xf32>
    %select_n3A_1378 = arith.select %eq3A_1374, %broadcast_in_dim3A_1376, %broadcast_in_dim3A_1377 : vector<8x128xi1>, vector<8x128xf32>
    %add3A_1379 = arith.addf %add3A_1365, %select_n3A_1378 : vector<8x128xf32>
    %mul3A_1380 = arith.mulf %add3A_1318, %add3A_1299 : vector<79x128xf32>
    %reduce_sum3A_1381 = vector.shape_cast %mul3A_1380 : vector<79x128xf32> to vector<1x79x128xf32>
    %reduce_sum3A_1382 = arith.constant dense<0.000000e+00> : vector<1xf32>
    %reduce_sum3A_1383 = vector.multi_reduction <add>, %reduce_sum3A_1381, %reduce_sum3A_1382 [1, 2] : vector<1x79x128xf32> to vector<1xf32>
    %reduce_sum3A_1384 = vector.shape_cast %reduce_sum3A_1383 : vector<1xf32> to vector<1x1x1xf32>
    %reduce_sum3A_1385 = vector.extract %reduce_sum3A_1384[0, 0, 0] : f32 from vector<1x1x1xf32>
    %eq3A_1386 = arith.constant 4 : i32
    %eq3A_1387 = vector.broadcast %eq3A_1386 : i32 to vector<8x128xi32>
    %eq3A_1388 = arith.cmpi eq, %iota3A_1321, %eq3A_1387 : vector<8x128xi32>
    %jit3A_1389 = arith.constant 0.000000e+00 : f32
    %broadcast_in_dim3A_1390 = vector.broadcast %reduce_sum3A_1385 : f32 to vector<8x128xf32>
    %broadcast_in_dim3A_1391 = vector.broadcast %jit3A_1389 : f32 to vector<8x128xf32>
    %select_n3A_1392 = arith.select %eq3A_1388, %broadcast_in_dim3A_1390, %broadcast_in_dim3A_1391 : vector<8x128xi1>, vector<8x128xf32>
    %add3A_1393 = arith.addf %add3A_1379, %select_n3A_1392 : vector<8x128xf32>
    %mul3A_1394 = arith.mulf %add3A_1318, %add3A_1307 : vector<79x128xf32>
    %reduce_sum3A_1395 = vector.shape_cast %mul3A_1394 : vector<79x128xf32> to vector<1x79x128xf32>
    %reduce_sum3A_1396 = arith.constant dense<0.000000e+00> : vector<1xf32>
    %reduce_sum3A_1397 = vector.multi_reduction <add>, %reduce_sum3A_1395, %reduce_sum3A_1396 [1, 2] : vector<1x79x128xf32> to vector<1xf32>
    %reduce_sum3A_1398 = vector.shape_cast %reduce_sum3A_1397 : vector<1xf32> to vector<1x1x1xf32>
    %reduce_sum3A_1399 = vector.extract %reduce_sum3A_1398[0, 0, 0] : f32 from vector<1x1x1xf32>
    %eq3A_1400 = arith.constant 5 : i32
    %eq3A_1401 = vector.broadcast %eq3A_1400 : i32 to vector<8x128xi32>
    %eq3A_1402 = arith.cmpi eq, %iota3A_1321, %eq3A_1401 : vector<8x128xi32>
    %jit3A_1403 = arith.constant 0.000000e+00 : f32
    %broadcast_in_dim3A_1404 = vector.broadcast %reduce_sum3A_1399 : f32 to vector<8x128xf32>
    %broadcast_in_dim3A_1405 = vector.broadcast %jit3A_1403 : f32 to vector<8x128xf32>
    %select_n3A_1406 = arith.select %eq3A_1402, %broadcast_in_dim3A_1404, %broadcast_in_dim3A_1405 : vector<8x128xi1>, vector<8x128xf32>
    %add3A_1407 = arith.addf %add3A_1393, %select_n3A_1406 : vector<8x128xf32>
    %mul3A_1408 = arith.mulf %add3A_1318, %add3A_1315 : vector<79x128xf32>
    %reduce_sum3A_1409 = vector.shape_cast %mul3A_1408 : vector<79x128xf32> to vector<1x79x128xf32>
    %reduce_sum3A_1410 = arith.constant dense<0.000000e+00> : vector<1xf32>
    %reduce_sum3A_1411 = vector.multi_reduction <add>, %reduce_sum3A_1409, %reduce_sum3A_1410 [1, 2] : vector<1x79x128xf32> to vector<1xf32>
    %reduce_sum3A_1412 = vector.shape_cast %reduce_sum3A_1411 : vector<1xf32> to vector<1x1x1xf32>
    %reduce_sum3A_1413 = vector.extract %reduce_sum3A_1412[0, 0, 0] : f32 from vector<1x1x1xf32>
    %eq3A_1414 = arith.constant 6 : i32
    %eq3A_1415 = vector.broadcast %eq3A_1414 : i32 to vector<8x128xi32>
    %eq3A_1416 = arith.cmpi eq, %iota3A_1321, %eq3A_1415 : vector<8x128xi32>
    %jit3A_1417 = arith.constant 0.000000e+00 : f32
    %broadcast_in_dim3A_1418 = vector.broadcast %reduce_sum3A_1413 : f32 to vector<8x128xf32>
    %broadcast_in_dim3A_1419 = vector.broadcast %jit3A_1417 : f32 to vector<8x128xf32>
    %select_n3A_1420 = arith.select %eq3A_1416, %broadcast_in_dim3A_1418, %broadcast_in_dim3A_1419 : vector<8x128xi1>, vector<8x128xf32>
    %add3A_1421 = arith.addf %add3A_1407, %select_n3A_1420 : vector<8x128xf32>
    %swap3A_1422 = arith.constant 0 : index
    %swap3A_1423 = arith.constant 0 : index
    %swap3A_1424 = vector.load %arg7[%swap3A_1422, %swap3A_1423] : memref<8x128xf32, #tpu.memory_space<vmem>>, vector<8x128xf32>
    tpu.vector_store %arg7[%swap3A_1422, %swap3A_1423], %add3A_1421 {strides = array<i32>} : memref<8x128xf32, #tpu.memory_space<vmem>>, vector<8x128xf32>,
    %broadcast_in_dim3A_1425 = arith.constant 0 : i32
    %broadcast_in_dim3A_1426 = vector.broadcast %broadcast_in_dim3A_1425 : i32 to vector<8x128xi32>
    %eq3A_1427 = arith.constant 0 : i32
    %eq3A_1428 = vector.broadcast %eq3A_1427 : i32 to vector<8x128xi32>
    %eq3A_1429 = arith.cmpi eq, %iota3A_1321, %eq3A_1428 : vector<8x128xi32>
    %jit3A_1430 = arith.constant 0 : i32
    %broadcast_in_dim3A_1431 = vector.broadcast %reduce_min3A_548 : i32 to vector<8x128xi32>
    %broadcast_in_dim3A_1432 = vector.broadcast %jit3A_1430 : i32 to vector<8x128xi32>
    %select_n3A_1433 = arith.select %eq3A_1429, %broadcast_in_dim3A_1431, %broadcast_in_dim3A_1432 : vector<8x128xi1>, vector<8x128xi32>
    %add3A_1434 = arith.addi %broadcast_in_dim3A_1426, %select_n3A_1433 : vector<8x128xi32>
    %eq3A_1435 = arith.constant 1 : i32
    %eq3A_1436 = vector.broadcast %eq3A_1435 : i32 to vector<8x128xi32>
    %eq3A_1437 = arith.cmpi eq, %iota3A_1321, %eq3A_1436 : vector<8x128xi32>
    %jit3A_1438 = arith.constant 0 : i32
    %broadcast_in_dim3A_1439 = vector.broadcast %reduce_min3A_711 : i32 to vector<8x128xi32>
    %broadcast_in_dim3A_1440 = vector.broadcast %jit3A_1438 : i32 to vector<8x128xi32>
    %select_n3A_1441 = arith.select %eq3A_1437, %broadcast_in_dim3A_1439, %broadcast_in_dim3A_1440 : vector<8x128xi1>, vector<8x128xi32>
    %add3A_1442 = arith.addi %add3A_1434, %select_n3A_1441 : vector<8x128xi32>
    %eq3A_1443 = arith.constant 2 : i32
    %eq3A_1444 = vector.broadcast %eq3A_1443 : i32 to vector<8x128xi32>
    %eq3A_1445 = arith.cmpi eq, %iota3A_1321, %eq3A_1444 : vector<8x128xi32>
    %jit3A_1446 = arith.constant 0 : i32
    %broadcast_in_dim3A_1447 = vector.broadcast %reduce_min3A_875 : i32 to vector<8x128xi32>
    %broadcast_in_dim3A_1448 = vector.broadcast %jit3A_1446 : i32 to vector<8x128xi32>
    %select_n3A_1449 = arith.select %eq3A_1445, %broadcast_in_dim3A_1447, %broadcast_in_dim3A_1448 : vector<8x128xi1>, vector<8x128xi32>
    %add3A_1450 = arith.addi %add3A_1442, %select_n3A_1449 : vector<8x128xi32>
    %eq3A_1451 = arith.constant 3 : i32
    %eq3A_1452 = vector.broadcast %eq3A_1451 : i32 to vector<8x128xi32>
    %eq3A_1453 = arith.cmpi eq, %iota3A_1321, %eq3A_1452 : vector<8x128xi32>
    %jit3A_1454 = arith.constant 0 : i32
    %broadcast_in_dim3A_1455 = vector.broadcast %reduce_min3A_1039 : i32 to vector<8x128xi32>
    %broadcast_in_dim3A_1456 = vector.broadcast %jit3A_1454 : i32 to vector<8x128xi32>
    %select_n3A_1457 = arith.select %eq3A_1453, %broadcast_in_dim3A_1455, %broadcast_in_dim3A_1456 : vector<8x128xi1>, vector<8x128xi32>
    %add3A_1458 = arith.addi %add3A_1450, %select_n3A_1457 : vector<8x128xi32>
    %eq3A_1459 = arith.constant 4 : i32
    %eq3A_1460 = vector.broadcast %eq3A_1459 : i32 to vector<8x128xi32>
    %eq3A_1461 = arith.cmpi eq, %iota3A_1321, %eq3A_1460 : vector<8x128xi32>
    %jit3A_1462 = arith.constant 0 : i32
    %broadcast_in_dim3A_1463 = vector.broadcast %reduce_min3A_1203 : i32 to vector<8x128xi32>
    %broadcast_in_dim3A_1464 = vector.broadcast %jit3A_1462 : i32 to vector<8x128xi32>
    %select_n3A_1465 = arith.select %eq3A_1461, %broadcast_in_dim3A_1463, %broadcast_in_dim3A_1464 : vector<8x128xi1>, vector<8x128xi32>
    %add3A_1466 = arith.addi %add3A_1458, %select_n3A_1465 : vector<8x128xi32>
    %swap3A_1467 = arith.constant 0 : index
    %swap3A_1468 = arith.constant 0 : index
    %swap3A_1469 = vector.load %arg8[%swap3A_1467, %swap3A_1468] : memref<8x128xi32, #tpu.memory_space<vmem>>, vector<8x128xi32>
    tpu.vector_store %arg8[%swap3A_1467, %swap3A_1468], %add3A_1466 {strides = array<i32>} : memref<8x128xi32, #tpu.memory_space<vmem>>, vector<8x128xi32>,
    return
  }
}

</mosaic_0001>

<sc_bundles>
// kernel: kernel.6.cloned.1.call-start
scs
__scs_entry_jumppad:
0x0: {  	(pc) =	sbr.rel $0x88, $3  }
0x1: {  	(tag) =	ssettag $0x0;
	lr =	simm.s32 $0x1  }
0x2: {  	[smem:$0x3F9A] =	sst lr;
	_ =	strace $0xD0000000  }
0x3: {  	_ = 	snop  }
0x4: {  	_ = 	snop  }
0x5: {  	_ = 	snop  }
0x6: {  	_ = 	snop  }
0x7: {  	_ = 	snop  }
__scs_overlays_trampoline_lowered:
0x8: {  	[smem:$0x3FA9] =	sst s0  }
0x9: {  	[smem:$0x3FAA] =	sst s1  }
0xa: {  	[smem:$0x3FAB] =	sst s2  }
0xb: {  	[smem:$0x3FAC] =	sst s3  }
0xc: {  	[smem:$0x3FAD] =	sst s4  }
0xd: {  	[smem:$0x3FAE] =	sst s5  }
0xe: {  	[smem:$0x3FAF] =	sst s6  }
0xf: {  	[smem:$0x3FB0] =	sst s7  }
0x10: {  	[smem:$0x3FB1] =	sst s8  }
0x11: {  	[smem:$0x3FB2] =	sst s9;
	s0 =	simm.s32 @!p0 $0x0  }
0x12: {  	s1 =	sld [smem:$0x3F98];
	s0 =	simm.s32 @p0 $0x1  }
0x13: {  	[smem:$0x3FB3] =	sst s0;
	s0 =	simm.s32 @!p1 $0x0  }
0x14: {  	s2 =	sld [smem:$0x3F97];
	s0 =	simm.s32 @p1 $0x1  }
0x15: {  	[smem:$0x3FB4] =	sst s0;
	s0 =	simm.s32 @!p2 $0x0  }
0x16: {  	s3 =	sld [smem:$0x3FDB];
	s0 =	simm.s32 @p2 $0x1  }
0x17: {  	s4 =	simm.s32 $0x1BF5;
	[smem:$0x3FB6] =	sst s0  }
0x18: {  	s0 =	sld [smem:$0x3F99];
	_ =	swait.ge [sflag:s4], $0x0  }
0x19: {  	s7 =	sld [smem:$0x3F9A]  }
0x1a: {  	s8 =	sadd.s32 $0xFFFFE003, lr  }
0x1b: {  	s9 =	sadd.s32 $0xFFFFFEF7, lr;
	s5 =	simm.s32 $0xFFFFFFFF;
	p2 =	slt.u32 s8, $0xFFFFF086  }
0x1c: {  	p1 =	slt.u32 s9, $0xF7A;
	s5 =	simm.s32 @!p2 $0x0  }
0x1d: {  	s5 =	simm.s32 @p1 $0x1;
	p0 =	seq.s32 s7, s2  }
0x1e: {  	s7 =	smul.u32 @!p0 $0xF7A, s2;
	p2 =	seq.s32 @!p0 s5, $0x0  }
0x1f: {  	s9 =	smul.u32 $0xF7A, s1;
	s8 =	simm.s32 @!p0 $0x1BF5;
	p2 =	por !p2, p0  }
0x20: {  	[sflag:s8] =	ssyncset.s32 @!p0 $0xFFFFF086;
	s6 =	sadd.s32 @!p0 s3, s7;
	s7 =	simm.s32 @!p0 $0x108  }
0x21: {  	s3 =	sadd.s32 s3, s9;
	s6 =	sadd.s32 @!p0 $0x88, s6;
	s7 =	simm.s32 @p2 $0x1082  }
0x22: {  	[simem:s7], [sflag:s8] =	dma.local @!p0 [hbm:s6], $0xF7A  }
0x23: {  	s9 =	sor.u32 $0xD0000000, s2;
	s6 =	simm.s32 $0x108;
	_ =	swait.ge @!p0 [sflag:s8], $0x0  }
0x24: {  	s3 =	sadd.s32 $0x88, s3;
	s6 =	simm.s32 @!p1 $0x1082;
	[sflag:s4] =	ssyncset.s32 $0xFFFFF086  }
0x25: {  	[simem:s6], [sflag:s4] =	dma.local [hbm:s3], $0xF7A  }
0x26: {  	[smem:$0x3F9A] =	sst s1;
	(tag) =	ssettag s2;
	_ =	strace s9  }
0x27: {  	s1 =	sld [smem:$0x3FAA]  }
0x28: {  	s2 =	sld [smem:$0x3FAB]  }
0x29: {  	s4 =	sld [smem:$0x3FAD]  }
0x2a: {  	p0 =	seq.s32 s5, $0x0;
	s5 =	sld [smem:$0x3FAE]  }
0x2b: {  	s6 =	sld [smem:$0x3FAF]  }
0x2c: {  	s7 =	sld [smem:$0x3FB0]  }
0x2d: {  	s3 =	simm.s32 $0x108;
	s8 =	sld [smem:$0x3FB1]  }
0x2e: {  	s3 =	simm.s32 @!p0 $0x1082;
	s9 =	sld [smem:$0x3FB2]  }
0x2f: {  	lr =	sadd.s32 s0, s3;
	s0 =	sld [smem:$0x3FA9]  }
0x30: {  	s3 =	sld [smem:$0x3FAC]  }
0x31: {  	[smem:$0x3FB5] =	sst s10  }
0x32: {  	s10 =	sld [smem:$0x3FB3];
	_ =	sdelay $0x3  }
0x33: {  	p0 =	seq.s32 s10, $0x1;
	s10 =	sld [smem:$0x3FB5];
	_ =	sdelay $0x3  }
0x34: {  	[smem:$0x3FB5] =	sst s10  }
0x35: {  	s10 =	sld [smem:$0x3FB4];
	_ =	sdelay $0x3  }
0x36: {  	p1 =	seq.s32 s10, $0x1;
	s10 =	sld [smem:$0x3FB5];
	_ =	sdelay $0x3  }
0x37: {  	[smem:$0x3FB5] =	sst s10  }
0x38: {  	s10 =	sld [smem:$0x3FB6]  }
0x39: {  	_ = 	snop;
	(pc) =	sbr.ind lr, $3  }
0x3a: {  	_ = 	snop  }
0x3b: {  	_ = 	snop  }
0x3c: {  	p2 =	seq.s32 s10, $0x1;
	s10 =	sld [smem:$0x3FB5]  }
0x3d: {  	_ =	shalt  }
0x3e: {  	_ =	shalt  }
0x3f: {  	_ =	shalt  }
0x40: {  	_ =	shalt  }
0x41: {  	_ =	shalt  }
0x42: {  	_ =	shalt  }
0x43: {  	_ =	shalt  }
0x44: {  	_ =	shalt  }
0x45: {  	_ =	shalt  }
0x46: {  	_ =	shalt  }
0x47: {  	_ =	shalt  }
0x48: {  	_ =	shalt  }
0x49: {  	_ =	shalt  }
0x4a: {  	_ =	shalt  }
0x4b: {  	_ =	shalt  }
0x4c: {  	_ =	shalt  }
0x4d: {  	_ =	shalt  }
0x4e: {  	_ =	shalt  }
0x4f: {  	_ =	shalt  }
0x50: {  	_ =	shalt  }
0x51: {  	_ =	shalt  }
0x52: {  	_ =	shalt  }
0x53: {  	_ =	shalt  }
0x54: {  	_ =	shalt  }
0x55: {  	_ =	shalt  }
0x56: {  	_ =	shalt  }
0x57: {  	_ =	shalt  }
0x58: {  	_ =	shalt  }
0x59: {  	_ =	shalt  }
0x5a: {  	_ =	shalt  }
0x5b: {  	_ =	shalt  }
0x5c: {  	_ =	shalt  }
0x5d: {  	_ =	shalt  }
0x5e: {  	_ =	shalt  }
0x5f: {  	_ =	shalt  }
0x60: {  	_ =	shalt  }
0x61: {  	_ =	shalt  }
0x62: {  	_ =	shalt  }
0x63: {  	_ =	shalt  }
0x64: {  	_ =	shalt  }
0x65: {  	_ =	shalt  }
0x66: {  	_ =	shalt  }
0x67: {  	_ =	shalt  }
0x68: {  	_ =	shalt  }
0x69: {  	_ =	shalt  }
0x6a: {  	_ =	shalt  }
0x6b: {  	_ =	shalt  }
0x6c: {  	_ =	shalt  }
0x6d: {  	_ =	shalt  }
0x6e: {  	_ =	shalt  }
0x6f: {  	_ =	shalt  }
0x70: {  	_ =	shalt  }
0x71: {  	_ =	shalt  }
0x72: {  	_ =	shalt  }
0x73: {  	_ =	shalt  }
0x74: {  	_ =	shalt  }
0x75: {  	_ =	shalt  }
0x76: {  	_ =	shalt  }
0x77: {  	_ =	shalt  }
0x78: {  	_ =	shalt  }
0x79: {  	_ =	shalt  }
0x7a: {  	_ =	shalt  }
0x7b: {  	_ =	shalt  }
0x7c: {  	_ =	shalt  }
0x7d: {  	_ =	shalt  }
0x7e: {  	_ =	shalt  }
0x7f: {  	_ =	shalt  }
0x80: {  	_ =	shalt  }
0x81: {  	_ =	shalt  }
0x82: {  	_ =	shalt  }
0x83: {  	_ =	shalt  }
0x84: {  	_ =	shalt  }
0x85: {  	_ =	shalt  }
0x86: {  	_ =	shalt  }
0x87: {  	_ =	shalt  }
.Lfunc_end0:
.L_simem_size_0:
called_computation_lowered:
.L_overlay_start_0:
0x88: {  	s2 =	sld [smem:$0x3FD9]  }
0x89: {  	s3 =	sld [smem:$0x3FFE];
	_ =	sdelay $0x1  }
0x8a: {  	s1 =	srdreg.scid  }
0x8b: {  	s0 =	sand.u32 $0x1, s1  }
0x8c: {  	s14 =	sshll.u32 s0, $0xA;
	s2 =	sadd.s32 s3, s2  }
0x8d: {  	s2 =	sadd.s32 s2, s14  }
0x8e: {  	[smem:$0x3FC1] =	sst s2  }
0x8f: {  	_ = 	snop  }
0x90: {  	s2 =	sld [smem:$0x3FD0];
	_ =	sdelay $0x2  }
0x91: {  	s15 =	simm.s32 $0xA;
	s4 =	simm.s32 $0x10  }
0x92: {  	[smem:s4], [sflag:s15] =	dma.local [hbm:s2], $0x1  }
0x93: {  	_ =	swait.eq [sflag:s15], $0x1  }
0x94: {  	[sflag:s15] =	ssyncset.done $0x0  }
0x95: {  	s16 =	sld [smem:$0x10];
	[sflag:s15] =	ssyncadd.s32 $0xFFFFFFFF  }
0x96: {  	s17 =	sld [smem:$0x12];
	(tm) =	ssettm $0x1  }
0x97: {  	s18 =	sld [smem:$0x3FFB];
	_ =	sdelay $0x3  }
0x98: {  	_ =	strace s18  }
0x99: {  	s4 =	sld [smem:$0x3FFC];
	_ =	sdelay $0x3  }
0x9a: {  	_ =	strace s4  }
0x9b: {  	s4 =	sld [smem:$0x3FFD];
	_ =	sdelay $0x3  }
0x9c: {  	_ =	strace s4  }
0x9d: {  	_ =	strace $0x8FFFFFFF  }
0x9e: {  	s19 =	sld [smem:$0x3FDB];
	_ =	sdelay $0x1  }
0x9f: {  	s5 =	simm.s32 $_scs_section_size  }
0xa0: {  	s6 =	simm.s32 $_size__tile_overlayer_lowered;
	s7 =	simm.s32 $_tile_overlayer_lowered  }
0xa1: {  	s22 =	simm.s32 $0x1BFF;
	s21 =	sshll.u32 s7, $0x1;
	s4 =	sadd.s32 s5, s19  }
0xa2: {  	s8 =	simm.s32 $0x0;
	s20 =	sshll.u32 s6, $0x1;
	s6 =	sadd.s32 s21, s4  }
0xa3: {  	[timem:s8], [sflag:s22] =	dma.local [hbm:s6], s20  }
0xa4: {  	_ =	swait.ge [sflag:s22], s20  }
0xa5: {  	s5 =	ssub.s32 $0x0, s20;
	[sflag:s22] =	ssyncset.done $0x0  }
0xa6: {  	[sflag:s22] =	ssyncadd.s32 s5;
	_ =	sdelay $0x1  }
0xa7: {  	s23 =	simm.s32 $0x1B8B  }
0xa8: {  	_ =	swait.ge [sflag:s23], $0x1  }
0xa9: {  	[sflag:s23] =	ssyncset.done $0x0  }
0xaa: {  	s25 =	simm.s32 $0x1B8E;
	s24 =	sld [smem:$0x3FFE];
	[sflag:s23] =	ssyncadd.s32 $0xFFFFFFFF  }
0xab: {  	s26 =	simm.s32 $execute0_lowered;
	[smem:$0x3FD2] =	sst s25  }
0xac: {  	s6 =	sshll.u32 s26, $0x1;
	_ =	strace $0x80000046;
	[dreg:$0x1] =	wrdreg $0xFFFFFFFF  }
0xad: {  	s28 =	simm.s32 $_size_execute0_lowered;
	s4 =	sadd.s32 s4, s6;
	[dreg:$0x0] =	wrdreg $0x0  }
0xae: {  	s6 =	sshll.u32 s28, $0x1;
	[dreg:$0x2] =	wrdreg s4  }
0xaf: {  	[dreg:$0x3] =	wrdreg s6  }
0xb0: {  	[dreg:$0x4] =	wrdreg $0xC0  }
0xb1: {  	_ =	task [dreg:s8], $0x5FFFF  }
0xb2: {  	[dreg:$0x1] =	wrdreg $0xFFFFFFFF  }
0xb3: {  	[dreg:$0x0] =	wrdreg $0x60  }
0xb4: {  	[dreg:$0x2] =	wrdreg s24  }
0xb5: {  	[dreg:$0x3] =	wrdreg s16  }
0xb6: {  	[dreg:$0x4] =	wrdreg s17  }
0xb7: {  	[dreg:$0x5] =	wrdreg $0xF7000  }
0xb8: {  	[dreg:$0x6] =	wrdreg $0xFC000  }
0xb9: {  	[dreg:$0x7] =	wrdreg $0x9  }
0xba: {  	_ =	task.clear_ibuf [dreg:s8], $0x8FFFF;
	_ =	strace $0x90000046  }
0xbb: {  	s29 =	simm.s32 $0x9;
	_ =	strace $0x80000048  }
0xbc: {  	_ =	swait.ge [sflag:s29], $0x1  }
0xbd: {  	[sflag:s29] =	ssyncadd.s32 $0xFFFFFFFF  }
0xbe: {  	_ =	strace $0x90000048  }
0xbf: {  	_ =	sfence  }
0xc0: {  	s30 =	sld [smem:$0x0];
	_ =	sdelay $0x2  }
0xc1: {  	s31 =	sshll.u32 s1, $0xD;
	s1 =	sshrl.u32 s1, $0x2  }
0xc2: {  	s3 =	sand.u32 $0x4000, s31;
	s1 =	sadd.s32 s1, s30  }
0xc3: {  	s0 =	sor.u32 s3, s0;
	s1 =	sshll.u32 s1, $0x11  }
0xc4: {  	s0 =	sor.u32 s1, s0  }
0xc5: {  	s0 =	sadd.s32 $0x8F2B, s0  }
0xc6: {  	[sflag:s0] =	ssyncadd.remote.s32 $0x1  }
0xc7: {  	_ =	sfence.sel $0xFFFF  }
0xc8: {  	[dreg:$0x0] =	wrdreg $0xFFFFFFFF;
	(pc) =	sbr.abs _section_cstart, $3  }
0xc9: {  	[dreg:$0x1] =	wrdreg $0xFFFFFFFF  }
0xca: {  	_ =	task.clear_ibuf [dreg:s8], $0x2FFFF;
	_ =	strace $0x9FFFFFFF  }
0xcb: {  	(tm) =	ssettm $0x7FFFFFFF  }
tec
execute0_lowered:
.L_overlay_start_1:
0x0: {  	(tag) =	ssettag $0x1  }
0x1: {  	s0 =	rddreg [dreg:$0x0]  }
0x2: {  	s2 =	rddreg [dreg:$0x3]  }
0x3: {  	s12 =	stileid.u32;
	s3 =	srdreg.scid  }
0x4: {  	s9 =	rddreg [dreg:$0x4];
	s6 =	simm.s32 $0x0;
	s20 =	simm.s32 $0x2  }
0x5: {  	s22 =	simm.s32 $0xA00;
	s24 =	simm.s32 $0x7800;
	s1 =	smul.u32 $0x4E2, s12  }
0x6: {  	s29 =	simm.s32 $0x1;
	s30 =	simm.s32 $0x0;
	s4 =	smul.u32 $0x280, s12  }
0x7: {  	s3 =	sand.u32 $0x1, s3;
	[smem:$0x7FF] =	sst s6;
	s11 =	smul.u32 $0x2800, s12  }
0x8: {  	s7 =	sadd.s32 $0xC800, s0;
	p0 =	sne.s32 s12, $0x0;
	s5 =	smul.u32 $0x2800, s3  }
0x9: {  	_ =	strace $0x80000047;
	s8 =	ssub.s32 $0x2, s3;
	s10 =	smul.u32 $0x28000, s3  }
0xa: {  	s1 =	sadd.s32 s1, s0;
	s25 =	sshrl.u32 s8, $0x1;
	s9 =	sadd.s32 s4, s9  }
0xb: {  	s5 =	sadd.s32 s4, s5;
	s26 =	sadd.s32 $0x6400, s1;
	s1 =	sadd.s32 $0x1400, s1  }
0xc: {  	s14 =	sadd.s32 s11, s10;
	s5 =	sshrl.u32 s5, $0x3;
	[dreg:$0x6] =	wrdreg s26  }
0xd: {  	s11 =	simm.s32 $0x5000;
	[dreg:$0x7] =	wrdreg s1;
	s0 =	sadd.s32 s5, s0  }
0xe: {  	s16 =	sadd.s32 $0xA00, s14;
	s17 =	sadd.s32 $0x1400, s14;
	s28 =	sadd.s32 $0xB400, s0  }
0xf: {  	s5 =	ssub.s32 s8, s25;
	s0 =	sadd.s32 $0xBE00, s0;
	[dreg:$0x8] =	wrdreg s28  }
0x10: {  	v1 =	vimm.f32 $0.0e+00;
	v2 =	vimm.s32 $0x2710;
	s18 =	sadd.s32 $0x1E00, s14;
	s31 =	smax.u32 s5, $0x1;
	[dreg:$0x9] =	wrdreg s0  }
0x11: {  	v3 =	vlaneseq.u32;
	v4 =	vimm.f32 $1.000000000e+00;
	v0 =	vmov s3;
	s8 =	sadd.s32 s4, s2;
	s4 =	simm.s32 $0xA000;
	[dreg:$0xa] =	wrdreg s31  }
.LBB2_1:
0x12: {  	[tilespmem:$0xF000] =	vst v1  }
0x13: {  	[tilespmem:$0xF010] =	vst v1  }
0x14: {  	[tilespmem:$0xF020] =	vst v1  }
0x15: {  	[tilespmem:$0xF030] =	vst v1  }
0x16: {  	[tilespmem:$0xF040] =	vst v1  }
0x17: {  	[tilespmem:$0xF050] =	vst v1  }
0x18: {  	[tilespmem:$0xF060] =	vst v1  }
0x19: {  	[tilespmem:$0xF070] =	vst v1  }
0x1a: {  	[tilespmem:$0xF080] =	vst v1  }
0x1b: {  	[tilespmem:$0xF090] =	vst v1  }
0x1c: {  	[tilespmem:$0xF0A0] =	vst v1  }
0x1d: {  	[tilespmem:$0xF0B0] =	vst v1  }
0x1e: {  	[tilespmem:$0xF0C0] =	vst v1  }
0x1f: {  	[tilespmem:$0xF0D0] =	vst v1  }
0x20: {  	[tilespmem:$0xF0E0] =	vst v1  }
0x21: {  	[tilespmem:$0xF0F0] =	vst v1  }
0x22: {  	[tilespmem:$0xF100] =	vst v1  }
0x23: {  	[tilespmem:$0xF110] =	vst v1  }
0x24: {  	[tilespmem:$0xF120] =	vst v1  }
0x25: {  	[tilespmem:$0xF130] =	vst v1  }
0x26: {  	[tilespmem:$0xF140] =	vst v1  }
0x27: {  	[tilespmem:$0xF150] =	vst v1  }
0x28: {  	[tilespmem:$0xF160] =	vst v1  }
0x29: {  	[tilespmem:$0xF170] =	vst v1  }
0x2a: {  	[tilespmem:$0xF180] =	vst v1  }
0x2b: {  	[tilespmem:$0xF190] =	vst v1  }
0x2c: {  	[tilespmem:$0xF1A0] =	vst v1  }
0x2d: {  	[tilespmem:$0xF1B0] =	vst v1  }
0x2e: {  	[tilespmem:$0xF1C0] =	vst v1  }
0x2f: {  	[tilespmem:$0xF1D0] =	vst v1  }
0x30: {  	[tilespmem:$0xF1E0] =	vst v1  }
0x31: {  	[tilespmem:$0xF1F0] =	vst v1  }
0x32: {  	[tilespmem:$0xF200] =	vst v1  }
0x33: {  	[tilespmem:$0xF210] =	vst v1  }
0x34: {  	[tilespmem:$0xF220] =	vst v1  }
0x35: {  	[tilespmem:$0xF230] =	vst v1  }
0x36: {  	[tilespmem:$0xF240] =	vst v1  }
0x37: {  	[tilespmem:$0xF250] =	vst v1  }
0x38: {  	[tilespmem:$0xF260] =	vst v1  }
0x39: {  	[tilespmem:$0xF270] =	vst v1;
	s0 =	simm.s32 $0xF000  }
0x3a: {  	[spmem:s8] =	stream.linear.scatter [tilespmem:s0], [sflag:$0x2], $0x280, $0x38;
	[tilespmem:$0xFE80] =	vst v63  }
0x3b: {  	_ =	swait.ge [sflag:s20], $0x280  }
0x3c: {  	[sflag:s20] =	ssyncset.done $0x0  }
0x3d: {  	[sflag:s20] =	ssyncadd.s32 $0xFFFFFD80  }
0x3e: {  	[spmem:s9] =	stream.linear.scatter [tilespmem:s0], [sflag:$0x2], $0x280, $0x38;
	[tilespmem:$0xFE80] =	vst v63  }
0x3f: {  	_ =	swait.ge [sflag:s20], $0x280  }
0x40: {  	[sflag:s20] =	ssyncset.done $0x0  }
0x41: {  	s26 =	rddreg [dreg:$0x6];
	[sflag:s20] =	ssyncadd.s32 $0xFFFFFD80  }
0x42: {  	[tilespmem:s6], [sflag:$0x2] =	stream.linear.gather [hbm4b:s26+s6], $0x2710, $0x38;
	[tilespmem:$0xFE80] =	vst v63  }
0x43: {  	_ =	swait.ge [sflag:s20], $0x2710  }
0x44: {  	[sflag:s20] =	ssyncset.done $0x0  }
0x45: {  	s0 =	simm.s32 $0x2800;
	s1 =	rddreg [dreg:$0x7];
	[sflag:s20] =	ssyncadd.s32 $0xFFFFD8F0  }
0x46: {  	[tilespmem:s0], [sflag:$0x2] =	stream.linear.gather [hbm4b:s1+s6], $0x2710, $0x38;
	[tilespmem:$0xFE80] =	vst v63  }
0x47: {  	_ =	swait.ge [sflag:s20], $0x2710  }
0x48: {  	[sflag:s20] =	ssyncset.done $0x0  }
0x49: {  	[sflag:s20] =	ssyncadd.s32 $0xFFFFD8F0  }
0x4a: {  	s3 =	simm.s32 $0xF280;
	s28 =	rddreg [dreg:$0x2]  }
0x4b: {  	[tilespmem:s3], [sflag:$0x2] =	stream.linear.gather [hbm4b:s28+s6], $0x80, $0x38;
	[tilespmem:$0xFE80] =	vst v63  }
0x4c: {  	_ =	swait.ge [sflag:s20], $0x80  }
0x4d: {  	[sflag:s20] =	ssyncset.done $0x0  }
0x4e: {  	[sflag:s20] =	ssyncadd.s32 $0xFFFFFF80  }
0x4f: {  	[tilespmem:$0x2710] =	vst v2  }
0x50: {  	[tilespmem:$0x4F10] =	vst v2  }
0x51: {  	[tilespmem:$0x2720] =	vst v2  }
0x52: {  	[tilespmem:$0x4F20] =	vst v2  }
0x53: {  	[tilespmem:$0x2730] =	vst v2  }
0x54: {  	[tilespmem:$0x4F30] =	vst v2  }
0x55: {  	[tilespmem:$0x2740] =	vst v2  }
0x56: {  	[tilespmem:$0x4F40] =	vst v2  }
0x57: {  	[tilespmem:$0x2750] =	vst v2  }
0x58: {  	[tilespmem:$0x4F50] =	vst v2  }
0x59: {  	[tilespmem:$0x2760] =	vst v2  }
0x5a: {  	[tilespmem:$0x4F60] =	vst v2  }
0x5b: {  	[tilespmem:$0x2770] =	vst v2  }
0x5c: {  	[tilespmem:$0x4F70] =	vst v2  }
0x5d: {  	[tilespmem:$0x2780] =	vst v2  }
0x5e: {  	[tilespmem:$0x4F80] =	vst v2  }
0x5f: {  	[tilespmem:$0x2790] =	vst v2  }
0x60: {  	[tilespmem:$0x4F90] =	vst v2  }
0x61: {  	[tilespmem:$0x27A0] =	vst v2  }
0x62: {  	[tilespmem:$0x4FA0] =	vst v2  }
0x63: {  	[tilespmem:$0x27B0] =	vst v2  }
0x64: {  	[tilespmem:$0x4FB0] =	vst v2  }
0x65: {  	[tilespmem:$0x27C0] =	vst v2  }
0x66: {  	[tilespmem:$0x4FC0] =	vst v2  }
0x67: {  	[tilespmem:$0x27D0] =	vst v2  }
0x68: {  	[tilespmem:$0x4FD0] =	vst v2  }
0x69: {  	[tilespmem:$0x27E0] =	vst v2  }
0x6a: {  	[tilespmem:$0x4FE0] =	vst v2  }
0x6b: {  	[tilespmem:$0x27F0] =	vst v2  }
0x6c: {  	[tilespmem:$0x4FF0] =	vst v2  }
0x6d: {  	v6 =	vld [tilespmem:s6+$0x0]  }
0x6e: {  	v7 =	vld [tilespmem:s0+$0x0];
	_ =	sdelay $0x4  }
0x6f: {  	v5 =	vsub.s32 v7, v6  }
0x70: {  	v8 =	vmul.u32 v0, v5  }
0x71: {  	v9 =	vsub.s32 v6, v7;
	v5 =	vld [tilespmem:$0xF280]  }
0x72: {  	v9 =	vmul.u32 v0, v9;
	v6 =	vadd.s32 v6, v8  }
0x73: {  	v8 =	vmul.u32 $0x2710, v6  }
0x74: {  	v7 =	vadd.s32 v7, v9  }
0x75: {  	s31 =	simm.s32 $0x2800;
	s5 =	sadd.s32 $0x0, s14;
	v8 =	vadd.s32 v7, v8  }
0x76: {  	s10 =	simm.s32 $0xC810;
	v63 =	vor.u32 s5, v3;
	vm0 =	veq.s32 v6, v5;
	v6 =	vor.u32 s31, v3;
	[tilespmem:s11+$0x0] =	vst v8  }
0x77: {  	s25 =	simm.s32 $0xC800;
	s19 =	simm.s32 $0x0;
	s21 =	simm.s32 $0x5000;
	v6 =	vsel vm0, v7, v6;
	[tilespmem:s24+$0x0] =	vst v63  }
0x78: {  	s5 =	simm.s32 $0xA010;
	s1 =	simm.s32 $0x10;
	s3 =	simm.s32 $0x7810;
	[tilespmem:s4+$0x0] =	vst v6  }
.LBB2_2:
0x79: {  	[tilespmem:s25+$0x0] =	vst v4;
	s19 =	sadd.s32 $0x10, s19;
	s0 =	sadd.s32 $0x10, s0;
	s21 =	sadd.s32 $0x10, s21  }
0x7a: {  	p1 =	sne.s32 s1, $0x9F0;
	s11 =	smov.u32 s1;
	s1 =	sadd.s32 $0x10, s1;
	v6 =	vld [tilespmem:s19+$0x0]  }
0x7b: {  	s25 =	smov.u32 s10;
	v7 =	vld [tilespmem:s0+$0x0];
	_ =	sdelay $0x4  }
0x7c: {  	v8 =	vsub.s32 v7, v6;
	v9 =	vsub.s32 v6, v7  }
0x7d: {  	v8 =	vmul.u32 v0, v8;
	v9 =	vmul.u32 v0, v9;
	_ =	sdelay $0x1  }
0x7e: {  	s12 =	sadd.s32 $0x2800, s11;
	v6 =	vadd.s32 v6, v8;
	v7 =	vadd.s32 v7, v9  }
0x7f: {  	v8 =	vmul.u32 $0x2710, v6;
	vm0 =	veq.s32 v6, v5;
	v6 =	vor.u32 s12, v3  }
.Ltmp0:
0x80: {  	v6 =	vsel vm0, v7, v6;
	(pc) =	sbr.rel @p1 .LBB2_2-.Ltmp0, $4  }
0x81: {  	s11 =	sadd.s32 s11, s14;
	v7 =	vadd.s32 v7, v8  }
0x82: {  	[tilespmem:s21+$0x0] =	vst v7;
	v7 =	vor.u32 s11, v3  }
0x83: {  	[tilespmem:s3+$0x0] =	vst v7  }
0x84: {  	s10 =	sadd.s32 $0x10, s10;
	s3 =	sadd.s32 $0x10, s3;
	[tilespmem:s5+$0x0] =	vst v6;
	s5 =	sadd.s32 $0x10, s5  }
0x85: {  	s0 =	simm.s32 $0x0;
	s3 =	simm.s32 $0xA00  }
0x86: {  	s1 =	sand.u32 $0x70, s0;
	s23 =	sand.u32 $0x1F80, s3  }
0x87: {  	[tilespmem:s25+$0x0] =	vst v4;
	s0 =	sor.u32 s1, s23  }
0x88: {  	v6 =	vld [tilespmem:s0+$0x0]  }
0x89: {  	v7 =	vld [tilespmem:s0+$0x2800];
	_ =	sdelay $0x4  }
0x8a: {  	v8 =	vsub.s32 v7, v6  }
0x8b: {  	v8 =	vmul.u32 v0, v8  }
0x8c: {  	v9 =	vsub.s32 v6, v7  }
0x8d: {  	s26 =	simm.s32 $0x5A00;
	v9 =	vmul.u32 v0, v9;
	v6 =	vadd.s32 v6, v8  }
0x8e: {  	s19 =	simm.s32 $0x8200;
	s31 =	simm.s32 $0x10;
	s28 =	simm.s32 $0xAA00;
	v8 =	vmul.u32 $0x2710, v6  }
0x8f: {  	s11 =	simm.s32 $0x20;
	s5 =	simm.s32 $0x3200;
	s12 =	sadd.s32 $0x0, s16;
	v7 =	vadd.s32 v7, v9  }
0x90: {  	s21 =	simm.s32 $0xAA10;
	s25 =	simm.s32 $0x8210;
	s10 =	sand.u32 $0x70, s31;
	v8 =	vadd.s32 v7, v8  }
0x91: {  	s3 =	simm.s32 $0xD200;
	s0 =	smov.u32 s10;
	vm0 =	veq.s32 v6, v5;
	v6 =	vor.u32 s5, v3;
	s5 =	simm.s32 $0xD210;
	[tilespmem:s26+$0x0] =	vst v8;
	v8 =	vor.u32 s12, v3  }
0x92: {  	v6 =	vsel vm0, v7, v6;
	s12 =	simm.s32 $0xA10;
	s26 =	simm.s32 $0x5A10;
	[tilespmem:s19+$0x0] =	vst v8;
	s19 =	simm.s32 $0x10  }
.LBB2_4:
0x93: {  	s13 =	sand.u32 $0x70, s11;
	s12 =	sand.u32 $0x1F80, s12  }
0x94: {  	[tilespmem:s28+$0x0] =	vst v6;
	s23 =	smov.u32 s11;
	s15 =	sadd.s32 $0x10, s11;
	s28 =	smov.u32 s21  }
0x95: {  	p1 =	sne.s32 s11, $0x9F0;
	s11 =	sor.u32 s0, s12;
	[tilespmem:s3+$0x0] =	vst v4;
	s0 =	smov.u32 s13  }
0x96: {  	s3 =	smov.u32 s5;
	v6 =	vld [tilespmem:s11+$0x0]  }
0x97: {  	v7 =	vld [tilespmem:s11+$0x2800];
	_ =	sdelay $0x4  }
0x98: {  	v8 =	vsub.s32 v7, v6;
	v9 =	vsub.s32 v6, v7  }
0x99: {  	v8 =	vmul.u32 v0, v8;
	v9 =	vmul.u32 v0, v9;
	_ =	sdelay $0x1  }
0x9a: {  	s11 =	sadd.s32 $0x3200, s19;
	v6 =	vadd.s32 v6, v8;
	v7 =	vadd.s32 v7, v9  }
.Ltmp1:
0x9b: {  	v8 =	vmul.u32 $0x2710, v6;
	vm0 =	veq.s32 v6, v5;
	v6 =	vor.u32 s11, v3;
	(pc) =	sbr.rel @p1 .LBB2_4-.Ltmp1, $4  }
0x9c: {  	s11 =	sadd.s32 s19, s16;
	s19 =	smov.u32 s23;
	v6 =	vsel vm0, v7, v6  }
0x9d: {  	v7 =	vadd.s32 v7, v8;
	v8 =	vor.u32 s11, v3  }
0x9e: {  	s21 =	sadd.s32 $0x10, s21;
	s5 =	sadd.s32 $0x10, s5;
	s12 =	sadd.s32 $0xA00, s19;
	[tilespmem:s26+$0x0] =	vst v7  }
0x9f: {  	s11 =	smov.u32 s15;
	s26 =	sadd.s32 $0x10, s26;
	[tilespmem:s25+$0x0] =	vst v8;
	s25 =	sadd.s32 $0x10, s25  }
0xa0: {  	s11 =	sand.u32 $0x1F80, s12;
	[tilespmem:s28+$0x0] =	vst v6  }
0xa1: {  	s0 =	sor.u32 s0, s11;
	[tilespmem:s3+$0x0] =	vst v4  }
0xa2: {  	v6 =	vld [tilespmem:s0+$0x0]  }
0xa3: {  	v7 =	vld [tilespmem:s0+$0x2800];
	_ =	sdelay $0x4  }
0xa4: {  	v8 =	vsub.s32 v7, v6  }
0xa5: {  	v8 =	vmul.u32 v0, v8  }
0xa6: {  	v9 =	vsub.s32 v6, v7  }
0xa7: {  	v9 =	vmul.u32 v0, v9;
	v6 =	vadd.s32 v6, v8  }
0xa8: {  	v8 =	vmul.u32 $0x2710, v6  }
0xa9: {  	v7 =	vadd.s32 v7, v9  }
0xaa: {  	s13 =	sadd.s32 $0x3200, s19;
	s15 =	sadd.s32 s19, s16;
	v8 =	vadd.s32 v7, v8  }
0xab: {  	vm0 =	veq.s32 v6, v5;
	v6 =	vor.u32 s13, v3;
	[tilespmem:s26+$0x0] =	vst v8;
	v8 =	vor.u32 s15, v3  }
0xac: {  	s19 =	simm.s32 $0x1400;
	v6 =	vsel vm0, v7, v6;
	[tilespmem:s25+$0x0] =	vst v8  }
0xad: {  	s0 =	sand.u32 $0x3F80, s19;
	[tilespmem:s21+$0x0] =	vst v6  }
0xae: {  	s0 =	sor.u32 s1, s0;
	[tilespmem:s5+$0x0] =	vst v4  }
0xaf: {  	v6 =	vld [tilespmem:s0+$0x0]  }
0xb0: {  	v7 =	vld [tilespmem:s0+$0x2800];
	_ =	sdelay $0x4  }
0xb1: {  	v8 =	vsub.s32 v7, v6  }
0xb2: {  	v8 =	vmul.u32 v0, v8  }
0xb3: {  	v63 =	vsub.s32 v6, v7  }
0xb4: {  	v9 =	vmul.u32 v0, v63;
	v6 =	vadd.s32 v6, v8  }
0xb5: {  	v8 =	vmul.u32 $0x2710, v6  }
0xb6: {  	s23 =	simm.s32 $0x8C00;
	s28 =	sadd.s32 $0x0, s17;
	s3 =	simm.s32 $0xB400;
	v7 =	vadd.s32 v7, v9  }
0xb7: {  	s11 =	simm.s32 $0x1410;
	s25 =	simm.s32 $0x3C00;
	s21 =	simm.s32 $0x6400;
	v8 =	vadd.s32 v7, v8  }
0xb8: {  	s1 =	simm.s32 $0xDC10;
	s26 =	simm.s32 $0xDC00;
	s5 =	simm.s32 $0xB410;
	vm15 =	veq.s32 v6, v5;
	v6 =	vor.u32 s25, v3;
	[tilespmem:s21+$0x0] =	vst v8;
	v8 =	vor.u32 s28, v3  }
0xb9: {  	s0 =	simm.s32 $0x20;
	s25 =	simm.s32 $0x6410;
	v6 =	vsel vm15, v7, v6;
	s21 =	simm.s32 $0x8C10;
	[tilespmem:s23+$0x0] =	vst v8  }
.LBB2_6:
0xba: {  	s12 =	sand.u32 $0x70, s0;
	s11 =	sand.u32 $0x3F80, s11  }
0xbb: {  	[tilespmem:s3+$0x0] =	vst v6;
	s13 =	smov.u32 s0;
	s15 =	sadd.s32 $0x10, s0;
	s3 =	smov.u32 s5  }
0xbc: {  	p1 =	sne.s32 s0, $0x9F0;
	s0 =	sor.u32 s10, s11;
	[tilespmem:s26+$0x0] =	vst v4;
	s10 =	smov.u32 s12  }
0xbd: {  	s26 =	smov.u32 s1;
	v6 =	vld [tilespmem:s0+$0x0]  }
0xbe: {  	v7 =	vld [tilespmem:s0+$0x2800];
	_ =	sdelay $0x4  }
0xbf: {  	v8 =	vsub.s32 v7, v6;
	v9 =	vsub.s32 v6, v7  }
0xc0: {  	v8 =	vmul.u32 v0, v8;
	v9 =	vmul.u32 v0, v9;
	_ =	sdelay $0x1  }
0xc1: {  	s0 =	sadd.s32 $0x3C00, s31;
	v6 =	vadd.s32 v6, v8;
	v7 =	vadd.s32 v7, v9  }
.Ltmp2:
0xc2: {  	v8 =	vmul.u32 $0x2710, v6;
	vm0 =	veq.s32 v6, v5;
	v6 =	vor.u32 s0, v3;
	(pc) =	sbr.rel @p1 .LBB2_6-.Ltmp2, $4  }
0xc3: {  	s0 =	sadd.s32 s31, s17;
	s31 =	smov.u32 s13;
	v6 =	vsel vm0, v7, v6  }
0xc4: {  	v7 =	vadd.s32 v7, v8;
	v8 =	vor.u32 s0, v3  }
0xc5: {  	s5 =	sadd.s32 $0x10, s5;
	s1 =	sadd.s32 $0x10, s1;
	s11 =	sadd.s32 $0x1400, s31;
	[tilespmem:s25+$0x0] =	vst v7  }
0xc6: {  	s0 =	smov.u32 s15;
	s25 =	sadd.s32 $0x10, s25;
	[tilespmem:s21+$0x0] =	vst v8;
	s21 =	sadd.s32 $0x10, s21  }
0xc7: {  	s0 =	sand.u32 $0x3F80, s11;
	[tilespmem:s3+$0x0] =	vst v6  }
0xc8: {  	s0 =	sor.u32 s10, s0;
	[tilespmem:s26+$0x0] =	vst v4  }
0xc9: {  	v6 =	vld [tilespmem:s0+$0x0]  }
0xca: {  	v7 =	vld [tilespmem:s0+$0x2800];
	_ =	sdelay $0x4  }
0xcb: {  	v8 =	vsub.s32 v7, v6  }
0xcc: {  	v8 =	vmul.u32 v0, v8  }
0xcd: {  	v9 =	vsub.s32 v6, v7  }
0xce: {  	v9 =	vmul.u32 v0, v9;
	v6 =	vadd.s32 v6, v8  }
0xcf: {  	v8 =	vmul.u32 $0x2710, v6  }
0xd0: {  	v7 =	vadd.s32 v7, v9  }
0xd1: {  	s13 =	sadd.s32 $0x3C00, s31;
	s15 =	sadd.s32 s31, s17;
	v8 =	vadd.s32 v7, v8  }
0xd2: {  	vm0 =	veq.s32 v6, v5;
	v6 =	vor.u32 s13, v3;
	[tilespmem:s25+$0x0] =	vst v8;
	v8 =	vor.u32 s15, v3  }
0xd3: {  	s19 =	simm.s32 $0x0;
	v6 =	vsel vm0, v7, v6;
	[tilespmem:s21+$0x0] =	vst v8;
	s21 =	simm.s32 $0x1E00  }
0xd4: {  	s0 =	sand.u32 $0x70, s19;
	[tilespmem:s5+$0x0] =	vst v6;
	s3 =	sand.u32 $0x3F80, s21  }
0xd5: {  	[tilespmem:s1+$0x0] =	vst v4;
	s0 =	sor.u32 s0, s3  }
0xd6: {  	v6 =	vld [tilespmem:s0+$0x0]  }
0xd7: {  	v7 =	vld [tilespmem:s0+$0x2800];
	_ =	sdelay $0x4  }
0xd8: {  	v8 =	vsub.s32 v7, v6  }
0xd9: {  	v8 =	vmul.u32 v0, v8  }
0xda: {  	v63 =	vsub.s32 v6, v7  }
0xdb: {  	v9 =	vmul.u32 v0, v63;
	v6 =	vadd.s32 v6, v8  }
0xdc: {  	s23 =	simm.s32 $0x6E00;
	s12 =	simm.s32 $0x9600;
	v8 =	vmul.u32 $0x2710, v6  }
0xdd: {  	s31 =	sadd.s32 $0x0, s18;
	s11 =	simm.s32 $0x1E10;
	s26 =	simm.s32 $0xBE00;
	v7 =	vadd.s32 v7, v9  }
0xde: {  	s10 =	simm.s32 $0x20;
	s25 =	simm.s32 $0x4600;
	s5 =	simm.s32 $0xE610;
	v8 =	vadd.s32 v7, v8  }
0xdf: {  	s21 =	simm.s32 $0x9610;
	s3 =	simm.s32 $0xE600;
	s0 =	simm.s32 $0x10;
	vm15 =	veq.s32 v6, v5;
	v6 =	vor.u32 s25, v3;
	[tilespmem:s23+$0x0] =	vst v8;
	v8 =	vor.u32 s31, v3  }
0xe0: {  	s1 =	simm.s32 $0xBE10;
	s28 =	sand.u32 $0x70, s0;
	s25 =	simm.s32 $0x6E10;
	v6 =	vsel vm15, v7, v6;
	[tilespmem:s12+$0x0] =	vst v8  }
.LBB2_8:
0xe1: {  	s12 =	sand.u32 $0x70, s10;
	s11 =	sand.u32 $0x3F80, s11  }
0xe2: {  	[tilespmem:s26+$0x0] =	vst v6;
	s13 =	smov.u32 s10;
	s15 =	sadd.s32 $0x10, s10;
	s26 =	smov.u32 s1  }
0xe3: {  	p1 =	sne.s32 s10, $0x9F0;
	s10 =	sor.u32 s28, s11;
	[tilespmem:s3+$0x0] =	vst v4;
	s28 =	smov.u32 s12  }
0xe4: {  	s3 =	smov.u32 s5;
	v6 =	vld [tilespmem:s10+$0x0]  }
0xe5: {  	v7 =	vld [tilespmem:s10+$0x2800];
	_ =	sdelay $0x4  }
0xe6: {  	v8 =	vsub.s32 v7, v6;
	v9 =	vsub.s32 v6, v7  }
0xe7: {  	v8 =	vmul.u32 v0, v8;
	v9 =	vmul.u32 v0, v9;
	_ =	sdelay $0x1  }
0xe8: {  	s10 =	sadd.s32 $0x4600, s0;
	v6 =	vadd.s32 v6, v8;
	v7 =	vadd.s32 v7, v9  }
.Ltmp3:
0xe9: {  	v8 =	vmul.u32 $0x2710, v6;
	vm0 =	veq.s32 v6, v5;
	v6 =	vor.u32 s10, v3;
	(pc) =	sbr.rel @p1 .LBB2_8-.Ltmp3, $4  }
0xea: {  	s10 =	sadd.s32 s0, s18;
	s0 =	smov.u32 s13;
	v6 =	vsel vm0, v7, v6  }
0xeb: {  	v7 =	vadd.s32 v7, v8;
	v8 =	vor.u32 s10, v3  }
0xec: {  	s1 =	sadd.s32 $0x10, s1;
	s5 =	sadd.s32 $0x10, s5;
	s11 =	sadd.s32 $0x1E00, s0;
	[tilespmem:s25+$0x0] =	vst v7  }
0xed: {  	s10 =	smov.u32 s15;
	s25 =	sadd.s32 $0x10, s25;
	[tilespmem:s21+$0x0] =	vst v8;
	s21 =	sadd.s32 $0x10, s21  }
0xee: {  	[tilespmem:s26+$0x0] =	vst v6;
	s10 =	sand.u32 $0x3F80, s11  }
0xef: {  	s10 =	sor.u32 s28, s10;
	[tilespmem:s3+$0x0] =	vst v4  }
0xf0: {  	v6 =	vld [tilespmem:s10+$0x0]  }
0xf1: {  	v7 =	vld [tilespmem:s10+$0x2800];
	_ =	sdelay $0x4  }
0xf2: {  	v8 =	vsub.s32 v7, v6  }
0xf3: {  	v8 =	vmul.u32 v0, v8  }
0xf4: {  	v9 =	vsub.s32 v6, v7  }
0xf5: {  	v9 =	vmul.u32 v0, v9;
	v6 =	vadd.s32 v6, v8  }
0xf6: {  	v8 =	vmul.u32 $0x2710, v6  }
0xf7: {  	v7 =	vadd.s32 v7, v9  }
0xf8: {  	s15 =	sadd.s32 $0x4600, s0;
	s19 =	sadd.s32 s0, s18;
	v8 =	vadd.s32 v7, v8  }
0xf9: {  	v63 =	vor.u32 s15, v3;
	v10 =	vor.u32 s19, v3;
	vm0 =	veq.s32 v6, v5;
	[tilespmem:s25+$0x0] =	vst v8  }
0xfa: {  	v5 =	vsel vm0, v7, v63;
	[tilespmem:s21+$0x0] =	vst v10  }
0xfb: {  	[tilespmem:s1+$0x0] =	vst v5  }
0xfc: {  	[tilespmem:s5+$0x0] =	vst v4  }
0xfd: {  	s11 =	simm.s32 $0x5000;
	[bflag:$0x0] =	sbarrier.arrive $0xFFFF  }
0xfe: {  	[hbm4b:s7+s22] =	stream.indirect.scatter [tilespmem:s24], [sflag:$0x1], $0x1, s11, s22, $0xb8;
	[tilespmem:$0xFE80] =	vst v63  }
0xff: {  	s23 =	simm.s32 $0x8200;
	s21 =	simm.s32 $0x5A00  }
0x100: {  	[hbm4b:s7+s22] =	stream.indirect.scatter [tilespmem:s23], [sflag:$0x1], $0x1, s21, s22, $0xb8;
	[tilespmem:$0xFE80] =	vst v63  }
0x101: {  	s26 =	simm.s32 $0x8C00;
	s25 =	simm.s32 $0x6400  }
0x102: {  	[hbm4b:s7+s22] =	stream.indirect.scatter [tilespmem:s26], [sflag:$0x1], $0x1, s25, s22, $0xb8;
	[tilespmem:$0xFE80] =	vst v63  }
0x103: {  	s31 =	simm.s32 $0x9600;
	s28 =	simm.s32 $0x6E00  }
0x104: {  	[hbm4b:s7+s22] =	stream.indirect.scatter [tilespmem:s31], [sflag:$0x1], $0x1, s28, s22, $0xb8;
	[tilespmem:$0xFE80] =	vst v63  }
0x105: {  	s3 =	simm.s32 $0xC800  }
0x106: {  	[spmem:s2] =	stream.indirect.scatter [tilespmem:s3], [sflag:$0x2], $0x1, s4, s22, $0xb8;
	[tilespmem:$0xFE80] =	vst v63  }
0x107: {  	_ =	swait.ge [sflag:s20], $0xA00  }
0x108: {  	[sflag:s20] =	ssyncset.done $0x0  }
0x109: {  	s10 =	simm.s32 $0xD200;
	s5 =	simm.s32 $0xAA00;
	[sflag:s20] =	ssyncadd.s32 $0xFFFFF600  }
0x10a: {  	[spmem:s2] =	stream.indirect.scatter [tilespmem:s10], [sflag:$0x2], $0x1, s5, s22, $0xb8;
	[tilespmem:$0xFE80] =	vst v63  }
0x10b: {  	_ =	swait.ge [sflag:s20], $0xA00  }
0x10c: {  	[sflag:s20] =	ssyncset.done $0x0  }
0x10d: {  	s12 =	simm.s32 $0xB400;
	s13 =	simm.s32 $0xDC00;
	[sflag:s20] =	ssyncadd.s32 $0xFFFFF600  }
0x10e: {  	[spmem:s2] =	stream.indirect.scatter [tilespmem:s13], [sflag:$0x2], $0x1, s12, s22, $0xb8;
	[tilespmem:$0xFE80] =	vst v63  }
0x10f: {  	_ =	swait.ge [sflag:s20], $0xA00  }
0x110: {  	[sflag:s20] =	ssyncset.done $0x0  }
0x111: {  	s15 =	simm.s32 $0xBE00;
	s19 =	simm.s32 $0xE600;
	[sflag:s20] =	ssyncadd.s32 $0xFFFFF600  }
0x112: {  	[spmem:s2] =	stream.indirect.scatter [tilespmem:s19], [sflag:$0x2], $0x1, s15, s22, $0xb8;
	[tilespmem:$0xFE80] =	vst v63  }
0x113: {  	_ =	swait.ge [sflag:s20], $0xA00  }
0x114: {  	[sflag:s20] =	ssyncset.done $0x0  }
0x115: {  	[sflag:s20] =	ssyncadd.s32 $0xFFFFF600  }
0x116: {  	s0 =	simm.s32 @!p0 $0x0;
	s1 =	simm.s32 @!p0 $0xF300;
	s3 =	rddreg [dreg:$0x1]  }
0x117: {  	[tilespmem:s1], [sflag:$0x2] =	stream.linear.gather @!p0 [hbm4b:s3+s0], $0x400, $0x38;
	[tilespmem:$0xFE80] =	vst v63  }
0x118: {  	s0 =	simm.s32 @!p0 $0x2  }
0x119: {  	_ =	swait.ge @!p0 [sflag:s0], $0x400  }
0x11a: {  	[sflag:s0] =	ssyncset.done @!p0 $0x0  }
0x11b: {  	[sflag:s0] =	ssyncadd.s32 @!p0 $0xFFFFFC00  }
0x11c: {  	s5 =	simm.s32 @!p0 $0xC800;
	s3 =	simm.s32 @!p0 $0x400;
	s10 =	rddreg [dreg:$0x4]  }
0x11d: {  	[spmem:s10] =	stream.indirect.scatter @!p0 [tilespmem:s5], [sflag:$0x2], $0x1, s1, s3, $0xb8;
	[tilespmem:$0xFE80] =	vst v63  }
0x11e: {  	_ =	swait.ge @!p0 [sflag:s0], $0x400  }
0x11f: {  	[sflag:s0] =	ssyncset.done @!p0 $0x0  }
0x120: {  	[sflag:s0] =	ssyncadd.s32 @!p0 $0xFFFFFC00  }
0x121: {  	_ =	swait.ge [sflag:s29], $0xA00  }
0x122: {  	[sflag:s29] =	ssyncset.done $0x0  }
0x123: {  	[sflag:s29] =	ssyncadd.s32 $0xFFFFF600  }
0x124: {  	_ =	swait.ge [sflag:s29], $0xA00  }
0x125: {  	[sflag:s29] =	ssyncset.done $0x0  }
0x126: {  	[sflag:s29] =	ssyncadd.s32 $0xFFFFF600  }
0x127: {  	_ =	swait.ge [sflag:s29], $0xA00  }
0x128: {  	[sflag:s29] =	ssyncset.done $0x0  }
0x129: {  	[sflag:s29] =	ssyncadd.s32 $0xFFFFF600  }
0x12a: {  	_ =	swait.ge [sflag:s29], $0xA00  }
0x12b: {  	[sflag:s29] =	ssyncset.done $0x0  }
0x12c: {  	s21 =	stileid.u32;
	[sflag:s29] =	ssyncadd.s32 $0xFFFFF600  }
0x12d: {  	s0 =	sshll.u32 s21, $0x6;
	[bflag:$0x0] =	sbarrier.arrive $0xFFFF  }
0x12e: {  	s23 =	sshrl.u32 s8, $0x3;
	s0 =	sor.u32 $0x1C02, s0;
	s25 =	rddreg [dreg:$0x8]  }
0x12f: {  	[hbm:s25], [sflag:s0] =	dma.local [spmem:s23], $0x50  }
0x130: {  	_ =	swait.ge [sflag:s20], $0x50  }
0x131: {  	[sflag:s20] =	ssyncset.done $0x0  }
0x132: {  	s26 =	sshrl.u32 s9, $0x3;
	s28 =	rddreg [dreg:$0x9];
	[sflag:s20] =	ssyncadd.s32 $0xFFFFFFB0  }
0x133: {  	[hbm:s28], [sflag:s0] =	dma.local [spmem:s26], $0x50  }
0x134: {  	_ =	swait.ge [sflag:s20], $0x50  }
0x135: {  	s30 =	sadd.s32 $0x1, s30;
	s31 =	rddreg [dreg:$0xa]  }
0x136: {  	p1 =	sne.s32 s30, s31  }
.Ltmp4:
0x137: {  	_ = 	snop;
	(pc) =	sbr.rel @p1 .LBB2_1-.Ltmp4, $3  }
0x138: {  	_ =	sdelay $0x1  }
0x139: {  	[sflag:s20] =	ssyncset.done $0x0  }
0x13a: {  	[sflag:s20] =	ssyncadd.s32 $0xFFFFFFB0  }
0x13b: {  	_ =	sfence.sel $0x180000  }
0x13c: {  	[bflag:$0x0] =	sbarrier.arrive $0xFFFF  }
0x13d: {  	_ =	strace $0x90000047  }
0x13e: {  	[bflag:$0x2] =	sbarrier.arrive $0xFFFF  }
0x13f: {  	s0 =	rddreg [dreg:$0x5]  }
0x140: {  	s0 =	sadd.s32 @!p0 $0x100000, s0  }
0x141: {  	[sflag:s0] =	ssyncadd.tile.s32 @!p0 $0x1;
	_ =	shalt  }
.Lfunc_end2:
_tile_overlayer_lowered:
.L_overlay_start_2:
0x142: {  	(tag) =	ssettag $0x2  }
0x143: {  	s0 =	rddreg [dreg:$0x0];
	s2 =	stileid.u32  }
0x144: {  	s1 =	rddreg [dreg:$0x1];
	p0 =	sne.s32 s2, $0x0  }
0x145: {  	s3 =	rddreg [dreg:$0x2];
	[bflag:$0x3] =	sbarrier.arrive $0xFFFF;
	s2 =	simm.s32 @!p0 $0x1C02  }
0x146: {  	[timem:s3], [sflag:s2] =	dma.local @!p0 [hbm:s0], s1  }
0x147: {  	s0 =	simm.s32 @!p0 $0x2  }
0x148: {  	_ =	swait.ge @!p0 [sflag:s0], s1  }
0x149: {  	s1 =	ssub.s32 @!p0 $0x0, s1;
	[sflag:s0] =	ssyncset.done @!p0 $0x0  }
0x14a: {  	[sflag:s0] =	ssyncadd.s32 @!p0 s1  }
0x14b: {  	[bflag:$0x3] =	sbarrier.arrive $0xFFFF  }
0x14c: {  	_ =	shalt  }

// kernel: kernel.9.cloned.1.call-start
scs
__scs_entry_jumppad:
0x0: {  	(pc) =	sbr.rel $0x88, $3  }
0x1: {  	(tag) =	ssettag $0x0;
	lr =	simm.s32 $0x1  }
0x2: {  	[smem:$0x3F9A] =	sst lr;
	_ =	strace $0xD0000000  }
0x3: {  	_ = 	snop  }
0x4: {  	_ = 	snop  }
0x5: {  	_ = 	snop  }
0x6: {  	_ = 	snop  }
0x7: {  	_ = 	snop  }
__scs_overlays_trampoline_lowered:
0x8: {  	[smem:$0x3FA9] =	sst s0  }
0x9: {  	[smem:$0x3FAA] =	sst s1  }
0xa: {  	[smem:$0x3FAB] =	sst s2  }
0xb: {  	[smem:$0x3FAC] =	sst s3  }
0xc: {  	[smem:$0x3FAD] =	sst s4  }
0xd: {  	[smem:$0x3FAE] =	sst s5  }
0xe: {  	[smem:$0x3FAF] =	sst s6  }
0xf: {  	[smem:$0x3FB0] =	sst s7  }
0x10: {  	[smem:$0x3FB1] =	sst s8  }
0x11: {  	[smem:$0x3FB2] =	sst s9;
	s0 =	simm.s32 @!p0 $0x0  }
0x12: {  	s1 =	sld [smem:$0x3F98];
	s0 =	simm.s32 @p0 $0x1  }
0x13: {  	[smem:$0x3FB3] =	sst s0;
	s0 =	simm.s32 @!p1 $0x0  }
0x14: {  	s2 =	sld [smem:$0x3F97];
	s0 =	simm.s32 @p1 $0x1  }
0x15: {  	[smem:$0x3FB4] =	sst s0;
	s0 =	simm.s32 @!p2 $0x0  }
0x16: {  	s3 =	sld [smem:$0x3FDB];
	s0 =	simm.s32 @p2 $0x1  }
0x17: {  	s4 =	simm.s32 $0x1BF5;
	[smem:$0x3FB6] =	sst s0  }
0x18: {  	s0 =	sld [smem:$0x3F99];
	_ =	swait.ge [sflag:s4], $0x0  }
0x19: {  	s7 =	sld [smem:$0x3F9A]  }
0x1a: {  	s8 =	sadd.s32 $0xFFFFE003, lr  }
0x1b: {  	s9 =	sadd.s32 $0xFFFFFEF7, lr;
	s5 =	simm.s32 $0xFFFFFFFF;
	p2 =	slt.u32 s8, $0xFFFFF086  }
0x1c: {  	p1 =	slt.u32 s9, $0xF7A;
	s5 =	simm.s32 @!p2 $0x0  }
0x1d: {  	s5 =	simm.s32 @p1 $0x1;
	p0 =	seq.s32 s7, s2  }
0x1e: {  	s7 =	smul.u32 @!p0 $0xF7A, s2;
	p2 =	seq.s32 @!p0 s5, $0x0  }
0x1f: {  	s9 =	smul.u32 $0xF7A, s1;
	s8 =	simm.s32 @!p0 $0x1BF5;
	p2 =	por !p2, p0  }
0x20: {  	[sflag:s8] =	ssyncset.s32 @!p0 $0xFFFFF086;
	s6 =	sadd.s32 @!p0 s3, s7;
	s7 =	simm.s32 @!p0 $0x108  }
0x21: {  	s3 =	sadd.s32 s3, s9;
	s6 =	sadd.s32 @!p0 $0x88, s6;
	s7 =	simm.s32 @p2 $0x1082  }
0x22: {  	[simem:s7], [sflag:s8] =	dma.local @!p0 [hbm:s6], $0xF7A  }
0x23: {  	s9 =	sor.u32 $0xD0000000, s2;
	s6 =	simm.s32 $0x108;
	_ =	swait.ge @!p0 [sflag:s8], $0x0  }
0x24: {  	s3 =	sadd.s32 $0x88, s3;
	s6 =	simm.s32 @!p1 $0x1082;
	[sflag:s4] =	ssyncset.s32 $0xFFFFF086  }
0x25: {  	[simem:s6], [sflag:s4] =	dma.local [hbm:s3], $0xF7A  }
0x26: {  	[smem:$0x3F9A] =	sst s1;
	(tag) =	ssettag s2;
	_ =	strace s9  }
0x27: {  	s1 =	sld [smem:$0x3FAA]  }
0x28: {  	s2 =	sld [smem:$0x3FAB]  }
0x29: {  	s4 =	sld [smem:$0x3FAD]  }
0x2a: {  	p0 =	seq.s32 s5, $0x0;
	s5 =	sld [smem:$0x3FAE]  }
0x2b: {  	s6 =	sld [smem:$0x3FAF]  }
0x2c: {  	s7 =	sld [smem:$0x3FB0]  }
0x2d: {  	s3 =	simm.s32 $0x108;
	s8 =	sld [smem:$0x3FB1]  }
0x2e: {  	s3 =	simm.s32 @!p0 $0x1082;
	s9 =	sld [smem:$0x3FB2]  }
0x2f: {  	lr =	sadd.s32 s0, s3;
	s0 =	sld [smem:$0x3FA9]  }
0x30: {  	s3 =	sld [smem:$0x3FAC]  }
0x31: {  	[smem:$0x3FB5] =	sst s10  }
0x32: {  	s10 =	sld [smem:$0x3FB3];
	_ =	sdelay $0x3  }
0x33: {  	p0 =	seq.s32 s10, $0x1;
	s10 =	sld [smem:$0x3FB5];
	_ =	sdelay $0x3  }
0x34: {  	[smem:$0x3FB5] =	sst s10  }
0x35: {  	s10 =	sld [smem:$0x3FB4];
	_ =	sdelay $0x3  }
0x36: {  	p1 =	seq.s32 s10, $0x1;
	s10 =	sld [smem:$0x3FB5];
	_ =	sdelay $0x3  }
0x37: {  	[smem:$0x3FB5] =	sst s10  }
0x38: {  	s10 =	sld [smem:$0x3FB6]  }
0x39: {  	_ = 	snop;
	(pc) =	sbr.ind lr, $3  }
0x3a: {  	_ = 	snop  }
0x3b: {  	_ = 	snop  }
0x3c: {  	p2 =	seq.s32 s10, $0x1;
	s10 =	sld [smem:$0x3FB5]  }
0x3d: {  	_ =	shalt  }
0x3e: {  	_ =	shalt  }
0x3f: {  	_ =	shalt  }
0x40: {  	_ =	shalt  }
0x41: {  	_ =	shalt  }
0x42: {  	_ =	shalt  }
0x43: {  	_ =	shalt  }
0x44: {  	_ =	shalt  }
0x45: {  	_ =	shalt  }
0x46: {  	_ =	shalt  }
0x47: {  	_ =	shalt  }
0x48: {  	_ =	shalt  }
0x49: {  	_ =	shalt  }
0x4a: {  	_ =	shalt  }
0x4b: {  	_ =	shalt  }
0x4c: {  	_ =	shalt  }
0x4d: {  	_ =	shalt  }
0x4e: {  	_ =	shalt  }
0x4f: {  	_ =	shalt  }
0x50: {  	_ =	shalt  }
0x51: {  	_ =	shalt  }
0x52: {  	_ =	shalt  }
0x53: {  	_ =	shalt  }
0x54: {  	_ =	shalt  }
0x55: {  	_ =	shalt  }
0x56: {  	_ =	shalt  }
0x57: {  	_ =	shalt  }
0x58: {  	_ =	shalt  }
0x59: {  	_ =	shalt  }
0x5a: {  	_ =	shalt  }
0x5b: {  	_ =	shalt  }
0x5c: {  	_ =	shalt  }
0x5d: {  	_ =	shalt  }
0x5e: {  	_ =	shalt  }
0x5f: {  	_ =	shalt  }
0x60: {  	_ =	shalt  }
0x61: {  	_ =	shalt  }
0x62: {  	_ =	shalt  }
0x63: {  	_ =	shalt  }
0x64: {  	_ =	shalt  }
0x65: {  	_ =	shalt  }
0x66: {  	_ =	shalt  }
0x67: {  	_ =	shalt  }
0x68: {  	_ =	shalt  }
0x69: {  	_ =	shalt  }
0x6a: {  	_ =	shalt  }
0x6b: {  	_ =	shalt  }
0x6c: {  	_ =	shalt  }
0x6d: {  	_ =	shalt  }
0x6e: {  	_ =	shalt  }
0x6f: {  	_ =	shalt  }
0x70: {  	_ =	shalt  }
0x71: {  	_ =	shalt  }
0x72: {  	_ =	shalt  }
0x73: {  	_ =	shalt  }
0x74: {  	_ =	shalt  }
0x75: {  	_ =	shalt  }
0x76: {  	_ =	shalt  }
0x77: {  	_ =	shalt  }
0x78: {  	_ =	shalt  }
0x79: {  	_ =	shalt  }
0x7a: {  	_ =	shalt  }
0x7b: {  	_ =	shalt  }
0x7c: {  	_ =	shalt  }
0x7d: {  	_ =	shalt  }
0x7e: {  	_ =	shalt  }
0x7f: {  	_ =	shalt  }
0x80: {  	_ =	shalt  }
0x81: {  	_ =	shalt  }
0x82: {  	_ =	shalt  }
0x83: {  	_ =	shalt  }
0x84: {  	_ =	shalt  }
0x85: {  	_ =	shalt  }
0x86: {  	_ =	shalt  }
0x87: {  	_ =	shalt  }
.Lfunc_end0:
.L_simem_size_0:
called_computation.1_lowered:
.L_overlay_start_0:
0x88: {  	s2 =	sld [smem:$0x3FD9]  }
0x89: {  	s3 =	sld [smem:$0x3FFE];
	_ =	sdelay $0x1  }
0x8a: {  	s1 =	srdreg.scid  }
0x8b: {  	s0 =	sand.u32 $0x1, s1  }
0x8c: {  	s16 =	sshll.u32 s0, $0xA;
	s2 =	sadd.s32 s3, s2  }
0x8d: {  	s2 =	sadd.s32 s2, s16  }
0x8e: {  	[smem:$0x3FC1] =	sst s2  }
0x8f: {  	_ = 	snop  }
0x90: {  	(tm) =	ssettm $0x1  }
0x91: {  	s17 =	sld [smem:$0x3FFB];
	_ =	sdelay $0x3  }
0x92: {  	_ =	strace s17  }
0x93: {  	s2 =	sld [smem:$0x3FFC];
	_ =	sdelay $0x3  }
0x94: {  	_ =	strace s2  }
0x95: {  	s2 =	sld [smem:$0x3FFD];
	_ =	sdelay $0x3  }
0x96: {  	_ =	strace s2  }
0x97: {  	_ =	strace $0x8FFFFFFF  }
0x98: {  	s18 =	sld [smem:$0x3FDB];
	_ =	sdelay $0x1  }
0x99: {  	s19 =	simm.s32 $_scs_section_size  }
0x9a: {  	s4 =	simm.s32 $_size__tile_overlayer_lowered;
	s5 =	simm.s32 $_tile_overlayer_lowered  }
0x9b: {  	s22 =	simm.s32 $0x1BFF;
	s21 =	sshll.u32 s5, $0x1;
	s2 =	sadd.s32 s19, s18  }
0x9c: {  	s6 =	simm.s32 $0x0;
	s20 =	sshll.u32 s4, $0x1;
	s4 =	sadd.s32 s21, s2  }
0x9d: {  	[timem:s6], [sflag:s22] =	dma.local [hbm:s4], s20  }
0x9e: {  	_ =	swait.ge [sflag:s22], s20  }
0x9f: {  	s3 =	ssub.s32 $0x0, s20;
	[sflag:s22] =	ssyncset.done $0x0  }
0xa0: {  	[sflag:s22] =	ssyncadd.s32 s3;
	_ =	sdelay $0x1  }
0xa1: {  	s23 =	simm.s32 $0x1B8B  }
0xa2: {  	_ =	swait.ge [sflag:s23], $0x1  }
0xa3: {  	[sflag:s23] =	ssyncset.done $0x0  }
0xa4: {  	s25 =	simm.s32 $0x1B8E;
	s24 =	sld [smem:$0x3FFE];
	[sflag:s23] =	ssyncadd.s32 $0xFFFFFFFF  }
0xa5: {  	s26 =	simm.s32 $execute0_lowered;
	[smem:$0x3FD2] =	sst s25  }
0xa6: {  	s4 =	sshll.u32 s26, $0x1;
	_ =	strace $0x80000049;
	[dreg:$0x1] =	wrdreg $0xFFFFFFFF  }
0xa7: {  	s28 =	simm.s32 $_size_execute0_lowered;
	s2 =	sadd.s32 s2, s4;
	[dreg:$0x0] =	wrdreg $0x0  }
0xa8: {  	s4 =	sshll.u32 s28, $0x1;
	[dreg:$0x2] =	wrdreg s2  }
0xa9: {  	[dreg:$0x3] =	wrdreg s4  }
0xaa: {  	[dreg:$0x4] =	wrdreg $0xC0  }
0xab: {  	_ =	task [dreg:s6], $0x5FFFF  }
0xac: {  	[dreg:$0x1] =	wrdreg $0xFFFFFFFF  }
0xad: {  	[dreg:$0x0] =	wrdreg $0x60  }
0xae: {  	[dreg:$0x2] =	wrdreg s24  }
0xaf: {  	[dreg:$0x3] =	wrdreg $0x130000  }
0xb0: {  	[dreg:$0x4] =	wrdreg $0x9  }
0xb1: {  	_ =	task.clear_ibuf [dreg:s6], $0x5FFFF;
	_ =	strace $0x90000049  }
0xb2: {  	s29 =	simm.s32 $0x9;
	_ =	strace $0x8000004B  }
0xb3: {  	_ =	swait.ge [sflag:s29], $0x1  }
0xb4: {  	[sflag:s29] =	ssyncadd.s32 $0xFFFFFFFF  }
0xb5: {  	_ =	strace $0x9000004B  }
0xb6: {  	_ =	sfence  }
0xb7: {  	s30 =	sld [smem:$0x0];
	_ =	sdelay $0x2  }
0xb8: {  	s31 =	sshll.u32 s1, $0xD;
	s1 =	sshrl.u32 s1, $0x2  }
0xb9: {  	s3 =	sand.u32 $0x4000, s31;
	s1 =	sadd.s32 s1, s30  }
0xba: {  	s0 =	sor.u32 s3, s0;
	s1 =	sshll.u32 s1, $0x11  }
0xbb: {  	s0 =	sor.u32 s1, s0  }
0xbc: {  	s0 =	sadd.s32 $0x8F2B, s0  }
0xbd: {  	[sflag:s0] =	ssyncadd.remote.s32 $0x1  }
0xbe: {  	_ =	sfence.sel $0xFFFF  }
0xbf: {  	[dreg:$0x0] =	wrdreg $0xFFFFFFFF;
	(pc) =	sbr.abs _section_cstart, $3  }
0xc0: {  	[dreg:$0x1] =	wrdreg $0xFFFFFFFF  }
0xc1: {  	_ =	task.clear_ibuf [dreg:s6], $0x2FFFF;
	_ =	strace $0x9FFFFFFF  }
0xc2: {  	(tm) =	ssettm $0x7FFFFFFF  }
0xc3: {  	_ =	shalt  }
tec
execute0_lowered:
.L_overlay_start_1:
0x0: {  	(tag) =	ssettag $0x1  }
0x1: {  	s6 =	rddreg [dreg:$0x0]  }
0x2: {  	s2 =	rddreg [dreg:$0x1]  }
0x3: {  	s1 =	stileid.u32;
	s4 =	srdreg.scid;
	s3 =	simm.s32 $0x0  }
0x4: {  	s18 =	simm.s32 $0x1;
	s19 =	simm.s32 $0x2800;
	s20 =	simm.s32 $0x5000  }
0x5: {  	s21 =	simm.s32 $0x7800;
	s22 =	simm.s32 $0x800;
	s23 =	simm.s32 $0xA000  }
0x6: {  	s25 =	simm.s32 $0xA800;
	s26 =	simm.s32 $0x0;
	s7 =	smul.u32 $0x2780, s1  }
0x7: {  	s5 =	smul.u32 $0x4E2, s1;
	s24 =	sand.u32 $0x1, s4;
	[smem:$0x7FF] =	sst s3  }
0x8: {  	s4 =	sadd.s32 $0xC800, s6;
	s31 =	sshll.u32 s1, $0x6;
	s14 =	smul.u32 $0x2800, s1  }
0x9: {  	s8 =	smul.u32 $0x27800, s24;
	_ =	strace $0x8000004A;
	s11 =	ssub.s32 $0x2, s24  }
0xa: {  	s30 =	smul.u32 $0x28000, s24;
	v0 =	vmov s24;
	s24 =	simm.s32 $0xB000;
	s29 =	sshrl.u32 s7, $0x3  }
0xb: {  	s9 =	sadd.s32 s5, s6;
	s5 =	sadd.s32 $0xC20200, s6;
	s12 =	sshrl.u32 s11, $0x1  }
0xc: {  	s17 =	sadd.s32 s7, s2;
	s10 =	sadd.s32 s29, s6;
	s8 =	sadd.s32 s7, s8  }
0xd: {  	s12 =	ssub.s32 s11, s12;
	s7 =	sor.u32 $0x1C01, s31;
	s11 =	sadd.s32 s14, s30  }
0xe: {  	s17 =	sshrl.u32 s17, $0x3;
	s8 =	sshrl.u32 s8, $0x3;
	s12 =	smax.u32 s12, $0x1  }
0xf: {  	s14 =	sadd.s32 $0x1000, s11;
	s15 =	sadd.s32 $0x1800, s11;
	s16 =	sadd.s32 $0x2000, s11  }
0x10: {  	s13 =	sadd.s32 s8, s6;
	s6 =	sadd.s32 $0xC25200, s10;
	s8 =	sadd.s32 $0x6400, s9  }
0x11: {  	v1 =	vimm.s32 $0x2710;
	v2 =	vlaneseq.u32;
	s9 =	sadd.s32 $0x1400, s9;
	s10 =	sadd.s32 $0xC2A200, s13;
	s13 =	sadd.s32 $0x800, s11  }
.LBB2_1:
0x12: {  	[spmem:s17], [sflag:s7] =	dma.local [hbm:s6], $0x4F0  }
0x13: {  	_ =	swait.ge [sflag:s18], $0x4F0  }
0x14: {  	[sflag:s18] =	ssyncset.done $0x0  }
0x15: {  	[sflag:s18] =	ssyncadd.s32 $0xFFFFFB10  }
0x16: {  	[tilespmem:s3], [sflag:$0x1] =	stream.linear.gather [hbm4b:s8+s3], $0x2710, $0x38;
	[tilespmem:$0x15780] =	vst v63  }
0x17: {  	_ =	swait.ge [sflag:s18], $0x2710  }
0x18: {  	[sflag:s18] =	ssyncset.done $0x0  }
0x19: {  	[sflag:s18] =	ssyncadd.s32 $0xFFFFD8F0  }
0x1a: {  	[tilespmem:s19], [sflag:$0x1] =	stream.linear.gather [hbm4b:s9+s3], $0x2710, $0x38;
	[tilespmem:$0x15780] =	vst v63  }
0x1b: {  	_ =	swait.ge [sflag:s18], $0x2710  }
0x1c: {  	[sflag:s18] =	ssyncset.done $0x0  }
0x1d: {  	[sflag:s18] =	ssyncadd.s32 $0xFFFFD8F0  }
0x1e: {  	[tilespmem:$0x2710] =	vst v1  }
0x1f: {  	[tilespmem:$0x4F10] =	vst v1  }
0x20: {  	[tilespmem:$0x2720] =	vst v1  }
0x21: {  	[tilespmem:$0x4F20] =	vst v1  }
0x22: {  	[tilespmem:$0x2730] =	vst v1  }
0x23: {  	[tilespmem:$0x4F30] =	vst v1  }
0x24: {  	[tilespmem:$0x2740] =	vst v1  }
0x25: {  	[tilespmem:$0x4F40] =	vst v1  }
0x26: {  	[tilespmem:$0x2750] =	vst v1  }
0x27: {  	[tilespmem:$0x4F50] =	vst v1  }
0x28: {  	[tilespmem:$0x2760] =	vst v1  }
0x29: {  	[tilespmem:$0x4F60] =	vst v1  }
0x2a: {  	[tilespmem:$0x2770] =	vst v1  }
0x2b: {  	[tilespmem:$0x4F70] =	vst v1  }
0x2c: {  	[tilespmem:$0x2780] =	vst v1  }
0x2d: {  	[tilespmem:$0x4F80] =	vst v1  }
0x2e: {  	[tilespmem:$0x2790] =	vst v1  }
0x2f: {  	[tilespmem:$0x4F90] =	vst v1  }
0x30: {  	[tilespmem:$0x27A0] =	vst v1  }
0x31: {  	[tilespmem:$0x4FA0] =	vst v1  }
0x32: {  	[tilespmem:$0x27B0] =	vst v1  }
0x33: {  	[tilespmem:$0x4FB0] =	vst v1  }
0x34: {  	[tilespmem:$0x27C0] =	vst v1  }
0x35: {  	[tilespmem:$0x4FC0] =	vst v1  }
0x36: {  	[tilespmem:$0x27D0] =	vst v1  }
0x37: {  	[tilespmem:$0x4FD0] =	vst v1  }
0x38: {  	[tilespmem:$0x27E0] =	vst v1  }
0x39: {  	[tilespmem:$0x4FE0] =	vst v1  }
0x3a: {  	[tilespmem:$0x27F0] =	vst v1  }
0x3b: {  	s28 =	simm.s32 $0x0;
	[tilespmem:$0x4FF0] =	vst v1  }
0x3c: {  	v3 =	vld [tilespmem:s28+$0x0]  }
0x3d: {  	v4 =	vld [tilespmem:s28+$0x2800];
	_ =	sdelay $0x4  }
0x3e: {  	v5 =	vsub.s32 v4, v3  }
0x3f: {  	s29 =	simm.s32 $0x10;
	v6 =	vmul.u32 v0, v5  }
0x40: {  	v5 =	vld [tilespmem:s29+$0x0]  }
0x41: {  	v7 =	vsub.s32 v3, v4;
	v6 =	vadd.s32 v3, v6;
	v3 =	vld [tilespmem:s29+$0x2800];
	_ =	sdelay $0x1  }
0x42: {  	v7 =	vmul.u32 v0, v7  }
0x43: {  	s30 =	simm.s32 $0x80;
	v6 =	vmul.u32 $0x2710, v6  }
.LBB2_2:
0x44: {  	s31 =	sshra.s32 s30, $0x2;
	v9 =	vadd.s32 v4, v7;
	v7 =	vmov v5;
	p0 =	sne.s32 s30, $0x9FC0  }
.Ltmp0:
0x45: {  	s30 =	sadd.s32 $0x40, s30;
	v5 =	vld [tilespmem:s31+$0x0];
	v8 =	vsub.s32 v3, v7;
	v6 =	vadd.s32 v6, v9;
	v4 =	vmov v3;
	(pc) =	sbr.rel @p0 .LBB2_2-.Ltmp0, $4  }
0x46: {  	v3 =	vld [tilespmem:s31+$0x2800];
	v8 =	vmul.u32 v0, v8;
	[tilespmem:s28+$0x5000] =	vst v6;
	s28 =	smov.u32 s29;
	s29 =	smov.u32 s31  }
0x47: {  	v6 =	vsub.s32 v7, v4  }
0x48: {  	v8 =	vadd.s32 v7, v8;
	v7 =	vmul.u32 v0, v6  }
0x49: {  	v6 =	vmul.u32 $0x2710, v8  }
0x4a: {  	_ = 	snop  }
0x4b: {  	v8 =	vsub.s32 v3, v5  }
0x4c: {  	v8 =	vmul.u32 v0, v8  }
0x4d: {  	v9 =	vsub.s32 v5, v3  }
0x4e: {  	v5 =	vadd.s32 v5, v8;
	v8 =	vmul.u32 v0, v9  }
0x4f: {  	v4 =	vadd.s32 v4, v7;
	v5 =	vmul.u32 $0x2710, v5  }
0x50: {  	v4 =	vadd.s32 v6, v4;
	v3 =	vadd.s32 v3, v8  }
0x51: {  	[tilespmem:s28+$0x5000] =	vst v4;
	v3 =	vadd.s32 v5, v3  }
0x52: {  	[tilespmem:s29+$0x5000] =	vst v3  }
0x53: {  	[tilespmem:s21], [sflag:$0x1] =	stream.indirect.gather [hbm4b:s4+s19], $0x1, s20, s19, $0xb8;
	[tilespmem:$0x15780] =	vst v63  }
0x54: {  	_ =	swait.ge [sflag:s18], $0x2800  }
0x55: {  	[sflag:s18] =	ssyncset.done $0x0  }
0x56: {  	[sflag:s18] =	ssyncadd.s32 $0xFFFFD800  }
0x57: {  	s29 =	simm.s32 $0x0;
	[bflag:$0x0] =	sbarrier.arrive $0xFFFF  }
0x58: {  	v5 =	vld [tilespmem:s29+$0x0]  }
0x59: {  	v6 =	vld [tilespmem:s29+$0x2800];
	_ =	sdelay $0x3  }
0x5a: {  	v7 =	vld [tilespmem:s29+$0x7800]  }
0x5b: {  	s28 =	simm.s32 $0x10;
	v4 =	vsub.s32 v5, v6  }
0x5c: {  	v3 =	vsub.s32 v6, v5;
	v63 =	vmul.u32 v0, v4;
	v4 =	vld [tilespmem:s28+$0x0]  }
0x5d: {  	v8 =	vmul.u32 v0, v3;
	v3 =	vld [tilespmem:s28+$0x2800]  }
0x5e: {  	v10 =	vor.u32 s11, v2  }
0x5f: {  	vm0 =	veq.s32 v7, v10;
	v8 =	vadd.s32 v5, v8;
	v6 =	vadd.s32 v6, v63  }
0x60: {  	s31 =	simm.s32 $0x80;
	s30 =	smov.u32 s11;
	v5 =	vld [tilespmem:s28+$0x7800];
	v6 =	vnsel vm0, $0x2710, v6;
	v7 =	vnsel vm0, $0x2710, v8  }
.LBB2_4:
0x61: {  	s0 =	sshra.s32 s31, $0x2;
	[tilespmem:s29+$0xA800] =	vst v7;
	v7 =	vmov v4;
	p0 =	sne.s32 s31, $0x1FC0  }
.Ltmp1:
0x62: {  	s31 =	sadd.s32 $0x40, s31;
	v4 =	vld [tilespmem:s0+$0x0];
	v8 =	vsub.s32 v3, v7;
	v9 =	vsub.s32 v7, v3;
	[tilespmem:s29+$0xA000] =	vst v6;
	v6 =	vmov v3;
	(pc) =	sbr.rel @p0 .LBB2_4-.Ltmp1, $4  }
0x63: {  	s30 =	sadd.s32 $0x10, s30;
	s29 =	smov.u32 s28;
	s28 =	smov.u32 s0;
	v3 =	vld [tilespmem:s0+$0x2800];
	v8 =	vmul.u32 v0, v8;
	v9 =	vmul.u32 v0, v9  }
0x64: {  	v10 =	vor.u32 s30, v2  }
0x65: {  	v7 =	vadd.s32 v7, v8;
	v6 =	vadd.s32 v6, v9;
	vm0 =	veq.s32 v5, v10  }
0x66: {  	v5 =	vld [tilespmem:s28+$0x7800];
	v6 =	vnsel vm0, $0x2710, v6;
	v7 =	vnsel vm0, $0x2710, v7  }
0x67: {  	_ = 	snop  }
0x68: {  	v8 =	vsub.s32 v3, v4  }
0x69: {  	s0 =	sadd.s32 $0x10, s30;
	v9 =	vsub.s32 v4, v3;
	v8 =	vmul.u32 v0, v8  }
0x6a: {  	v10 =	vor.u32 s0, v2;
	v9 =	vmul.u32 v0, v9  }
0x6b: {  	[tilespmem:s29+$0xA800] =	vst v7;
	v4 =	vadd.s32 v4, v8;
	vm0 =	veq.s32 v5, v10  }
0x6c: {  	[tilespmem:s29+$0xA000] =	vst v6;
	v3 =	vadd.s32 v3, v9;
	v4 =	vnsel vm0, $0x2710, v4  }
0x6d: {  	v3 =	vnsel vm0, $0x2710, v3;
	[tilespmem:s28+$0xA800] =	vst v4  }
0x6e: {  	[tilespmem:s28+$0xA000] =	vst v3  }
0x6f: {  	[tilespmem:s24], [sflag:$0x1] =	stream.indirect.gather [hbm4b:s5+s22], $0x10, s23, s22, $0xb8;
	[tilespmem:$0x15780] =	vst v63  }
0x70: {  	_ =	swait.ge [sflag:s18], $0x8000  }
0x71: {  	[sflag:s18] =	ssyncset.done $0x0  }
0x72: {  	[sflag:s18] =	ssyncadd.s32 $0xFFFF8000  }
0x73: {  	[spmem:s2] =	stream.indirect.scatter.add.f32 [tilespmem:s24], [sflag:$0x1], $0x10, s25, s22, $0xb8;
	[tilespmem:$0x15780] =	vst v63  }
0x74: {  	_ =	swait.ge [sflag:s18], $0x8000  }
0x75: {  	[sflag:s18] =	ssyncset.done $0x0  }
0x76: {  	s29 =	simm.s32 $0x0;
	[sflag:s18] =	ssyncadd.s32 $0xFFFF8000  }
0x77: {  	v5 =	vld [tilespmem:s29+$0x800]  }
0x78: {  	v6 =	vld [tilespmem:s29+$0x3000];
	_ =	sdelay $0x3  }
0x79: {  	v7 =	vld [tilespmem:s29+$0x8000]  }
0x7a: {  	s28 =	simm.s32 $0x10;
	v4 =	vsub.s32 v5, v6  }
0x7b: {  	v3 =	vsub.s32 v6, v5;
	v62 =	vmul.u32 v0, v4;
	v4 =	vld [tilespmem:s28+$0x800]  }
0x7c: {  	v8 =	vmul.u32 v0, v3;
	v3 =	vld [tilespmem:s28+$0x3000]  }
0x7d: {  	v63 =	vor.u32 s13, v2  }
0x7e: {  	vm15 =	veq.s32 v7, v63;
	v8 =	vadd.s32 v5, v8;
	v6 =	vadd.s32 v6, v62  }
0x7f: {  	s31 =	simm.s32 $0x80;
	s30 =	smov.u32 s13;
	v5 =	vld [tilespmem:s28+$0x8000];
	v6 =	vnsel vm15, $0x2710, v6;
	v7 =	vnsel vm15, $0x2710, v8  }
.LBB2_6:
0x80: {  	s0 =	sshra.s32 s31, $0x2;
	[tilespmem:s29+$0xA800] =	vst v7;
	v7 =	vmov v4;
	p0 =	sne.s32 s31, $0x1FC0  }
.Ltmp2:
0x81: {  	s31 =	sadd.s32 $0x40, s31;
	v4 =	vld [tilespmem:s0+$0x800];
	v8 =	vsub.s32 v3, v7;
	v9 =	vsub.s32 v7, v3;
	[tilespmem:s29+$0xA000] =	vst v6;
	v6 =	vmov v3;
	(pc) =	sbr.rel @p0 .LBB2_6-.Ltmp2, $4  }
0x82: {  	s30 =	sadd.s32 $0x10, s30;
	s29 =	smov.u32 s28;
	s28 =	smov.u32 s0;
	v3 =	vld [tilespmem:s0+$0x3000];
	v8 =	vmul.u32 v0, v8;
	v9 =	vmul.u32 v0, v9  }
0x83: {  	v10 =	vor.u32 s30, v2  }
0x84: {  	v7 =	vadd.s32 v7, v8;
	v6 =	vadd.s32 v6, v9;
	vm0 =	veq.s32 v5, v10  }
0x85: {  	v5 =	vld [tilespmem:s28+$0x8000];
	v6 =	vnsel vm0, $0x2710, v6;
	v7 =	vnsel vm0, $0x2710, v7  }
0x86: {  	_ = 	snop  }
0x87: {  	v8 =	vsub.s32 v3, v4  }
0x88: {  	s0 =	sadd.s32 $0x10, s30;
	v9 =	vsub.s32 v4, v3;
	v8 =	vmul.u32 v0, v8  }
0x89: {  	v10 =	vor.u32 s0, v2;
	v9 =	vmul.u32 v0, v9  }
0x8a: {  	[tilespmem:s29+$0xA800] =	vst v7;
	v4 =	vadd.s32 v4, v8;
	vm0 =	veq.s32 v5, v10  }
0x8b: {  	[tilespmem:s29+$0xA000] =	vst v6;
	v3 =	vadd.s32 v3, v9;
	v4 =	vnsel vm0, $0x2710, v4  }
0x8c: {  	v3 =	vnsel vm0, $0x2710, v3;
	[tilespmem:s28+$0xA800] =	vst v4  }
0x8d: {  	[tilespmem:s28+$0xA000] =	vst v3  }
0x8e: {  	[tilespmem:s24], [sflag:$0x1] =	stream.indirect.gather [hbm4b:s5+s22], $0x10, s23, s22, $0xb8;
	[tilespmem:$0x15780] =	vst v63  }
0x8f: {  	_ =	swait.ge [sflag:s18], $0x8000  }
0x90: {  	[sflag:s18] =	ssyncset.done $0x0  }
0x91: {  	[sflag:s18] =	ssyncadd.s32 $0xFFFF8000  }
0x92: {  	[spmem:s2] =	stream.indirect.scatter.add.f32 [tilespmem:s24], [sflag:$0x1], $0x10, s25, s22, $0xb8;
	[tilespmem:$0x15780] =	vst v63  }
0x93: {  	_ =	swait.ge [sflag:s18], $0x8000  }
0x94: {  	[sflag:s18] =	ssyncset.done $0x0  }
0x95: {  	s29 =	simm.s32 $0x0;
	[sflag:s18] =	ssyncadd.s32 $0xFFFF8000  }
0x96: {  	v5 =	vld [tilespmem:s29+$0x1000]  }
0x97: {  	v6 =	vld [tilespmem:s29+$0x3800];
	_ =	sdelay $0x3  }
0x98: {  	v7 =	vld [tilespmem:s29+$0x8800]  }
0x99: {  	s28 =	simm.s32 $0x10;
	v4 =	vsub.s32 v5, v6  }
0x9a: {  	v3 =	vsub.s32 v6, v5;
	v62 =	vmul.u32 v0, v4;
	v4 =	vld [tilespmem:s28+$0x1000]  }
0x9b: {  	v8 =	vmul.u32 v0, v3;
	v3 =	vld [tilespmem:s28+$0x3800]  }
0x9c: {  	v63 =	vor.u32 s14, v2  }
0x9d: {  	vm15 =	veq.s32 v7, v63;
	v8 =	vadd.s32 v5, v8;
	v6 =	vadd.s32 v6, v62  }
0x9e: {  	s31 =	simm.s32 $0x80;
	s30 =	smov.u32 s14;
	v5 =	vld [tilespmem:s28+$0x8800];
	v6 =	vnsel vm15, $0x2710, v6;
	v7 =	vnsel vm15, $0x2710, v8  }
.LBB2_8:
0x9f: {  	s0 =	sshra.s32 s31, $0x2;
	[tilespmem:s29+$0xA800] =	vst v7;
	v7 =	vmov v4;
	p0 =	sne.s32 s31, $0x1FC0  }
.Ltmp3:
0xa0: {  	s31 =	sadd.s32 $0x40, s31;
	v4 =	vld [tilespmem:s0+$0x1000];
	v8 =	vsub.s32 v3, v7;
	v9 =	vsub.s32 v7, v3;
	[tilespmem:s29+$0xA000] =	vst v6;
	v6 =	vmov v3;
	(pc) =	sbr.rel @p0 .LBB2_8-.Ltmp3, $4  }
0xa1: {  	s30 =	sadd.s32 $0x10, s30;
	s29 =	smov.u32 s28;
	s28 =	smov.u32 s0;
	v3 =	vld [tilespmem:s0+$0x3800];
	v8 =	vmul.u32 v0, v8;
	v9 =	vmul.u32 v0, v9  }
0xa2: {  	v10 =	vor.u32 s30, v2  }
0xa3: {  	v7 =	vadd.s32 v7, v8;
	v6 =	vadd.s32 v6, v9;
	vm0 =	veq.s32 v5, v10  }
0xa4: {  	v5 =	vld [tilespmem:s28+$0x8800];
	v6 =	vnsel vm0, $0x2710, v6;
	v7 =	vnsel vm0, $0x2710, v7  }
0xa5: {  	_ = 	snop  }
0xa6: {  	v8 =	vsub.s32 v3, v4  }
0xa7: {  	s0 =	sadd.s32 $0x10, s30;
	v9 =	vsub.s32 v4, v3;
	v8 =	vmul.u32 v0, v8  }
0xa8: {  	v10 =	vor.u32 s0, v2;
	v9 =	vmul.u32 v0, v9  }
0xa9: {  	[tilespmem:s29+$0xA800] =	vst v7;
	v4 =	vadd.s32 v4, v8;
	vm0 =	veq.s32 v5, v10  }
0xaa: {  	[tilespmem:s29+$0xA000] =	vst v6;
	v3 =	vadd.s32 v3, v9;
	v4 =	vnsel vm0, $0x2710, v4  }
0xab: {  	v3 =	vnsel vm0, $0x2710, v3;
	[tilespmem:s28+$0xA800] =	vst v4  }
0xac: {  	[tilespmem:s28+$0xA000] =	vst v3  }
0xad: {  	[tilespmem:s24], [sflag:$0x1] =	stream.indirect.gather [hbm4b:s5+s22], $0x10, s23, s22, $0xb8;
	[tilespmem:$0x15780] =	vst v63  }
0xae: {  	_ =	swait.ge [sflag:s18], $0x8000  }
0xaf: {  	[sflag:s18] =	ssyncset.done $0x0  }
0xb0: {  	[sflag:s18] =	ssyncadd.s32 $0xFFFF8000  }
0xb1: {  	[spmem:s2] =	stream.indirect.scatter.add.f32 [tilespmem:s24], [sflag:$0x1], $0x10, s25, s22, $0xb8;
	[tilespmem:$0x15780] =	vst v63  }
0xb2: {  	_ =	swait.ge [sflag:s18], $0x8000  }
0xb3: {  	[sflag:s18] =	ssyncset.done $0x0  }
0xb4: {  	s29 =	simm.s32 $0x0;
	[sflag:s18] =	ssyncadd.s32 $0xFFFF8000  }
0xb5: {  	v5 =	vld [tilespmem:s29+$0x1800]  }
0xb6: {  	v6 =	vld [tilespmem:s29+$0x4000];
	_ =	sdelay $0x3  }
0xb7: {  	v7 =	vld [tilespmem:s29+$0x9000]  }
0xb8: {  	s28 =	simm.s32 $0x10;
	v4 =	vsub.s32 v5, v6  }
0xb9: {  	v3 =	vsub.s32 v6, v5;
	v62 =	vmul.u32 v0, v4;
	v4 =	vld [tilespmem:s28+$0x1800]  }
0xba: {  	v8 =	vmul.u32 v0, v3;
	v3 =	vld [tilespmem:s28+$0x4000]  }
0xbb: {  	v63 =	vor.u32 s15, v2  }
0xbc: {  	vm15 =	veq.s32 v7, v63;
	v8 =	vadd.s32 v5, v8;
	v6 =	vadd.s32 v6, v62  }
0xbd: {  	s31 =	simm.s32 $0x80;
	s30 =	smov.u32 s15;
	v5 =	vld [tilespmem:s28+$0x9000];
	v6 =	vnsel vm15, $0x2710, v6;
	v7 =	vnsel vm15, $0x2710, v8  }
.LBB2_10:
0xbe: {  	s0 =	sshra.s32 s31, $0x2;
	[tilespmem:s29+$0xA800] =	vst v7;
	v7 =	vmov v4;
	p0 =	sne.s32 s31, $0x1FC0  }
.Ltmp4:
0xbf: {  	s31 =	sadd.s32 $0x40, s31;
	v4 =	vld [tilespmem:s0+$0x1800];
	v8 =	vsub.s32 v3, v7;
	v9 =	vsub.s32 v7, v3;
	[tilespmem:s29+$0xA000] =	vst v6;
	v6 =	vmov v3;
	(pc) =	sbr.rel @p0 .LBB2_10-.Ltmp4, $4  }
0xc0: {  	s30 =	sadd.s32 $0x10, s30;
	s29 =	smov.u32 s28;
	s28 =	smov.u32 s0;
	v3 =	vld [tilespmem:s0+$0x4000];
	v8 =	vmul.u32 v0, v8;
	v9 =	vmul.u32 v0, v9  }
0xc1: {  	v10 =	vor.u32 s30, v2  }
0xc2: {  	v7 =	vadd.s32 v7, v8;
	v6 =	vadd.s32 v6, v9;
	vm0 =	veq.s32 v5, v10  }
0xc3: {  	v5 =	vld [tilespmem:s28+$0x9000];
	v6 =	vnsel vm0, $0x2710, v6;
	v7 =	vnsel vm0, $0x2710, v7  }
0xc4: {  	_ = 	snop  }
0xc5: {  	v8 =	vsub.s32 v3, v4  }
0xc6: {  	s0 =	sadd.s32 $0x10, s30;
	v9 =	vsub.s32 v4, v3;
	v8 =	vmul.u32 v0, v8  }
0xc7: {  	v10 =	vor.u32 s0, v2;
	v9 =	vmul.u32 v0, v9  }
0xc8: {  	[tilespmem:s29+$0xA800] =	vst v7;
	v4 =	vadd.s32 v4, v8;
	vm0 =	veq.s32 v5, v10  }
0xc9: {  	[tilespmem:s29+$0xA000] =	vst v6;
	v3 =	vadd.s32 v3, v9;
	v4 =	vnsel vm0, $0x2710, v4  }
0xca: {  	v3 =	vnsel vm0, $0x2710, v3;
	[tilespmem:s28+$0xA800] =	vst v4  }
0xcb: {  	[tilespmem:s28+$0xA000] =	vst v3  }
0xcc: {  	[tilespmem:s24], [sflag:$0x1] =	stream.indirect.gather [hbm4b:s5+s22], $0x10, s23, s22, $0xb8;
	[tilespmem:$0x15780] =	vst v63  }
0xcd: {  	_ =	swait.ge [sflag:s18], $0x8000  }
0xce: {  	[sflag:s18] =	ssyncset.done $0x0  }
0xcf: {  	[sflag:s18] =	ssyncadd.s32 $0xFFFF8000  }
0xd0: {  	[spmem:s2] =	stream.indirect.scatter.add.f32 [tilespmem:s24], [sflag:$0x1], $0x10, s25, s22, $0xb8;
	[tilespmem:$0x15780] =	vst v63  }
0xd1: {  	_ =	swait.ge [sflag:s18], $0x8000  }
0xd2: {  	[sflag:s18] =	ssyncset.done $0x0  }
0xd3: {  	s29 =	simm.s32 $0x0;
	[sflag:s18] =	ssyncadd.s32 $0xFFFF8000  }
0xd4: {  	v5 =	vld [tilespmem:s29+$0x2000]  }
0xd5: {  	v6 =	vld [tilespmem:s29+$0x4800];
	_ =	sdelay $0x3  }
0xd6: {  	v7 =	vld [tilespmem:s29+$0x9800]  }
0xd7: {  	s28 =	simm.s32 $0x10;
	v4 =	vsub.s32 v5, v6  }
0xd8: {  	v3 =	vsub.s32 v6, v5;
	v62 =	vmul.u32 v0, v4;
	v4 =	vld [tilespmem:s28+$0x2000]  }
0xd9: {  	v8 =	vmul.u32 v0, v3;
	v3 =	vld [tilespmem:s28+$0x4800]  }
0xda: {  	v63 =	vor.u32 s16, v2  }
0xdb: {  	vm15 =	veq.s32 v7, v63;
	v8 =	vadd.s32 v5, v8;
	v6 =	vadd.s32 v6, v62  }
0xdc: {  	s31 =	simm.s32 $0x80;
	s30 =	smov.u32 s16;
	v5 =	vld [tilespmem:s28+$0x9800];
	v6 =	vnsel vm15, $0x2710, v6;
	v7 =	vnsel vm15, $0x2710, v8  }
.LBB2_12:
0xdd: {  	s0 =	sshra.s32 s31, $0x2;
	[tilespmem:s29+$0xA800] =	vst v7;
	v7 =	vmov v4;
	p0 =	sne.s32 s31, $0x1FC0  }
.Ltmp5:
0xde: {  	s31 =	sadd.s32 $0x40, s31;
	v4 =	vld [tilespmem:s0+$0x2000];
	v8 =	vsub.s32 v3, v7;
	v9 =	vsub.s32 v7, v3;
	[tilespmem:s29+$0xA000] =	vst v6;
	v6 =	vmov v3;
	(pc) =	sbr.rel @p0 .LBB2_12-.Ltmp5, $4  }
0xdf: {  	s30 =	sadd.s32 $0x10, s30;
	s29 =	smov.u32 s28;
	s28 =	smov.u32 s0;
	v3 =	vld [tilespmem:s0+$0x4800];
	v8 =	vmul.u32 v0, v8;
	v9 =	vmul.u32 v0, v9  }
0xe0: {  	v10 =	vor.u32 s30, v2  }
0xe1: {  	v7 =	vadd.s32 v7, v8;
	v6 =	vadd.s32 v6, v9;
	vm0 =	veq.s32 v5, v10  }
0xe2: {  	v5 =	vld [tilespmem:s28+$0x9800];
	v6 =	vnsel vm0, $0x2710, v6;
	v7 =	vnsel vm0, $0x2710, v7  }
0xe3: {  	_ = 	snop  }
0xe4: {  	v8 =	vsub.s32 v3, v4  }
0xe5: {  	s0 =	sadd.s32 $0x10, s30;
	v9 =	vsub.s32 v4, v3;
	v8 =	vmul.u32 v0, v8  }
0xe6: {  	v10 =	vor.u32 s0, v2;
	v9 =	vmul.u32 v0, v9  }
0xe7: {  	[tilespmem:s29+$0xA800] =	vst v7;
	v63 =	vadd.s32 v4, v8;
	vm0 =	veq.s32 v5, v10  }
0xe8: {  	[tilespmem:s29+$0xA000] =	vst v6;
	v3 =	vadd.s32 v3, v9;
	v4 =	vnsel vm0, $0x2710, v63  }
0xe9: {  	v3 =	vnsel vm0, $0x2710, v3;
	[tilespmem:s28+$0xA800] =	vst v4  }
0xea: {  	[tilespmem:s28+$0xA000] =	vst v3  }
0xeb: {  	[tilespmem:s24], [sflag:$0x1] =	stream.indirect.gather [hbm4b:s5+s22], $0x10, s23, s22, $0xb8;
	[tilespmem:$0x15780] =	vst v63  }
0xec: {  	_ =	swait.ge [sflag:s18], $0x8000  }
0xed: {  	[sflag:s18] =	ssyncset.done $0x0  }
0xee: {  	[sflag:s18] =	ssyncadd.s32 $0xFFFF8000  }
0xef: {  	[spmem:s2] =	stream.indirect.scatter.add.f32 [tilespmem:s24], [sflag:$0x1], $0x10, s25, s22, $0xb8;
	[tilespmem:$0x15780] =	vst v63  }
0xf0: {  	_ =	swait.ge [sflag:s18], $0x8000  }
0xf1: {  	s26 =	sadd.s32 $0x1, s26;
	[sflag:s18] =	ssyncset.done $0x0  }
0xf2: {  	p0 =	sne.s32 s26, s12;
	[sflag:s18] =	ssyncadd.s32 $0xFFFF8000  }
.Ltmp6:
0xf3: {  	[bflag:$0x0] =	sbarrier.arrive $0xFFFF;
	(pc) =	sbr.rel @p0 .LBB2_1-.Ltmp6, $4  }
0xf4: {  	[hbm:s10], [sflag:s7] =	dma.local [spmem:s17], $0x4F0  }
0xf5: {  	_ =	swait.ge [sflag:s18], $0x4F0  }
0xf6: {  	[sflag:s18] =	ssyncset.done $0x0  }
0xf7: {  	[sflag:s18] =	ssyncadd.s32 $0xFFFFFB10  }
0xf8: {  	_ =	sfence.sel $0x180000  }
0xf9: {  	[bflag:$0x0] =	sbarrier.arrive $0xFFFF  }
0xfa: {  	_ =	strace $0x9000004A  }
0xfb: {  	[bflag:$0x2] =	sbarrier.arrive $0xFFFF  }
0xfc: {  	p0 =	sne.s32 s1, $0x0;
	s0 =	rddreg [dreg:$0x2]  }
0xfd: {  	s0 =	sadd.s32 @!p0 $0x100000, s0  }
0xfe: {  	[sflag:s0] =	ssyncadd.tile.s32 @!p0 $0x1;
	_ =	shalt  }
.Lfunc_end2:
_tile_overlayer_lowered:
.L_overlay_start_2:
0xff: {  	(tag) =	ssettag $0x2  }
0x100: {  	s0 =	rddreg [dreg:$0x0];
	s2 =	stileid.u32  }
0x101: {  	s1 =	rddreg [dreg:$0x1];
	p0 =	sne.s32 s2, $0x0  }
0x102: {  	s3 =	rddreg [dreg:$0x2];
	[bflag:$0x3] =	sbarrier.arrive $0xFFFF;
	s2 =	simm.s32 @!p0 $0x1C01  }
0x103: {  	[timem:s3], [sflag:s2] =	dma.local @!p0 [hbm:s0], s1  }
0x104: {  	s0 =	simm.s32 @!p0 $0x1  }
0x105: {  	_ =	swait.ge @!p0 [sflag:s0], s1  }
0x106: {  	s1 =	ssub.s32 @!p0 $0x0, s1;
	[sflag:s0] =	ssyncset.done @!p0 $0x0  }
0x107: {  	[sflag:s0] =	ssyncadd.s32 @!p0 s1  }
0x108: {  	[bflag:$0x3] =	sbarrier.arrive $0xFFFF  }
0x109: {  	_ =	shalt  }

</sc_bundles>
